<compile_context>
chip_gen: v7x
topology: tpu7x:2x2x1
jax: 0.10.2.dev20260603
libtpu: 0.0.44.dev20260713+nightly
codegen_flags: <defaults>
</compile_context>

<pallas_src>
import functools

import jax
import jax.numpy as jnp
from jax import lax
from jax.experimental import pallas as pl
from jax.experimental.pallas import tpu as pltpu
from jax.experimental.pallas import tpu_sc as plsc

N = 1600000
SEG = 50000
NC, NS, L = 2, 16, 16
NW = NC * NS
CHUNK = N // NW
BLK = 10000
NBLK = CHUNK // BLK
GRP = BLK // L
SLICE = 3136
PAD_SEG = NS * SLICE
HALF = N // 2
FB = 2048
FGRP = FB // L

_mesh = plsc.VectorSubcoreMesh(core_axis_name="c", subcore_axis_name="s")
_params = pltpu.CompilerParams(needs_layout_passes=False)


@functools.partial(
    pl.kernel,
    out_type=jax.ShapeDtypeStruct((N,), jnp.float32),
    mesh=_mesh,
    compiler_params=_params,
    scratch_types=[
        pltpu.VMEM((BLK,), jnp.float32),
        pltpu.VMEM((BLK,), jnp.float32),
        pltpu.VMEM((BLK,), jnp.int32),
        pltpu.VMEM((BLK,), jnp.float32),
        pltpu.VMEM((BLK,), jnp.float32),
        pltpu.VMEM((BLK,), jnp.int32),
        pltpu.VMEM((BLK,), jnp.int32),
        pltpu.VMEM((16,), jnp.int32),
        pltpu.VMEM((16,), jnp.float32),
        pltpu.VMEM((16,), jnp.float32),
        pltpu.VMEM((PAD_SEG,), jnp.float32),
        pltpu.VMEM_SHARED((PAD_SEG,), jnp.float32),
        pltpu.VMEM_SHARED((PAD_SEG,), jnp.float32),
        pltpu.VMEM_SHARED((PAD_SEG,), jnp.float32),
        pltpu.SemaphoreType.DMA,
        pltpu.SemaphoreType.DMA,
        pltpu.SemaphoreType.DMA,
        pltpu.SemaphoreType.DMA,
    ],
)
def _fused(e_hbm, h_hbm, fc_hbm, sid_hbm, out_hbm, ev0, hv0, sidv0,
           ev1, hv1, sidv1, fcv, fixidx, fixA, fixB, pmfull,
           accA, accB, pm_sh, sin0, sin1, ssc0, ssc1):
    c = lax.axis_index("c")
    s = lax.axis_index("s")
    wid = c * NS + s
    bufs = [(ev0, hv0, sidv0, sin0, ssc0),
            (ev1, hv1, sidv1, sin1, ssc1)]

    @plsc.parallel_loop(0, SLICE // 16, unroll=4)
    def _zfill(j):
        ev0[pl.ds(j * 16, 16)] = jnp.zeros((16,), jnp.float32)
    pltpu.sync_copy(ev0.at[pl.ds(0, SLICE)], accA.at[pl.ds(s * SLICE, SLICE)])
    pltpu.sync_copy(ev0.at[pl.ds(0, SLICE)], accB.at[pl.ds(s * SLICE, SLICE)])
    plsc.subcore_barrier()

    def _start_in(blk):
        ev, hv, sidv, sin, _ = bufs[blk % 2]
        st = wid * CHUNK + blk * BLK
        return [pltpu.async_copy(e_hbm.at[pl.ds(st, BLK)], ev, sin),
                pltpu.async_copy(h_hbm.at[pl.ds(st, BLK)], hv, sin),
                pltpu.async_copy(sid_hbm.at[pl.ds(st, BLK)], sidv, sin)]

    def _start_fc(blk):
        st = wid * CHUNK + blk * BLK
        return pltpu.async_copy(fc_hbm.at[pl.ds(st, BLK)], fcv, sin0)

    in_cps = {0: _start_in(0)}
    fc_cp = _start_fc(0)
    sc_cps = {}
    for blk in range(NBLK):
        ev, hv, sidv, sin, ssc = bufs[blk % 2]
        for cp in in_cps.pop(blk):
            cp.wait()
        fc_cp.wait()
        if blk + 1 < NBLK:
            if blk - 1 >= 0:
                for cp in sc_cps.pop(blk - 1):
                    cp.wait()
            in_cps[blk + 1] = _start_in(blk + 1)

        @plsc.parallel_loop(0, GRP, unroll=5)
        def _grp(j):
            d = pl.ds(j * 16, 16)
            inv = 1.0 / hv[d]
            ev[d] = inv * ev[d] + fcv[d].astype(jnp.float32)
            hv[d] = inv

        if blk + 1 < NBLK:
            fc_cp = _start_fc(blk + 1)
        sc_cps[blk] = [
            pltpu.async_copy(ev, accA.at[sidv], ssc, add=True),
            pltpu.async_copy(hv, accB.at[sidv], ssc, add=True),
        ]
    for blk in sorted(sc_cps):
        for cp in sc_cps.pop(blk):
            cp.wait()

    plsc.subcore_barrier()

    @pl.when(s == 0)
    def _fixup():
        pltpu.sync_copy(sid_hbm.at[pl.ds(HALF - 8, 16)], fixidx)
        bv = fixidx[pl.ds(0, 16)]
        sid_l = bv[7]
        sid_r = bv[8]

        @pl.when(sid_l == sid_r)
        def _straddle():
            sv = jnp.full((16,), sid_l, jnp.int32)
            fwd = c == 0

            def _cond(carry):
                t, go, _, _ = carry
                return go & (t < HALF // FB)

            def _body(carry):
                t, go, vA, vB = carry
                off = jnp.where(fwd, HALF + t * FB, HALF - (t + 1) * FB)
                pltpu.sync_copy(e_hbm.at[pl.ds(off, FB)], ev0.at[pl.ds(0, FB)])
                pltpu.sync_copy(h_hbm.at[pl.ds(off, FB)], hv0.at[pl.ds(0, FB)])
                pltpu.sync_copy(fc_hbm.at[pl.ds(off, FB)], fcv.at[pl.ds(0, FB)])
                pltpu.sync_copy(sid_hbm.at[pl.ds(off, FB)], sidv0.at[pl.ds(0, FB)])

                def _fgrp(j, fcarry):
                    fvA, fvB, nmatch = fcarry
                    d = pl.ds(j * 16, 16)
                    m = sidv0[d] == sv
                    inv = 1.0 / hv0[d]
                    val = inv * ev0[d] + fcv[d].astype(jnp.float32)
                    zf = jnp.zeros((16,), jnp.float32)
                    fvA = fvA + jnp.where(m, val, zf)
                    fvB = fvB + jnp.where(m, inv, zf)
                    nmatch = nmatch + jnp.sum(m.astype(jnp.int32))
                    return fvA, fvB, nmatch

                vA, vB, nmatch = lax.fori_loop(
                    0, FGRP, _fgrp, (vA, vB, jnp.int32(0)))
                return t + 1, go & (nmatch == FB), vA, vB

            zf16 = jnp.zeros((16,), jnp.float32)
            _, _, vA, vB = lax.while_loop(
                _cond, _body, (jnp.int32(0), jnp.bool_(True), zf16, zf16))

            lane = lax.iota(jnp.int32, 16)
            first = (lane == 0).astype(jnp.float32)
            fixidx[:] = sv
            fixA[:] = jnp.sum(vA) * first
            fixB[:] = jnp.sum(vB) * first
            pltpu.sync_copy(fixA, accA.at[fixidx], add=True)
            pltpu.sync_copy(fixB, accB.at[fixidx], add=True)

    plsc.subcore_barrier()

    sl = pl.ds(s * SLICE, SLICE)
    pltpu.sync_copy(accA.at[sl], ev0.at[pl.ds(0, SLICE)])
    pltpu.sync_copy(accB.at[sl], hv0.at[pl.ds(0, SLICE)])

    @plsc.parallel_loop(0, SLICE // 16, unroll=4)
    def _pm(j):
        d = pl.ds(j * 16, 16)
        ev1[d] = ev0[d] / hv0[d]
    pltpu.sync_copy(ev1.at[pl.ds(0, SLICE)], pm_sh.at[sl])
    plsc.subcore_barrier()

    pltpu.sync_copy(pm_sh, pmfull)

    in_cps = {0: _start_in(0)}
    st_cps = {}
    for blk in range(NBLK):
        ev, hv, sidv, sin, ssc = bufs[blk % 2]
        for cp in in_cps.pop(blk):
            cp.wait()
        if blk + 1 < NBLK:
            if blk - 1 >= 0:
                for cp in st_cps.pop(blk - 1):
                    cp.wait()
            in_cps[blk + 1] = _start_in(blk + 1)

        @plsc.parallel_loop(0, GRP, unroll=5)
        def _out(j):
            d = pl.ds(j * 16, 16)
            pmg = plsc.load_gather(pmfull, [sidv[d]])
            inv = 1.0 / hv[d]
            ev[d] = inv * (pmg - ev[d])

        st = wid * CHUNK + blk * BLK
        st_cps[blk] = [pltpu.async_copy(ev, out_hbm.at[pl.ds(st, BLK)], ssc)]
    for blk in sorted(st_cps):
        for cp in st_cps.pop(blk):
            cp.wait()


@jax.jit
def kernel(x, formal_charge, segment_ids):
    sid = segment_ids.astype(jnp.int32)
    fc = formal_charge.astype(jnp.int32)
    e = x[:, 0]
    h = x[:, 1]
    charges = _fused(e, h, fc, sid)
    return charges.reshape(-1, 1)

# --- scband reference (transcript-rebuilt; emitter-appended) ---
"""Pipeline reference for scband-compute-partial-charges-81870666596489 (READ-ONLY COPY).

The authoritative reference and input builder live on the scoring server;
editing this copy changes nothing except your own understanding.
"""

import jax, jax.numpy as jnp
import numpy as np

N = 1600000
NUM_SEGMENTS = 50000

def setup_inputs(seed: int = 0) -> dict:
    key = jax.random.key(seed)
    k1, k2, k3 = jax.random.split(key, 3)
    # x[:, 0] = electronegativity, x[:, 1] = hardness (shifted away from 0 so 1/h is well-conditioned)
    x = jax.random.uniform(k1, (N, 2), dtype=jnp.float32)
    x = x.at[:, 1].add(0.5)
    formal_charge = jax.random.randint(k2, (N,), 0, 2, dtype=jnp.int32)
    segment_ids = jnp.sort(jax.random.randint(k3, (N,), 0, NUM_SEGMENTS, dtype=jnp.int64))
    return {"x": x, "formal_charge": formal_charge, "segment_ids": segment_ids}

def reference(x, formal_charge, segment_ids):
    # Faithful vectorized translation of ComputePartialCharges.forward:
    # the original loops over molecules in a batched DGL graph; here molecules
    # are encoded by sorted segment_ids and the per-molecule reductions become
    # segment sums (SparseCore-friendly).
    electronegativity = x[:, 0]
    hardness = x[:, 1]
    inverse_hardness = 1.0 / hardness
    # per-molecule total formal charge (graph.ndata['formal_charge'].sum() per mol)
    total_charge = jax.ops.segment_sum(formal_charge.astype(jnp.float32), segment_ids, num_segments=NUM_SEGMENTS)
    # per-molecule dot(inverse_hardness, electronegativity)
    seg_dot = jax.ops.segment_sum(inverse_hardness * electronegativity, segment_ids, num_segments=NUM_SEGMENTS)
    # per-molecule sum(inverse_hardness)
    seg_sum_invh = jax.ops.segment_sum(inverse_hardness, segment_ids, num_segments=NUM_SEGMENTS)
    per_mol = (seg_dot + total_charge) / seg_sum_invh
    charges = -inverse_hardness * electronegativity + inverse_hardness * per_mol[segment_ids]
    return charges.reshape(-1, 1)

if __name__ == "__main__":
    import jax
    _d = setup_inputs()
    print(jax.jit(kernel)(*tuple(_d.values())))

</pallas_src>

<mosaic_0001>
#map = affine_map<(d0, d1) -> (0)>
module attributes {stable_mosaic.version = 14 : i64} {
  func.func @_fused(%arg0: i32, %arg1: i32, %arg2: memref<1600000xf32, #tpu.memory_space<hbm>>, %arg3: memref<1600000xf32, #tpu.memory_space<hbm>>, %arg4: memref<1600000xi32, #tpu.memory_space<hbm>>, %arg5: memref<1600000xi32, #tpu.memory_space<hbm>>, %arg6: memref<1600000xf32, #tpu.memory_space<hbm>>, %arg7: memref<10000xf32, #tpu.memory_space<vmem>>, %arg8: memref<10000xf32, #tpu.memory_space<vmem>>, %arg9: memref<10000xi32, #tpu.memory_space<vmem>>, %arg10: memref<10000xf32, #tpu.memory_space<vmem>>, %arg11: memref<10000xf32, #tpu.memory_space<vmem>>, %arg12: memref<10000xi32, #tpu.memory_space<vmem>>, %arg13: memref<10000xi32, #tpu.memory_space<vmem>>, %arg14: memref<16xi32, #tpu.memory_space<vmem>>, %arg15: memref<16xf32, #tpu.memory_space<vmem>>, %arg16: memref<16xf32, #tpu.memory_space<vmem>>, %arg17: memref<50176xf32, #tpu.memory_space<vmem>>, %arg18: memref<50176xf32, #tpu.memory_space<vmem_shared>>, %arg19: memref<50176xf32, #tpu.memory_space<vmem_shared>>, %arg20: memref<50176xf32, #tpu.memory_space<vmem_shared>>, %arg21: memref<!tpu.dma_semaphore, #tpu.memory_space<semaphore_mem>>, %arg22: memref<!tpu.dma_semaphore, #tpu.memory_space<semaphore_mem>>, %arg23: memref<!tpu.dma_semaphore, #tpu.memory_space<semaphore_mem>>, %arg24: memref<!tpu.dma_semaphore, #tpu.memory_space<semaphore_mem>>) attributes {dimension_semantics = [#tpu.dimension_semantics<core_parallel>, #tpu.dimension_semantics<subcore_parallel>], iteration_bounds = array<i64: 2, 16>, scalar_prefetch = 0 : i64, scratch_operands = 18 : i64, tpu.core_type = #tpu.core_type<sc_vector_subcore>, window_params = [{transform_indices = #map}, {transform_indices = #map}, {transform_indices = #map}, {transform_indices = #map}, {transform_indices = #map}]} {
    %mul3A = arith.constant 16 : i32
    %mul3A_0 = arith.muli %arg0, %mul3A : i32
    %add3A = arith.addi %mul3A_0, %arg1 : i32
    %parallel_loop3A = arith.constant 0 : i32
    %parallel_loop3A_1 = arith.constant 196 : i32
    %parallel_loop3A_2 = arith.constant 1 : i32
    scf.for %parallel_loop3A_325 = %parallel_loop3A to %parallel_loop3A_1 step %parallel_loop3A_2  : i32 {
      %parallel_loop3A_326 = arith.constant 0.000000e+00 : f32
      %parallel_loop3A_327 = vector.broadcast %parallel_loop3A_326 : f32 to vector<16xf32>
      %parallel_loop3A_328 = arith.constant 16 : i32
      %parallel_loop3A_329 = arith.muli %parallel_loop3A_325, %parallel_loop3A_328 : i32
      %parallel_loop3A_330 = arith.index_cast %parallel_loop3A_329 : i32 to index
      %parallel_loop3A_331 = tpu.vector_load %arg7[%parallel_loop3A_330] {strides = array<i32>} : memref<10000xf32, #tpu.memory_space<vmem>>, vector<16xf32>,
      tpu.vector_store %arg7[%parallel_loop3A_330], %parallel_loop3A_327 {strides = array<i32>} : memref<10000xf32, #tpu.memory_space<vmem>>, vector<16xf32>,
    } {sc.loop_unroll_factor = 4 : i64, sc.parallel_access}
    %mul3A_3 = arith.constant 3136 : i32
    %mul3A_4 = arith.muli %arg1, %mul3A_3 : i32
    "tpu.region"() ({
      %run_scoped3A = tpu.sem_alloc : memref<!tpu.dma_semaphore, #tpu.memory_space<semaphore_mem>>
      %dma_start3A_325 = arith.constant 0 : i32
      %dma_start3A_326 = tpu.memref_slice %arg7[%dma_start3A_325] : memref<10000xf32, #tpu.memory_space<vmem>> -> memref<3136xf32, #tpu.memory_space<vmem>>
      %dma_start3A_327 = tpu.memref_slice %arg18[%mul3A_4] : memref<50176xf32, #tpu.memory_space<vmem_shared>> -> memref<3136xf32, #tpu.memory_space<vmem_shared>>
      %dma_start3A_328 = tpu.memref_slice %arg18[%mul3A_4] : memref<50176xf32, #tpu.memory_space<vmem_shared>> -> memref<3136xf32, #tpu.memory_space<vmem_shared>>
      %dma_start3A_329 = arith.constant 0 : i32
      %dma_start3A_330 = tpu.memref_slice %arg7[%dma_start3A_329] : memref<10000xf32, #tpu.memory_space<vmem>> -> memref<3136xf32, #tpu.memory_space<vmem>>
      tpu.enqueue_dma source(%dma_start3A_330 : memref<3136xf32, #tpu.memory_space<vmem>>) target(%dma_start3A_328 : memref<3136xf32, #tpu.memory_space<vmem_shared>>) target_semaphore(%run_scoped3A : memref<!tpu.dma_semaphore, #tpu.memory_space<semaphore_mem>>)
      %dma_wait3A_331 = arith.constant 0 : i32
      %dma_wait3A_332 = tpu.memref_slice %arg7[%dma_wait3A_331] : memref<10000xf32, #tpu.memory_space<vmem>> -> memref<3136xf32, #tpu.memory_space<vmem>>
      %dma_wait3A_333 = tpu.memref_slice %arg18[%mul3A_4] : memref<50176xf32, #tpu.memory_space<vmem_shared>> -> memref<3136xf32, #tpu.memory_space<vmem_shared>>
      %dma_wait3A_334 = tpu.memref_slice %arg18[%mul3A_4] : memref<50176xf32, #tpu.memory_space<vmem_shared>> -> memref<3136xf32, #tpu.memory_space<vmem_shared>>
      %dma_wait3A_335 = arith.constant 0 : i32
      %dma_wait3A_336 = tpu.memref_slice %arg7[%dma_wait3A_335] : memref<10000xf32, #tpu.memory_space<vmem>> -> memref<3136xf32, #tpu.memory_space<vmem>>
      tpu.wait_dma2 semaphore(%run_scoped3A : memref<!tpu.dma_semaphore, #tpu.memory_space<semaphore_mem>>) src(%dma_wait3A_336 : memref<3136xf32, #tpu.memory_space<vmem>>) dst(%dma_wait3A_334 : memref<3136xf32, #tpu.memory_space<vmem_shared>>)
      tpu.yield
    }) : () -> ()
    %mul3A_5 = arith.constant 3136 : i32
    %mul3A_6 = arith.muli %arg1, %mul3A_5 : i32
    "tpu.region"() ({
      %run_scoped3A = tpu.sem_alloc : memref<!tpu.dma_semaphore, #tpu.memory_space<semaphore_mem>>
      %dma_start3A_325 = arith.constant 0 : i32
      %dma_start3A_326 = tpu.memref_slice %arg7[%dma_start3A_325] : memref<10000xf32, #tpu.memory_space<vmem>> -> memref<3136xf32, #tpu.memory_space<vmem>>
      %dma_start3A_327 = tpu.memref_slice %arg19[%mul3A_6] : memref<50176xf32, #tpu.memory_space<vmem_shared>> -> memref<3136xf32, #tpu.memory_space<vmem_shared>>
      %dma_start3A_328 = tpu.memref_slice %arg19[%mul3A_6] : memref<50176xf32, #tpu.memory_space<vmem_shared>> -> memref<3136xf32, #tpu.memory_space<vmem_shared>>
      %dma_start3A_329 = arith.constant 0 : i32
      %dma_start3A_330 = tpu.memref_slice %arg7[%dma_start3A_329] : memref<10000xf32, #tpu.memory_space<vmem>> -> memref<3136xf32, #tpu.memory_space<vmem>>
      tpu.enqueue_dma source(%dma_start3A_330 : memref<3136xf32, #tpu.memory_space<vmem>>) target(%dma_start3A_328 : memref<3136xf32, #tpu.memory_space<vmem_shared>>) target_semaphore(%run_scoped3A : memref<!tpu.dma_semaphore, #tpu.memory_space<semaphore_mem>>)
      %dma_wait3A_331 = arith.constant 0 : i32
      %dma_wait3A_332 = tpu.memref_slice %arg7[%dma_wait3A_331] : memref<10000xf32, #tpu.memory_space<vmem>> -> memref<3136xf32, #tpu.memory_space<vmem>>
      %dma_wait3A_333 = tpu.memref_slice %arg19[%mul3A_6] : memref<50176xf32, #tpu.memory_space<vmem_shared>> -> memref<3136xf32, #tpu.memory_space<vmem_shared>>
      %dma_wait3A_334 = tpu.memref_slice %arg19[%mul3A_6] : memref<50176xf32, #tpu.memory_space<vmem_shared>> -> memref<3136xf32, #tpu.memory_space<vmem_shared>>
      %dma_wait3A_335 = arith.constant 0 : i32
      %dma_wait3A_336 = tpu.memref_slice %arg7[%dma_wait3A_335] : memref<10000xf32, #tpu.memory_space<vmem>> -> memref<3136xf32, #tpu.memory_space<vmem>>
      tpu.wait_dma2 semaphore(%run_scoped3A : memref<!tpu.dma_semaphore, #tpu.memory_space<semaphore_mem>>) src(%dma_wait3A_336 : memref<3136xf32, #tpu.memory_space<vmem>>) dst(%dma_wait3A_334 : memref<3136xf32, #tpu.memory_space<vmem_shared>>)
      tpu.yield
    }) : () -> ()
    %barrier3A = arith.constant 0 : index
    tpu.barrier barrier_id(%barrier3A)
    %mul3A_7 = arith.constant 50000 : i32
    %mul3A_8 = arith.muli %add3A, %mul3A_7 : i32
    %add3A_9 = arith.constant 0 : i32
    %add3A_10 = arith.addi %mul3A_8, %add3A_9 : i32
    %dma_start3A = tpu.memref_slice %arg2[%add3A_10] : memref<1600000xf32, #tpu.memory_space<hbm>> -> memref<10000xf32, #tpu.memory_space<hbm>>
    %dma_start3A_11 = tpu.memref_slice %arg2[%add3A_10] : memref<1600000xf32, #tpu.memory_space<hbm>> -> memref<10000xf32, #tpu.memory_space<hbm>>
    tpu.enqueue_dma source(%dma_start3A_11 : memref<10000xf32, #tpu.memory_space<hbm>>) target(%arg7 : memref<10000xf32, #tpu.memory_space<vmem>>) target_semaphore(%arg21 : memref<!tpu.dma_semaphore, #tpu.memory_space<semaphore_mem>>)
    %dma_start3A_12 = tpu.memref_slice %arg3[%add3A_10] : memref<1600000xf32, #tpu.memory_space<hbm>> -> memref<10000xf32, #tpu.memory_space<hbm>>
    %dma_start3A_13 = tpu.memref_slice %arg3[%add3A_10] : memref<1600000xf32, #tpu.memory_space<hbm>> -> memref<10000xf32, #tpu.memory_space<hbm>>
    tpu.enqueue_dma source(%dma_start3A_13 : memref<10000xf32, #tpu.memory_space<hbm>>) target(%arg8 : memref<10000xf32, #tpu.memory_space<vmem>>) target_semaphore(%arg21 : memref<!tpu.dma_semaphore, #tpu.memory_space<semaphore_mem>>)
    %dma_start3A_14 = tpu.memref_slice %arg5[%add3A_10] : memref<1600000xi32, #tpu.memory_space<hbm>> -> memref<10000xi32, #tpu.memory_space<hbm>>
    %dma_start3A_15 = tpu.memref_slice %arg5[%add3A_10] : memref<1600000xi32, #tpu.memory_space<hbm>> -> memref<10000xi32, #tpu.memory_space<hbm>>
    tpu.enqueue_dma source(%dma_start3A_15 : memref<10000xi32, #tpu.memory_space<hbm>>) target(%arg9 : memref<10000xi32, #tpu.memory_space<vmem>>) target_semaphore(%arg21 : memref<!tpu.dma_semaphore, #tpu.memory_space<semaphore_mem>>)
    %mul3A_16 = arith.constant 50000 : i32
    %mul3A_17 = arith.muli %add3A, %mul3A_16 : i32
    %add3A_18 = arith.constant 0 : i32
    %add3A_19 = arith.addi %mul3A_17, %add3A_18 : i32
    %dma_start3A_20 = tpu.memref_slice %arg4[%add3A_19] : memref<1600000xi32, #tpu.memory_space<hbm>> -> memref<10000xi32, #tpu.memory_space<hbm>>
    %dma_start3A_21 = tpu.memref_slice %arg4[%add3A_19] : memref<1600000xi32, #tpu.memory_space<hbm>> -> memref<10000xi32, #tpu.memory_space<hbm>>
    tpu.enqueue_dma source(%dma_start3A_21 : memref<10000xi32, #tpu.memory_space<hbm>>) target(%arg13 : memref<10000xi32, #tpu.memory_space<vmem>>) target_semaphore(%arg21 : memref<!tpu.dma_semaphore, #tpu.memory_space<semaphore_mem>>)
    %dma_wait3A = tpu.memref_slice %arg2[%add3A_10] : memref<1600000xf32, #tpu.memory_space<hbm>> -> memref<10000xf32, #tpu.memory_space<hbm>>
    %dma_wait3A_22 = tpu.memref_slice %arg2[%add3A_10] : memref<1600000xf32, #tpu.memory_space<hbm>> -> memref<10000xf32, #tpu.memory_space<hbm>>
    tpu.wait_dma2 semaphore(%arg21 : memref<!tpu.dma_semaphore, #tpu.memory_space<semaphore_mem>>) src(%dma_wait3A_22 : memref<10000xf32, #tpu.memory_space<hbm>>) dst(%arg7 : memref<10000xf32, #tpu.memory_space<vmem>>)
    %dma_wait3A_23 = tpu.memref_slice %arg3[%add3A_10] : memref<1600000xf32, #tpu.memory_space<hbm>> -> memref<10000xf32, #tpu.memory_space<hbm>>
    %dma_wait3A_24 = tpu.memref_slice %arg3[%add3A_10] : memref<1600000xf32, #tpu.memory_space<hbm>> -> memref<10000xf32, #tpu.memory_space<hbm>>
    tpu.wait_dma2 semaphore(%arg21 : memref<!tpu.dma_semaphore, #tpu.memory_space<semaphore_mem>>) src(%dma_wait3A_24 : memref<10000xf32, #tpu.memory_space<hbm>>) dst(%arg8 : memref<10000xf32, #tpu.memory_space<vmem>>)
    %dma_wait3A_25 = tpu.memref_slice %arg5[%add3A_10] : memref<1600000xi32, #tpu.memory_space<hbm>> -> memref<10000xi32, #tpu.memory_space<hbm>>
    %dma_wait3A_26 = tpu.memref_slice %arg5[%add3A_10] : memref<1600000xi32, #tpu.memory_space<hbm>> -> memref<10000xi32, #tpu.memory_space<hbm>>
    tpu.wait_dma2 semaphore(%arg21 : memref<!tpu.dma_semaphore, #tpu.memory_space<semaphore_mem>>) src(%dma_wait3A_26 : memref<10000xi32, #tpu.memory_space<hbm>>) dst(%arg9 : memref<10000xi32, #tpu.memory_space<vmem>>)
    %dma_wait3A_27 = tpu.memref_slice %arg4[%add3A_19] : memref<1600000xi32, #tpu.memory_space<hbm>> -> memref<10000xi32, #tpu.memory_space<hbm>>
    %dma_wait3A_28 = tpu.memref_slice %arg4[%add3A_19] : memref<1600000xi32, #tpu.memory_space<hbm>> -> memref<10000xi32, #tpu.memory_space<hbm>>
    tpu.wait_dma2 semaphore(%arg21 : memref<!tpu.dma_semaphore, #tpu.memory_space<semaphore_mem>>) src(%dma_wait3A_28 : memref<10000xi32, #tpu.memory_space<hbm>>) dst(%arg13 : memref<10000xi32, #tpu.memory_space<vmem>>)
    %mul3A_29 = arith.constant 50000 : i32
    %mul3A_30 = arith.muli %add3A, %mul3A_29 : i32
    %add3A_31 = arith.constant 10000 : i32
    %add3A_32 = arith.addi %mul3A_30, %add3A_31 : i32
    %dma_start3A_33 = tpu.memref_slice %arg2[%add3A_32] : memref<1600000xf32, #tpu.memory_space<hbm>> -> memref<10000xf32, #tpu.memory_space<hbm>>
    %dma_start3A_34 = tpu.memref_slice %arg2[%add3A_32] : memref<1600000xf32, #tpu.memory_space<hbm>> -> memref<10000xf32, #tpu.memory_space<hbm>>
    tpu.enqueue_dma source(%dma_start3A_34 : memref<10000xf32, #tpu.memory_space<hbm>>) target(%arg10 : memref<10000xf32, #tpu.memory_space<vmem>>) target_semaphore(%arg22 : memref<!tpu.dma_semaphore, #tpu.memory_space<semaphore_mem>>)
    %dma_start3A_35 = tpu.memref_slice %arg3[%add3A_32] : memref<1600000xf32, #tpu.memory_space<hbm>> -> memref<10000xf32, #tpu.memory_space<hbm>>
    %dma_start3A_36 = tpu.memref_slice %arg3[%add3A_32] : memref<1600000xf32, #tpu.memory_space<hbm>> -> memref<10000xf32, #tpu.memory_space<hbm>>
    tpu.enqueue_dma source(%dma_start3A_36 : memref<10000xf32, #tpu.memory_space<hbm>>) target(%arg11 : memref<10000xf32, #tpu.memory_space<vmem>>) target_semaphore(%arg22 : memref<!tpu.dma_semaphore, #tpu.memory_space<semaphore_mem>>)
    %dma_start3A_37 = tpu.memref_slice %arg5[%add3A_32] : memref<1600000xi32, #tpu.memory_space<hbm>> -> memref<10000xi32, #tpu.memory_space<hbm>>
    %dma_start3A_38 = tpu.memref_slice %arg5[%add3A_32] : memref<1600000xi32, #tpu.memory_space<hbm>> -> memref<10000xi32, #tpu.memory_space<hbm>>
    tpu.enqueue_dma source(%dma_start3A_38 : memref<10000xi32, #tpu.memory_space<hbm>>) target(%arg12 : memref<10000xi32, #tpu.memory_space<vmem>>) target_semaphore(%arg22 : memref<!tpu.dma_semaphore, #tpu.memory_space<semaphore_mem>>)
    %parallel_loop3A_39 = arith.constant 0 : i32
    %parallel_loop3A_40 = arith.constant 625 : i32
    %parallel_loop3A_41 = arith.constant 1 : i32
    scf.for %parallel_loop3A_325 = %parallel_loop3A_39 to %parallel_loop3A_40 step %parallel_loop3A_41  : i32 {
      %parallel_loop3A_326 = arith.constant 16 : i32
      %parallel_loop3A_327 = arith.muli %parallel_loop3A_325, %parallel_loop3A_326 : i32
      %parallel_loop3A_328 = arith.index_cast %parallel_loop3A_327 : i32 to index
      %parallel_loop3A_329 = tpu.vector_load %arg8[%parallel_loop3A_328] {strides = array<i32>} : memref<10000xf32, #tpu.memory_space<vmem>>, vector<16xf32>,
      %parallel_loop3A_330 = arith.constant 1.000000e+00 : f32
      %parallel_loop3A_331 = vector.broadcast %parallel_loop3A_330 : f32 to vector<16xf32>
      %parallel_loop3A_332 = arith.divf %parallel_loop3A_331, %parallel_loop3A_329 : vector<16xf32>
      %parallel_loop3A_333 = arith.index_cast %parallel_loop3A_327 : i32 to index
      %parallel_loop3A_334 = tpu.vector_load %arg7[%parallel_loop3A_333] {strides = array<i32>} : memref<10000xf32, #tpu.memory_space<vmem>>, vector<16xf32>,
      %parallel_loop3A_335 = arith.mulf %parallel_loop3A_332, %parallel_loop3A_334 : vector<16xf32>
      %parallel_loop3A_336 = arith.index_cast %parallel_loop3A_327 : i32 to index
      %parallel_loop3A_337 = tpu.vector_load %arg13[%parallel_loop3A_336] {strides = array<i32>} : memref<10000xi32, #tpu.memory_space<vmem>>, vector<16xi32>,
      %parallel_loop3A_338 = arith.sitofp %parallel_loop3A_337 : vector<16xi32> to vector<16xf32>
      %parallel_loop3A_339 = arith.addf %parallel_loop3A_335, %parallel_loop3A_338 : vector<16xf32>
      %parallel_loop3A_340 = arith.index_cast %parallel_loop3A_327 : i32 to index
      %parallel_loop3A_341 = tpu.vector_load %arg7[%parallel_loop3A_340] {strides = array<i32>} : memref<10000xf32, #tpu.memory_space<vmem>>, vector<16xf32>,
      tpu.vector_store %arg7[%parallel_loop3A_340], %parallel_loop3A_339 {strides = array<i32>} : memref<10000xf32, #tpu.memory_space<vmem>>, vector<16xf32>,
      %parallel_loop3A_342 = arith.index_cast %parallel_loop3A_327 : i32 to index
      %parallel_loop3A_343 = tpu.vector_load %arg8[%parallel_loop3A_342] {strides = array<i32>} : memref<10000xf32, #tpu.memory_space<vmem>>, vector<16xf32>,
      tpu.vector_store %arg8[%parallel_loop3A_342], %parallel_loop3A_332 {strides = array<i32>} : memref<10000xf32, #tpu.memory_space<vmem>>, vector<16xf32>,
    } {sc.loop_unroll_factor = 5 : i64, sc.parallel_access}
    %mul3A_42 = arith.constant 50000 : i32
    %mul3A_43 = arith.muli %add3A, %mul3A_42 : i32
    %add3A_44 = arith.constant 10000 : i32
    %add3A_45 = arith.addi %mul3A_43, %add3A_44 : i32
    %dma_start3A_46 = tpu.memref_slice %arg4[%add3A_45] : memref<1600000xi32, #tpu.memory_space<hbm>> -> memref<10000xi32, #tpu.memory_space<hbm>>
    %dma_start3A_47 = tpu.memref_slice %arg4[%add3A_45] : memref<1600000xi32, #tpu.memory_space<hbm>> -> memref<10000xi32, #tpu.memory_space<hbm>>
    tpu.enqueue_dma source(%dma_start3A_47 : memref<10000xi32, #tpu.memory_space<hbm>>) target(%arg13 : memref<10000xi32, #tpu.memory_space<vmem>>) target_semaphore(%arg21 : memref<!tpu.dma_semaphore, #tpu.memory_space<semaphore_mem>>)
    %dma_start3A_48 = arith.constant 0 : i32
    %dma_start3A_49 = tpu.memref_slice %arg18[%dma_start3A_48] : memref<50176xf32, #tpu.memory_space<vmem_shared>> -> memref<50176xf32, #tpu.memory_space<vmem_shared>>
    tpu.enqueue_indirect_dma source(%arg7 : memref<10000xf32, #tpu.memory_space<vmem>>) target(%dma_start3A_49 : memref<50176xf32, #tpu.memory_space<vmem_shared>>) offsets(%arg9 : memref<10000xi32, #tpu.memory_space<vmem>>) semaphore(%arg23 : memref<!tpu.dma_semaphore, #tpu.memory_space<semaphore_mem>>) {add = true}
    %dma_start3A_50 = arith.constant 0 : i32
    %dma_start3A_51 = tpu.memref_slice %arg19[%dma_start3A_50] : memref<50176xf32, #tpu.memory_space<vmem_shared>> -> memref<50176xf32, #tpu.memory_space<vmem_shared>>
    tpu.enqueue_indirect_dma source(%arg8 : memref<10000xf32, #tpu.memory_space<vmem>>) target(%dma_start3A_51 : memref<50176xf32, #tpu.memory_space<vmem_shared>>) offsets(%arg9 : memref<10000xi32, #tpu.memory_space<vmem>>) semaphore(%arg23 : memref<!tpu.dma_semaphore, #tpu.memory_space<semaphore_mem>>) {add = true}
    %dma_wait3A_52 = tpu.memref_slice %arg2[%add3A_32] : memref<1600000xf32, #tpu.memory_space<hbm>> -> memref<10000xf32, #tpu.memory_space<hbm>>
    %dma_wait3A_53 = tpu.memref_slice %arg2[%add3A_32] : memref<1600000xf32, #tpu.memory_space<hbm>> -> memref<10000xf32, #tpu.memory_space<hbm>>
    tpu.wait_dma2 semaphore(%arg22 : memref<!tpu.dma_semaphore, #tpu.memory_space<semaphore_mem>>) src(%dma_wait3A_53 : memref<10000xf32, #tpu.memory_space<hbm>>) dst(%arg10 : memref<10000xf32, #tpu.memory_space<vmem>>)
    %dma_wait3A_54 = tpu.memref_slice %arg3[%add3A_32] : memref<1600000xf32, #tpu.memory_space<hbm>> -> memref<10000xf32, #tpu.memory_space<hbm>>
    %dma_wait3A_55 = tpu.memref_slice %arg3[%add3A_32] : memref<1600000xf32, #tpu.memory_space<hbm>> -> memref<10000xf32, #tpu.memory_space<hbm>>
    tpu.wait_dma2 semaphore(%arg22 : memref<!tpu.dma_semaphore, #tpu.memory_space<semaphore_mem>>) src(%dma_wait3A_55 : memref<10000xf32, #tpu.memory_space<hbm>>) dst(%arg11 : memref<10000xf32, #tpu.memory_space<vmem>>)
    %dma_wait3A_56 = tpu.memref_slice %arg5[%add3A_32] : memref<1600000xi32, #tpu.memory_space<hbm>> -> memref<10000xi32, #tpu.memory_space<hbm>>
    %dma_wait3A_57 = tpu.memref_slice %arg5[%add3A_32] : memref<1600000xi32, #tpu.memory_space<hbm>> -> memref<10000xi32, #tpu.memory_space<hbm>>
    tpu.wait_dma2 semaphore(%arg22 : memref<!tpu.dma_semaphore, #tpu.memory_space<semaphore_mem>>) src(%dma_wait3A_57 : memref<10000xi32, #tpu.memory_space<hbm>>) dst(%arg12 : memref<10000xi32, #tpu.memory_space<vmem>>)
    %dma_wait3A_58 = tpu.memref_slice %arg4[%add3A_45] : memref<1600000xi32, #tpu.memory_space<hbm>> -> memref<10000xi32, #tpu.memory_space<hbm>>
    %dma_wait3A_59 = tpu.memref_slice %arg4[%add3A_45] : memref<1600000xi32, #tpu.memory_space<hbm>> -> memref<10000xi32, #tpu.memory_space<hbm>>
    tpu.wait_dma2 semaphore(%arg21 : memref<!tpu.dma_semaphore, #tpu.memory_space<semaphore_mem>>) src(%dma_wait3A_59 : memref<10000xi32, #tpu.memory_space<hbm>>) dst(%arg13 : memref<10000xi32, #tpu.memory_space<vmem>>)
    %dma_wait3A_60 = arith.constant 0 : i32
    %dma_wait3A_61 = tpu.memref_slice %arg18[%dma_wait3A_60] : memref<50176xf32, #tpu.memory_space<vmem_shared>> -> memref<50176xf32, #tpu.memory_space<vmem_shared>>
    tpu.wait_indirect_dma semaphore(%arg23 : memref<!tpu.dma_semaphore, #tpu.memory_space<semaphore_mem>>) src(%arg7 : memref<10000xf32, #tpu.memory_space<vmem>>) dst(%dma_wait3A_61 : memref<50176xf32, #tpu.memory_space<vmem_shared>>)
    %dma_wait3A_62 = arith.constant 0 : i32
    %dma_wait3A_63 = tpu.memref_slice %arg19[%dma_wait3A_62] : memref<50176xf32, #tpu.memory_space<vmem_shared>> -> memref<50176xf32, #tpu.memory_space<vmem_shared>>
    tpu.wait_indirect_dma semaphore(%arg23 : memref<!tpu.dma_semaphore, #tpu.memory_space<semaphore_mem>>) src(%arg8 : memref<10000xf32, #tpu.memory_space<vmem>>) dst(%dma_wait3A_63 : memref<50176xf32, #tpu.memory_space<vmem_shared>>)
    %mul3A_64 = arith.constant 50000 : i32
    %mul3A_65 = arith.muli %add3A, %mul3A_64 : i32
    %add3A_66 = arith.constant 20000 : i32
    %add3A_67 = arith.addi %mul3A_65, %add3A_66 : i32
    %dma_start3A_68 = tpu.memref_slice %arg2[%add3A_67] : memref<1600000xf32, #tpu.memory_space<hbm>> -> memref<10000xf32, #tpu.memory_space<hbm>>
    %dma_start3A_69 = tpu.memref_slice %arg2[%add3A_67] : memref<1600000xf32, #tpu.memory_space<hbm>> -> memref<10000xf32, #tpu.memory_space<hbm>>
    tpu.enqueue_dma source(%dma_start3A_69 : memref<10000xf32, #tpu.memory_space<hbm>>) target(%arg7 : memref<10000xf32, #tpu.memory_space<vmem>>) target_semaphore(%arg21 : memref<!tpu.dma_semaphore, #tpu.memory_space<semaphore_mem>>)
    %dma_start3A_70 = tpu.memref_slice %arg3[%add3A_67] : memref<1600000xf32, #tpu.memory_space<hbm>> -> memref<10000xf32, #tpu.memory_space<hbm>>
    %dma_start3A_71 = tpu.memref_slice %arg3[%add3A_67] : memref<1600000xf32, #tpu.memory_space<hbm>> -> memref<10000xf32, #tpu.memory_space<hbm>>
    tpu.enqueue_dma source(%dma_start3A_71 : memref<10000xf32, #tpu.memory_space<hbm>>) target(%arg8 : memref<10000xf32, #tpu.memory_space<vmem>>) target_semaphore(%arg21 : memref<!tpu.dma_semaphore, #tpu.memory_space<semaphore_mem>>)
    %dma_start3A_72 = tpu.memref_slice %arg5[%add3A_67] : memref<1600000xi32, #tpu.memory_space<hbm>> -> memref<10000xi32, #tpu.memory_space<hbm>>
    %dma_start3A_73 = tpu.memref_slice %arg5[%add3A_67] : memref<1600000xi32, #tpu.memory_space<hbm>> -> memref<10000xi32, #tpu.memory_space<hbm>>
    tpu.enqueue_dma source(%dma_start3A_73 : memref<10000xi32, #tpu.memory_space<hbm>>) target(%arg9 : memref<10000xi32, #tpu.memory_space<vmem>>) target_semaphore(%arg21 : memref<!tpu.dma_semaphore, #tpu.memory_space<semaphore_mem>>)
    %parallel_loop3A_74 = arith.constant 0 : i32
    %parallel_loop3A_75 = arith.constant 625 : i32
    %parallel_loop3A_76 = arith.constant 1 : i32
    scf.for %parallel_loop3A_325 = %parallel_loop3A_74 to %parallel_loop3A_75 step %parallel_loop3A_76  : i32 {
      %parallel_loop3A_326 = arith.constant 16 : i32
      %parallel_loop3A_327 = arith.muli %parallel_loop3A_325, %parallel_loop3A_326 : i32
      %parallel_loop3A_328 = arith.index_cast %parallel_loop3A_327 : i32 to index
      %parallel_loop3A_329 = tpu.vector_load %arg11[%parallel_loop3A_328] {strides = array<i32>} : memref<10000xf32, #tpu.memory_space<vmem>>, vector<16xf32>,
      %parallel_loop3A_330 = arith.constant 1.000000e+00 : f32
      %parallel_loop3A_331 = vector.broadcast %parallel_loop3A_330 : f32 to vector<16xf32>
      %parallel_loop3A_332 = arith.divf %parallel_loop3A_331, %parallel_loop3A_329 : vector<16xf32>
      %parallel_loop3A_333 = arith.index_cast %parallel_loop3A_327 : i32 to index
      %parallel_loop3A_334 = tpu.vector_load %arg10[%parallel_loop3A_333] {strides = array<i32>} : memref<10000xf32, #tpu.memory_space<vmem>>, vector<16xf32>,
      %parallel_loop3A_335 = arith.mulf %parallel_loop3A_332, %parallel_loop3A_334 : vector<16xf32>
      %parallel_loop3A_336 = arith.index_cast %parallel_loop3A_327 : i32 to index
      %parallel_loop3A_337 = tpu.vector_load %arg13[%parallel_loop3A_336] {strides = array<i32>} : memref<10000xi32, #tpu.memory_space<vmem>>, vector<16xi32>,
      %parallel_loop3A_338 = arith.sitofp %parallel_loop3A_337 : vector<16xi32> to vector<16xf32>
      %parallel_loop3A_339 = arith.addf %parallel_loop3A_335, %parallel_loop3A_338 : vector<16xf32>
      %parallel_loop3A_340 = arith.index_cast %parallel_loop3A_327 : i32 to index
      %parallel_loop3A_341 = tpu.vector_load %arg10[%parallel_loop3A_340] {strides = array<i32>} : memref<10000xf32, #tpu.memory_space<vmem>>, vector<16xf32>,
      tpu.vector_store %arg10[%parallel_loop3A_340], %parallel_loop3A_339 {strides = array<i32>} : memref<10000xf32, #tpu.memory_space<vmem>>, vector<16xf32>,
      %parallel_loop3A_342 = arith.index_cast %parallel_loop3A_327 : i32 to index
      %parallel_loop3A_343 = tpu.vector_load %arg11[%parallel_loop3A_342] {strides = array<i32>} : memref<10000xf32, #tpu.memory_space<vmem>>, vector<16xf32>,
      tpu.vector_store %arg11[%parallel_loop3A_342], %parallel_loop3A_332 {strides = array<i32>} : memref<10000xf32, #tpu.memory_space<vmem>>, vector<16xf32>,
    } {sc.loop_unroll_factor = 5 : i64, sc.parallel_access}
    %mul3A_77 = arith.constant 50000 : i32
    %mul3A_78 = arith.muli %add3A, %mul3A_77 : i32
    %add3A_79 = arith.constant 20000 : i32
    %add3A_80 = arith.addi %mul3A_78, %add3A_79 : i32
    %dma_start3A_81 = tpu.memref_slice %arg4[%add3A_80] : memref<1600000xi32, #tpu.memory_space<hbm>> -> memref<10000xi32, #tpu.memory_space<hbm>>
    %dma_start3A_82 = tpu.memref_slice %arg4[%add3A_80] : memref<1600000xi32, #tpu.memory_space<hbm>> -> memref<10000xi32, #tpu.memory_space<hbm>>
    tpu.enqueue_dma source(%dma_start3A_82 : memref<10000xi32, #tpu.memory_space<hbm>>) target(%arg13 : memref<10000xi32, #tpu.memory_space<vmem>>) target_semaphore(%arg21 : memref<!tpu.dma_semaphore, #tpu.memory_space<semaphore_mem>>)
    %dma_start3A_83 = arith.constant 0 : i32
    %dma_start3A_84 = tpu.memref_slice %arg18[%dma_start3A_83] : memref<50176xf32, #tpu.memory_space<vmem_shared>> -> memref<50176xf32, #tpu.memory_space<vmem_shared>>
    tpu.enqueue_indirect_dma source(%arg10 : memref<10000xf32, #tpu.memory_space<vmem>>) target(%dma_start3A_84 : memref<50176xf32, #tpu.memory_space<vmem_shared>>) offsets(%arg12 : memref<10000xi32, #tpu.memory_space<vmem>>) semaphore(%arg24 : memref<!tpu.dma_semaphore, #tpu.memory_space<semaphore_mem>>) {add = true}
    %dma_start3A_85 = arith.constant 0 : i32
    %dma_start3A_86 = tpu.memref_slice %arg19[%dma_start3A_85] : memref<50176xf32, #tpu.memory_space<vmem_shared>> -> memref<50176xf32, #tpu.memory_space<vmem_shared>>
    tpu.enqueue_indirect_dma source(%arg11 : memref<10000xf32, #tpu.memory_space<vmem>>) target(%dma_start3A_86 : memref<50176xf32, #tpu.memory_space<vmem_shared>>) offsets(%arg12 : memref<10000xi32, #tpu.memory_space<vmem>>) semaphore(%arg24 : memref<!tpu.dma_semaphore, #tpu.memory_space<semaphore_mem>>) {add = true}
    %dma_wait3A_87 = tpu.memref_slice %arg2[%add3A_67] : memref<1600000xf32, #tpu.memory_space<hbm>> -> memref<10000xf32, #tpu.memory_space<hbm>>
    %dma_wait3A_88 = tpu.memref_slice %arg2[%add3A_67] : memref<1600000xf32, #tpu.memory_space<hbm>> -> memref<10000xf32, #tpu.memory_space<hbm>>
    tpu.wait_dma2 semaphore(%arg21 : memref<!tpu.dma_semaphore, #tpu.memory_space<semaphore_mem>>) src(%dma_wait3A_88 : memref<10000xf32, #tpu.memory_space<hbm>>) dst(%arg7 : memref<10000xf32, #tpu.memory_space<vmem>>)
    %dma_wait3A_89 = tpu.memref_slice %arg3[%add3A_67] : memref<1600000xf32, #tpu.memory_space<hbm>> -> memref<10000xf32, #tpu.memory_space<hbm>>
    %dma_wait3A_90 = tpu.memref_slice %arg3[%add3A_67] : memref<1600000xf32, #tpu.memory_space<hbm>> -> memref<10000xf32, #tpu.memory_space<hbm>>
    tpu.wait_dma2 semaphore(%arg21 : memref<!tpu.dma_semaphore, #tpu.memory_space<semaphore_mem>>) src(%dma_wait3A_90 : memref<10000xf32, #tpu.memory_space<hbm>>) dst(%arg8 : memref<10000xf32, #tpu.memory_space<vmem>>)
    %dma_wait3A_91 = tpu.memref_slice %arg5[%add3A_67] : memref<1600000xi32, #tpu.memory_space<hbm>> -> memref<10000xi32, #tpu.memory_space<hbm>>
    %dma_wait3A_92 = tpu.memref_slice %arg5[%add3A_67] : memref<1600000xi32, #tpu.memory_space<hbm>> -> memref<10000xi32, #tpu.memory_space<hbm>>
    tpu.wait_dma2 semaphore(%arg21 : memref<!tpu.dma_semaphore, #tpu.memory_space<semaphore_mem>>) src(%dma_wait3A_92 : memref<10000xi32, #tpu.memory_space<hbm>>) dst(%arg9 : memref<10000xi32, #tpu.memory_space<vmem>>)
    %dma_wait3A_93 = tpu.memref_slice %arg4[%add3A_80] : memref<1600000xi32, #tpu.memory_space<hbm>> -> memref<10000xi32, #tpu.memory_space<hbm>>
    %dma_wait3A_94 = tpu.memref_slice %arg4[%add3A_80] : memref<1600000xi32, #tpu.memory_space<hbm>> -> memref<10000xi32, #tpu.memory_space<hbm>>
    tpu.wait_dma2 semaphore(%arg21 : memref<!tpu.dma_semaphore, #tpu.memory_space<semaphore_mem>>) src(%dma_wait3A_94 : memref<10000xi32, #tpu.memory_space<hbm>>) dst(%arg13 : memref<10000xi32, #tpu.memory_space<vmem>>)
    %dma_wait3A_95 = arith.constant 0 : i32
    %dma_wait3A_96 = tpu.memref_slice %arg18[%dma_wait3A_95] : memref<50176xf32, #tpu.memory_space<vmem_shared>> -> memref<50176xf32, #tpu.memory_space<vmem_shared>>
    tpu.wait_indirect_dma semaphore(%arg24 : memref<!tpu.dma_semaphore, #tpu.memory_space<semaphore_mem>>) src(%arg10 : memref<10000xf32, #tpu.memory_space<vmem>>) dst(%dma_wait3A_96 : memref<50176xf32, #tpu.memory_space<vmem_shared>>)
    %dma_wait3A_97 = arith.constant 0 : i32
    %dma_wait3A_98 = tpu.memref_slice %arg19[%dma_wait3A_97] : memref<50176xf32, #tpu.memory_space<vmem_shared>> -> memref<50176xf32, #tpu.memory_space<vmem_shared>>
    tpu.wait_indirect_dma semaphore(%arg24 : memref<!tpu.dma_semaphore, #tpu.memory_space<semaphore_mem>>) src(%arg11 : memref<10000xf32, #tpu.memory_space<vmem>>) dst(%dma_wait3A_98 : memref<50176xf32, #tpu.memory_space<vmem_shared>>)
    %mul3A_99 = arith.constant 50000 : i32
    %mul3A_100 = arith.muli %add3A, %mul3A_99 : i32
    %add3A_101 = arith.constant 30000 : i32
    %add3A_102 = arith.addi %mul3A_100, %add3A_101 : i32
    %dma_start3A_103 = tpu.memref_slice %arg2[%add3A_102] : memref<1600000xf32, #tpu.memory_space<hbm>> -> memref<10000xf32, #tpu.memory_space<hbm>>
    %dma_start3A_104 = tpu.memref_slice %arg2[%add3A_102] : memref<1600000xf32, #tpu.memory_space<hbm>> -> memref<10000xf32, #tpu.memory_space<hbm>>
    tpu.enqueue_dma source(%dma_start3A_104 : memref<10000xf32, #tpu.memory_space<hbm>>) target(%arg10 : memref<10000xf32, #tpu.memory_space<vmem>>) target_semaphore(%arg22 : memref<!tpu.dma_semaphore, #tpu.memory_space<semaphore_mem>>)
    %dma_start3A_105 = tpu.memref_slice %arg3[%add3A_102] : memref<1600000xf32, #tpu.memory_space<hbm>> -> memref<10000xf32, #tpu.memory_space<hbm>>
    %dma_start3A_106 = tpu.memref_slice %arg3[%add3A_102] : memref<1600000xf32, #tpu.memory_space<hbm>> -> memref<10000xf32, #tpu.memory_space<hbm>>
    tpu.enqueue_dma source(%dma_start3A_106 : memref<10000xf32, #tpu.memory_space<hbm>>) target(%arg11 : memref<10000xf32, #tpu.memory_space<vmem>>) target_semaphore(%arg22 : memref<!tpu.dma_semaphore, #tpu.memory_space<semaphore_mem>>)
    %dma_start3A_107 = tpu.memref_slice %arg5[%add3A_102] : memref<1600000xi32, #tpu.memory_space<hbm>> -> memref<10000xi32, #tpu.memory_space<hbm>>
    %dma_start3A_108 = tpu.memref_slice %arg5[%add3A_102] : memref<1600000xi32, #tpu.memory_space<hbm>> -> memref<10000xi32, #tpu.memory_space<hbm>>
    tpu.enqueue_dma source(%dma_start3A_108 : memref<10000xi32, #tpu.memory_space<hbm>>) target(%arg12 : memref<10000xi32, #tpu.memory_space<vmem>>) target_semaphore(%arg22 : memref<!tpu.dma_semaphore, #tpu.memory_space<semaphore_mem>>)
    %parallel_loop3A_109 = arith.constant 0 : i32
    %parallel_loop3A_110 = arith.constant 625 : i32
    %parallel_loop3A_111 = arith.constant 1 : i32
    scf.for %parallel_loop3A_325 = %parallel_loop3A_109 to %parallel_loop3A_110 step %parallel_loop3A_111  : i32 {
      %parallel_loop3A_326 = arith.constant 16 : i32
      %parallel_loop3A_327 = arith.muli %parallel_loop3A_325, %parallel_loop3A_326 : i32
      %parallel_loop3A_328 = arith.index_cast %parallel_loop3A_327 : i32 to index
      %parallel_loop3A_329 = tpu.vector_load %arg8[%parallel_loop3A_328] {strides = array<i32>} : memref<10000xf32, #tpu.memory_space<vmem>>, vector<16xf32>,
      %parallel_loop3A_330 = arith.constant 1.000000e+00 : f32
      %parallel_loop3A_331 = vector.broadcast %parallel_loop3A_330 : f32 to vector<16xf32>
      %parallel_loop3A_332 = arith.divf %parallel_loop3A_331, %parallel_loop3A_329 : vector<16xf32>
      %parallel_loop3A_333 = arith.index_cast %parallel_loop3A_327 : i32 to index
      %parallel_loop3A_334 = tpu.vector_load %arg7[%parallel_loop3A_333] {strides = array<i32>} : memref<10000xf32, #tpu.memory_space<vmem>>, vector<16xf32>,
      %parallel_loop3A_335 = arith.mulf %parallel_loop3A_332, %parallel_loop3A_334 : vector<16xf32>
      %parallel_loop3A_336 = arith.index_cast %parallel_loop3A_327 : i32 to index
      %parallel_loop3A_337 = tpu.vector_load %arg13[%parallel_loop3A_336] {strides = array<i32>} : memref<10000xi32, #tpu.memory_space<vmem>>, vector<16xi32>,
      %parallel_loop3A_338 = arith.sitofp %parallel_loop3A_337 : vector<16xi32> to vector<16xf32>
      %parallel_loop3A_339 = arith.addf %parallel_loop3A_335, %parallel_loop3A_338 : vector<16xf32>
      %parallel_loop3A_340 = arith.index_cast %parallel_loop3A_327 : i32 to index
      %parallel_loop3A_341 = tpu.vector_load %arg7[%parallel_loop3A_340] {strides = array<i32>} : memref<10000xf32, #tpu.memory_space<vmem>>, vector<16xf32>,
      tpu.vector_store %arg7[%parallel_loop3A_340], %parallel_loop3A_339 {strides = array<i32>} : memref<10000xf32, #tpu.memory_space<vmem>>, vector<16xf32>,
      %parallel_loop3A_342 = arith.index_cast %parallel_loop3A_327 : i32 to index
      %parallel_loop3A_343 = tpu.vector_load %arg8[%parallel_loop3A_342] {strides = array<i32>} : memref<10000xf32, #tpu.memory_space<vmem>>, vector<16xf32>,
      tpu.vector_store %arg8[%parallel_loop3A_342], %parallel_loop3A_332 {strides = array<i32>} : memref<10000xf32, #tpu.memory_space<vmem>>, vector<16xf32>,
    } {sc.loop_unroll_factor = 5 : i64, sc.parallel_access}
    %mul3A_112 = arith.constant 50000 : i32
    %mul3A_113 = arith.muli %add3A, %mul3A_112 : i32
    %add3A_114 = arith.constant 30000 : i32
    %add3A_115 = arith.addi %mul3A_113, %add3A_114 : i32
    %dma_start3A_116 = tpu.memref_slice %arg4[%add3A_115] : memref<1600000xi32, #tpu.memory_space<hbm>> -> memref<10000xi32, #tpu.memory_space<hbm>>
    %dma_start3A_117 = tpu.memref_slice %arg4[%add3A_115] : memref<1600000xi32, #tpu.memory_space<hbm>> -> memref<10000xi32, #tpu.memory_space<hbm>>
    tpu.enqueue_dma source(%dma_start3A_117 : memref<10000xi32, #tpu.memory_space<hbm>>) target(%arg13 : memref<10000xi32, #tpu.memory_space<vmem>>) target_semaphore(%arg21 : memref<!tpu.dma_semaphore, #tpu.memory_space<semaphore_mem>>)
    %dma_start3A_118 = arith.constant 0 : i32
    %dma_start3A_119 = tpu.memref_slice %arg18[%dma_start3A_118] : memref<50176xf32, #tpu.memory_space<vmem_shared>> -> memref<50176xf32, #tpu.memory_space<vmem_shared>>
    tpu.enqueue_indirect_dma source(%arg7 : memref<10000xf32, #tpu.memory_space<vmem>>) target(%dma_start3A_119 : memref<50176xf32, #tpu.memory_space<vmem_shared>>) offsets(%arg9 : memref<10000xi32, #tpu.memory_space<vmem>>) semaphore(%arg23 : memref<!tpu.dma_semaphore, #tpu.memory_space<semaphore_mem>>) {add = true}
    %dma_start3A_120 = arith.constant 0 : i32
    %dma_start3A_121 = tpu.memref_slice %arg19[%dma_start3A_120] : memref<50176xf32, #tpu.memory_space<vmem_shared>> -> memref<50176xf32, #tpu.memory_space<vmem_shared>>
    tpu.enqueue_indirect_dma source(%arg8 : memref<10000xf32, #tpu.memory_space<vmem>>) target(%dma_start3A_121 : memref<50176xf32, #tpu.memory_space<vmem_shared>>) offsets(%arg9 : memref<10000xi32, #tpu.memory_space<vmem>>) semaphore(%arg23 : memref<!tpu.dma_semaphore, #tpu.memory_space<semaphore_mem>>) {add = true}
    %dma_wait3A_122 = tpu.memref_slice %arg2[%add3A_102] : memref<1600000xf32, #tpu.memory_space<hbm>> -> memref<10000xf32, #tpu.memory_space<hbm>>
    %dma_wait3A_123 = tpu.memref_slice %arg2[%add3A_102] : memref<1600000xf32, #tpu.memory_space<hbm>> -> memref<10000xf32, #tpu.memory_space<hbm>>
    tpu.wait_dma2 semaphore(%arg22 : memref<!tpu.dma_semaphore, #tpu.memory_space<semaphore_mem>>) src(%dma_wait3A_123 : memref<10000xf32, #tpu.memory_space<hbm>>) dst(%arg10 : memref<10000xf32, #tpu.memory_space<vmem>>)
    %dma_wait3A_124 = tpu.memref_slice %arg3[%add3A_102] : memref<1600000xf32, #tpu.memory_space<hbm>> -> memref<10000xf32, #tpu.memory_space<hbm>>
    %dma_wait3A_125 = tpu.memref_slice %arg3[%add3A_102] : memref<1600000xf32, #tpu.memory_space<hbm>> -> memref<10000xf32, #tpu.memory_space<hbm>>
    tpu.wait_dma2 semaphore(%arg22 : memref<!tpu.dma_semaphore, #tpu.memory_space<semaphore_mem>>) src(%dma_wait3A_125 : memref<10000xf32, #tpu.memory_space<hbm>>) dst(%arg11 : memref<10000xf32, #tpu.memory_space<vmem>>)
    %dma_wait3A_126 = tpu.memref_slice %arg5[%add3A_102] : memref<1600000xi32, #tpu.memory_space<hbm>> -> memref<10000xi32, #tpu.memory_space<hbm>>
    %dma_wait3A_127 = tpu.memref_slice %arg5[%add3A_102] : memref<1600000xi32, #tpu.memory_space<hbm>> -> memref<10000xi32, #tpu.memory_space<hbm>>
    tpu.wait_dma2 semaphore(%arg22 : memref<!tpu.dma_semaphore, #tpu.memory_space<semaphore_mem>>) src(%dma_wait3A_127 : memref<10000xi32, #tpu.memory_space<hbm>>) dst(%arg12 : memref<10000xi32, #tpu.memory_space<vmem>>)
    %dma_wait3A_128 = tpu.memref_slice %arg4[%add3A_115] : memref<1600000xi32, #tpu.memory_space<hbm>> -> memref<10000xi32, #tpu.memory_space<hbm>>
    %dma_wait3A_129 = tpu.memref_slice %arg4[%add3A_115] : memref<1600000xi32, #tpu.memory_space<hbm>> -> memref<10000xi32, #tpu.memory_space<hbm>>
    tpu.wait_dma2 semaphore(%arg21 : memref<!tpu.dma_semaphore, #tpu.memory_space<semaphore_mem>>) src(%dma_wait3A_129 : memref<10000xi32, #tpu.memory_space<hbm>>) dst(%arg13 : memref<10000xi32, #tpu.memory_space<vmem>>)
    %dma_wait3A_130 = arith.constant 0 : i32
    %dma_wait3A_131 = tpu.memref_slice %arg18[%dma_wait3A_130] : memref<50176xf32, #tpu.memory_space<vmem_shared>> -> memref<50176xf32, #tpu.memory_space<vmem_shared>>
    tpu.wait_indirect_dma semaphore(%arg23 : memref<!tpu.dma_semaphore, #tpu.memory_space<semaphore_mem>>) src(%arg7 : memref<10000xf32, #tpu.memory_space<vmem>>) dst(%dma_wait3A_131 : memref<50176xf32, #tpu.memory_space<vmem_shared>>)
    %dma_wait3A_132 = arith.constant 0 : i32
    %dma_wait3A_133 = tpu.memref_slice %arg19[%dma_wait3A_132] : memref<50176xf32, #tpu.memory_space<vmem_shared>> -> memref<50176xf32, #tpu.memory_space<vmem_shared>>
    tpu.wait_indirect_dma semaphore(%arg23 : memref<!tpu.dma_semaphore, #tpu.memory_space<semaphore_mem>>) src(%arg8 : memref<10000xf32, #tpu.memory_space<vmem>>) dst(%dma_wait3A_133 : memref<50176xf32, #tpu.memory_space<vmem_shared>>)
    %mul3A_134 = arith.constant 50000 : i32
    %mul3A_135 = arith.muli %add3A, %mul3A_134 : i32
    %add3A_136 = arith.constant 40000 : i32
    %add3A_137 = arith.addi %mul3A_135, %add3A_136 : i32
    %dma_start3A_138 = tpu.memref_slice %arg2[%add3A_137] : memref<1600000xf32, #tpu.memory_space<hbm>> -> memref<10000xf32, #tpu.memory_space<hbm>>
    %dma_start3A_139 = tpu.memref_slice %arg2[%add3A_137] : memref<1600000xf32, #tpu.memory_space<hbm>> -> memref<10000xf32, #tpu.memory_space<hbm>>
    tpu.enqueue_dma source(%dma_start3A_139 : memref<10000xf32, #tpu.memory_space<hbm>>) target(%arg7 : memref<10000xf32, #tpu.memory_space<vmem>>) target_semaphore(%arg21 : memref<!tpu.dma_semaphore, #tpu.memory_space<semaphore_mem>>)
    %dma_start3A_140 = tpu.memref_slice %arg3[%add3A_137] : memref<1600000xf32, #tpu.memory_space<hbm>> -> memref<10000xf32, #tpu.memory_space<hbm>>
    %dma_start3A_141 = tpu.memref_slice %arg3[%add3A_137] : memref<1600000xf32, #tpu.memory_space<hbm>> -> memref<10000xf32, #tpu.memory_space<hbm>>
    tpu.enqueue_dma source(%dma_start3A_141 : memref<10000xf32, #tpu.memory_space<hbm>>) target(%arg8 : memref<10000xf32, #tpu.memory_space<vmem>>) target_semaphore(%arg21 : memref<!tpu.dma_semaphore, #tpu.memory_space<semaphore_mem>>)
    %dma_start3A_142 = tpu.memref_slice %arg5[%add3A_137] : memref<1600000xi32, #tpu.memory_space<hbm>> -> memref<10000xi32, #tpu.memory_space<hbm>>
    %dma_start3A_143 = tpu.memref_slice %arg5[%add3A_137] : memref<1600000xi32, #tpu.memory_space<hbm>> -> memref<10000xi32, #tpu.memory_space<hbm>>
    tpu.enqueue_dma source(%dma_start3A_143 : memref<10000xi32, #tpu.memory_space<hbm>>) target(%arg9 : memref<10000xi32, #tpu.memory_space<vmem>>) target_semaphore(%arg21 : memref<!tpu.dma_semaphore, #tpu.memory_space<semaphore_mem>>)
    %parallel_loop3A_144 = arith.constant 0 : i32
    %parallel_loop3A_145 = arith.constant 625 : i32
    %parallel_loop3A_146 = arith.constant 1 : i32
    scf.for %parallel_loop3A_325 = %parallel_loop3A_144 to %parallel_loop3A_145 step %parallel_loop3A_146  : i32 {
      %parallel_loop3A_326 = arith.constant 16 : i32
      %parallel_loop3A_327 = arith.muli %parallel_loop3A_325, %parallel_loop3A_326 : i32
      %parallel_loop3A_328 = arith.index_cast %parallel_loop3A_327 : i32 to index
      %parallel_loop3A_329 = tpu.vector_load %arg11[%parallel_loop3A_328] {strides = array<i32>} : memref<10000xf32, #tpu.memory_space<vmem>>, vector<16xf32>,
      %parallel_loop3A_330 = arith.constant 1.000000e+00 : f32
      %parallel_loop3A_331 = vector.broadcast %parallel_loop3A_330 : f32 to vector<16xf32>
      %parallel_loop3A_332 = arith.divf %parallel_loop3A_331, %parallel_loop3A_329 : vector<16xf32>
      %parallel_loop3A_333 = arith.index_cast %parallel_loop3A_327 : i32 to index
      %parallel_loop3A_334 = tpu.vector_load %arg10[%parallel_loop3A_333] {strides = array<i32>} : memref<10000xf32, #tpu.memory_space<vmem>>, vector<16xf32>,
      %parallel_loop3A_335 = arith.mulf %parallel_loop3A_332, %parallel_loop3A_334 : vector<16xf32>
      %parallel_loop3A_336 = arith.index_cast %parallel_loop3A_327 : i32 to index
      %parallel_loop3A_337 = tpu.vector_load %arg13[%parallel_loop3A_336] {strides = array<i32>} : memref<10000xi32, #tpu.memory_space<vmem>>, vector<16xi32>,
      %parallel_loop3A_338 = arith.sitofp %parallel_loop3A_337 : vector<16xi32> to vector<16xf32>
      %parallel_loop3A_339 = arith.addf %parallel_loop3A_335, %parallel_loop3A_338 : vector<16xf32>
      %parallel_loop3A_340 = arith.index_cast %parallel_loop3A_327 : i32 to index
      %parallel_loop3A_341 = tpu.vector_load %arg10[%parallel_loop3A_340] {strides = array<i32>} : memref<10000xf32, #tpu.memory_space<vmem>>, vector<16xf32>,
      tpu.vector_store %arg10[%parallel_loop3A_340], %parallel_loop3A_339 {strides = array<i32>} : memref<10000xf32, #tpu.memory_space<vmem>>, vector<16xf32>,
      %parallel_loop3A_342 = arith.index_cast %parallel_loop3A_327 : i32 to index
      %parallel_loop3A_343 = tpu.vector_load %arg11[%parallel_loop3A_342] {strides = array<i32>} : memref<10000xf32, #tpu.memory_space<vmem>>, vector<16xf32>,
      tpu.vector_store %arg11[%parallel_loop3A_342], %parallel_loop3A_332 {strides = array<i32>} : memref<10000xf32, #tpu.memory_space<vmem>>, vector<16xf32>,
    } {sc.loop_unroll_factor = 5 : i64, sc.parallel_access}
    %mul3A_147 = arith.constant 50000 : i32
    %mul3A_148 = arith.muli %add3A, %mul3A_147 : i32
    %add3A_149 = arith.constant 40000 : i32
    %add3A_150 = arith.addi %mul3A_148, %add3A_149 : i32
    %dma_start3A_151 = tpu.memref_slice %arg4[%add3A_150] : memref<1600000xi32, #tpu.memory_space<hbm>> -> memref<10000xi32, #tpu.memory_space<hbm>>
    %dma_start3A_152 = tpu.memref_slice %arg4[%add3A_150] : memref<1600000xi32, #tpu.memory_space<hbm>> -> memref<10000xi32, #tpu.memory_space<hbm>>
    tpu.enqueue_dma source(%dma_start3A_152 : memref<10000xi32, #tpu.memory_space<hbm>>) target(%arg13 : memref<10000xi32, #tpu.memory_space<vmem>>) target_semaphore(%arg21 : memref<!tpu.dma_semaphore, #tpu.memory_space<semaphore_mem>>)
    %dma_start3A_153 = arith.constant 0 : i32
    %dma_start3A_154 = tpu.memref_slice %arg18[%dma_start3A_153] : memref<50176xf32, #tpu.memory_space<vmem_shared>> -> memref<50176xf32, #tpu.memory_space<vmem_shared>>
    tpu.enqueue_indirect_dma source(%arg10 : memref<10000xf32, #tpu.memory_space<vmem>>) target(%dma_start3A_154 : memref<50176xf32, #tpu.memory_space<vmem_shared>>) offsets(%arg12 : memref<10000xi32, #tpu.memory_space<vmem>>) semaphore(%arg24 : memref<!tpu.dma_semaphore, #tpu.memory_space<semaphore_mem>>) {add = true}
    %dma_start3A_155 = arith.constant 0 : i32
    %dma_start3A_156 = tpu.memref_slice %arg19[%dma_start3A_155] : memref<50176xf32, #tpu.memory_space<vmem_shared>> -> memref<50176xf32, #tpu.memory_space<vmem_shared>>
    tpu.enqueue_indirect_dma source(%arg11 : memref<10000xf32, #tpu.memory_space<vmem>>) target(%dma_start3A_156 : memref<50176xf32, #tpu.memory_space<vmem_shared>>) offsets(%arg12 : memref<10000xi32, #tpu.memory_space<vmem>>) semaphore(%arg24 : memref<!tpu.dma_semaphore, #tpu.memory_space<semaphore_mem>>) {add = true}
    %dma_wait3A_157 = tpu.memref_slice %arg2[%add3A_137] : memref<1600000xf32, #tpu.memory_space<hbm>> -> memref<10000xf32, #tpu.memory_space<hbm>>
    %dma_wait3A_158 = tpu.memref_slice %arg2[%add3A_137] : memref<1600000xf32, #tpu.memory_space<hbm>> -> memref<10000xf32, #tpu.memory_space<hbm>>
    tpu.wait_dma2 semaphore(%arg21 : memref<!tpu.dma_semaphore, #tpu.memory_space<semaphore_mem>>) src(%dma_wait3A_158 : memref<10000xf32, #tpu.memory_space<hbm>>) dst(%arg7 : memref<10000xf32, #tpu.memory_space<vmem>>)
    %dma_wait3A_159 = tpu.memref_slice %arg3[%add3A_137] : memref<1600000xf32, #tpu.memory_space<hbm>> -> memref<10000xf32, #tpu.memory_space<hbm>>
    %dma_wait3A_160 = tpu.memref_slice %arg3[%add3A_137] : memref<1600000xf32, #tpu.memory_space<hbm>> -> memref<10000xf32, #tpu.memory_space<hbm>>
    tpu.wait_dma2 semaphore(%arg21 : memref<!tpu.dma_semaphore, #tpu.memory_space<semaphore_mem>>) src(%dma_wait3A_160 : memref<10000xf32, #tpu.memory_space<hbm>>) dst(%arg8 : memref<10000xf32, #tpu.memory_space<vmem>>)
    %dma_wait3A_161 = tpu.memref_slice %arg5[%add3A_137] : memref<1600000xi32, #tpu.memory_space<hbm>> -> memref<10000xi32, #tpu.memory_space<hbm>>
    %dma_wait3A_162 = tpu.memref_slice %arg5[%add3A_137] : memref<1600000xi32, #tpu.memory_space<hbm>> -> memref<10000xi32, #tpu.memory_space<hbm>>
    tpu.wait_dma2 semaphore(%arg21 : memref<!tpu.dma_semaphore, #tpu.memory_space<semaphore_mem>>) src(%dma_wait3A_162 : memref<10000xi32, #tpu.memory_space<hbm>>) dst(%arg9 : memref<10000xi32, #tpu.memory_space<vmem>>)
    %dma_wait3A_163 = tpu.memref_slice %arg4[%add3A_150] : memref<1600000xi32, #tpu.memory_space<hbm>> -> memref<10000xi32, #tpu.memory_space<hbm>>
    %dma_wait3A_164 = tpu.memref_slice %arg4[%add3A_150] : memref<1600000xi32, #tpu.memory_space<hbm>> -> memref<10000xi32, #tpu.memory_space<hbm>>
    tpu.wait_dma2 semaphore(%arg21 : memref<!tpu.dma_semaphore, #tpu.memory_space<semaphore_mem>>) src(%dma_wait3A_164 : memref<10000xi32, #tpu.memory_space<hbm>>) dst(%arg13 : memref<10000xi32, #tpu.memory_space<vmem>>)
    %parallel_loop3A_165 = arith.constant 0 : i32
    %parallel_loop3A_166 = arith.constant 625 : i32
    %parallel_loop3A_167 = arith.constant 1 : i32
    scf.for %parallel_loop3A_325 = %parallel_loop3A_165 to %parallel_loop3A_166 step %parallel_loop3A_167  : i32 {
      %parallel_loop3A_326 = arith.constant 16 : i32
      %parallel_loop3A_327 = arith.muli %parallel_loop3A_325, %parallel_loop3A_326 : i32
      %parallel_loop3A_328 = arith.index_cast %parallel_loop3A_327 : i32 to index
      %parallel_loop3A_329 = tpu.vector_load %arg8[%parallel_loop3A_328] {strides = array<i32>} : memref<10000xf32, #tpu.memory_space<vmem>>, vector<16xf32>,
      %parallel_loop3A_330 = arith.constant 1.000000e+00 : f32
      %parallel_loop3A_331 = vector.broadcast %parallel_loop3A_330 : f32 to vector<16xf32>
      %parallel_loop3A_332 = arith.divf %parallel_loop3A_331, %parallel_loop3A_329 : vector<16xf32>
      %parallel_loop3A_333 = arith.index_cast %parallel_loop3A_327 : i32 to index
      %parallel_loop3A_334 = tpu.vector_load %arg7[%parallel_loop3A_333] {strides = array<i32>} : memref<10000xf32, #tpu.memory_space<vmem>>, vector<16xf32>,
      %parallel_loop3A_335 = arith.mulf %parallel_loop3A_332, %parallel_loop3A_334 : vector<16xf32>
      %parallel_loop3A_336 = arith.index_cast %parallel_loop3A_327 : i32 to index
      %parallel_loop3A_337 = tpu.vector_load %arg13[%parallel_loop3A_336] {strides = array<i32>} : memref<10000xi32, #tpu.memory_space<vmem>>, vector<16xi32>,
      %parallel_loop3A_338 = arith.sitofp %parallel_loop3A_337 : vector<16xi32> to vector<16xf32>
      %parallel_loop3A_339 = arith.addf %parallel_loop3A_335, %parallel_loop3A_338 : vector<16xf32>
      %parallel_loop3A_340 = arith.index_cast %parallel_loop3A_327 : i32 to index
      %parallel_loop3A_341 = tpu.vector_load %arg7[%parallel_loop3A_340] {strides = array<i32>} : memref<10000xf32, #tpu.memory_space<vmem>>, vector<16xf32>,
      tpu.vector_store %arg7[%parallel_loop3A_340], %parallel_loop3A_339 {strides = array<i32>} : memref<10000xf32, #tpu.memory_space<vmem>>, vector<16xf32>,
      %parallel_loop3A_342 = arith.index_cast %parallel_loop3A_327 : i32 to index
      %parallel_loop3A_343 = tpu.vector_load %arg8[%parallel_loop3A_342] {strides = array<i32>} : memref<10000xf32, #tpu.memory_space<vmem>>, vector<16xf32>,
      tpu.vector_store %arg8[%parallel_loop3A_342], %parallel_loop3A_332 {strides = array<i32>} : memref<10000xf32, #tpu.memory_space<vmem>>, vector<16xf32>,
    } {sc.loop_unroll_factor = 5 : i64, sc.parallel_access}
    %dma_start3A_168 = arith.constant 0 : i32
    %dma_start3A_169 = tpu.memref_slice %arg18[%dma_start3A_168] : memref<50176xf32, #tpu.memory_space<vmem_shared>> -> memref<50176xf32, #tpu.memory_space<vmem_shared>>
    tpu.enqueue_indirect_dma source(%arg7 : memref<10000xf32, #tpu.memory_space<vmem>>) target(%dma_start3A_169 : memref<50176xf32, #tpu.memory_space<vmem_shared>>) offsets(%arg9 : memref<10000xi32, #tpu.memory_space<vmem>>) semaphore(%arg23 : memref<!tpu.dma_semaphore, #tpu.memory_space<semaphore_mem>>) {add = true}
    %dma_start3A_170 = arith.constant 0 : i32
    %dma_start3A_171 = tpu.memref_slice %arg19[%dma_start3A_170] : memref<50176xf32, #tpu.memory_space<vmem_shared>> -> memref<50176xf32, #tpu.memory_space<vmem_shared>>
    tpu.enqueue_indirect_dma source(%arg8 : memref<10000xf32, #tpu.memory_space<vmem>>) target(%dma_start3A_171 : memref<50176xf32, #tpu.memory_space<vmem_shared>>) offsets(%arg9 : memref<10000xi32, #tpu.memory_space<vmem>>) semaphore(%arg23 : memref<!tpu.dma_semaphore, #tpu.memory_space<semaphore_mem>>) {add = true}
    %dma_wait3A_172 = arith.constant 0 : i32
    %dma_wait3A_173 = tpu.memref_slice %arg18[%dma_wait3A_172] : memref<50176xf32, #tpu.memory_space<vmem_shared>> -> memref<50176xf32, #tpu.memory_space<vmem_shared>>
    tpu.wait_indirect_dma semaphore(%arg24 : memref<!tpu.dma_semaphore, #tpu.memory_space<semaphore_mem>>) src(%arg10 : memref<10000xf32, #tpu.memory_space<vmem>>) dst(%dma_wait3A_173 : memref<50176xf32, #tpu.memory_space<vmem_shared>>)
    %dma_wait3A_174 = arith.constant 0 : i32
    %dma_wait3A_175 = tpu.memref_slice %arg19[%dma_wait3A_174] : memref<50176xf32, #tpu.memory_space<vmem_shared>> -> memref<50176xf32, #tpu.memory_space<vmem_shared>>
    tpu.wait_indirect_dma semaphore(%arg24 : memref<!tpu.dma_semaphore, #tpu.memory_space<semaphore_mem>>) src(%arg11 : memref<10000xf32, #tpu.memory_space<vmem>>) dst(%dma_wait3A_175 : memref<50176xf32, #tpu.memory_space<vmem_shared>>)
    %dma_wait3A_176 = arith.constant 0 : i32
    %dma_wait3A_177 = tpu.memref_slice %arg18[%dma_wait3A_176] : memref<50176xf32, #tpu.memory_space<vmem_shared>> -> memref<50176xf32, #tpu.memory_space<vmem_shared>>
    tpu.wait_indirect_dma semaphore(%arg23 : memref<!tpu.dma_semaphore, #tpu.memory_space<semaphore_mem>>) src(%arg7 : memref<10000xf32, #tpu.memory_space<vmem>>) dst(%dma_wait3A_177 : memref<50176xf32, #tpu.memory_space<vmem_shared>>)
    %dma_wait3A_178 = arith.constant 0 : i32
    %dma_wait3A_179 = tpu.memref_slice %arg19[%dma_wait3A_178] : memref<50176xf32, #tpu.memory_space<vmem_shared>> -> memref<50176xf32, #tpu.memory_space<vmem_shared>>
    tpu.wait_indirect_dma semaphore(%arg23 : memref<!tpu.dma_semaphore, #tpu.memory_space<semaphore_mem>>) src(%arg8 : memref<10000xf32, #tpu.memory_space<vmem>>) dst(%dma_wait3A_179 : memref<50176xf32, #tpu.memory_space<vmem_shared>>)
    %barrier3A_180 = arith.constant 0 : index
    tpu.barrier barrier_id(%barrier3A_180)
    %eq3A = arith.constant 0 : i32
    %eq3A_181 = arith.cmpi eq, %arg1, %eq3A : i32
    %convert_element_type3A = arith.extui %eq3A_181 : i1 to i32
    %cond3A = arith.constant 0 : i32
    %cond3A_182 = arith.cmpi ne, %convert_element_type3A, %cond3A : i32
    scf.if %cond3A_182 {
      "tpu.region"() ({
        %run_scoped3A = tpu.sem_alloc : memref<!tpu.dma_semaphore, #tpu.memory_space<semaphore_mem>>
        %dma_start3A_332 = arith.constant 799992 : i32
        %dma_start3A_333 = tpu.memref_slice %arg5[%dma_start3A_332] : memref<1600000xi32, #tpu.memory_space<hbm>> -> memref<16xi32, #tpu.memory_space<hbm>>
        %dma_start3A_334 = arith.constant 799992 : i32
        %dma_start3A_335 = tpu.memref_slice %arg5[%dma_start3A_334] : memref<1600000xi32, #tpu.memory_space<hbm>> -> memref<16xi32, #tpu.memory_space<hbm>>
        tpu.enqueue_dma source(%dma_start3A_335 : memref<16xi32, #tpu.memory_space<hbm>>) target(%arg14 : memref<16xi32, #tpu.memory_space<vmem>>) target_semaphore(%run_scoped3A : memref<!tpu.dma_semaphore, #tpu.memory_space<semaphore_mem>>)
        %dma_wait3A_336 = arith.constant 799992 : i32
        %dma_wait3A_337 = tpu.memref_slice %arg5[%dma_wait3A_336] : memref<1600000xi32, #tpu.memory_space<hbm>> -> memref<16xi32, #tpu.memory_space<hbm>>
        %dma_wait3A_338 = arith.constant 799992 : i32
        %dma_wait3A_339 = tpu.memref_slice %arg5[%dma_wait3A_338] : memref<1600000xi32, #tpu.memory_space<hbm>> -> memref<16xi32, #tpu.memory_space<hbm>>
        tpu.wait_dma2 semaphore(%run_scoped3A : memref<!tpu.dma_semaphore, #tpu.memory_space<semaphore_mem>>) src(%dma_wait3A_339 : memref<16xi32, #tpu.memory_space<hbm>>) dst(%arg14 : memref<16xi32, #tpu.memory_space<vmem>>)
        tpu.yield
      }) : () -> ()
      %get3A = arith.constant 0 : index
      %get3A_325 = tpu.vector_load %arg14[%get3A] {strides = array<i32>} : memref<16xi32, #tpu.memory_space<vmem>>, vector<16xi32>,
      %slice3A = vector.extract_strided_slice %get3A_325 {offsets = [7], sizes = [1], strides = [1]} : vector<16xi32> to vector<1xi32>
      %squeeze3A = vector.extract %slice3A[0] : i32 from vector<1xi32>
      %slice3A_326 = vector.extract_strided_slice %get3A_325 {offsets = [8], sizes = [1], strides = [1]} : vector<16xi32> to vector<1xi32>
      %squeeze3A_327 = vector.extract %slice3A_326[0] : i32 from vector<1xi32>
      %eq3A_328 = arith.cmpi eq, %squeeze3A, %squeeze3A_327 : i32
      %convert_element_type3A_329 = arith.extui %eq3A_328 : i1 to i32
      %cond3A_330 = arith.constant 0 : i32
      %cond3A_331 = arith.cmpi ne, %convert_element_type3A_329, %cond3A_330 : i32
      scf.if %cond3A_331 {
        %broadcast_in_dim3A = vector.broadcast %squeeze3A : i32 to vector<16xi32>
        %eq3A_332 = arith.constant 0 : i32
        %eq3A_333 = arith.cmpi eq, %arg0, %eq3A_332 : i32
        %broadcast_in_dim3A_334 = arith.constant 0.000000e+00 : f32
        %broadcast_in_dim3A_335 = vector.broadcast %broadcast_in_dim3A_334 : f32 to vector<16xf32>
        %while3A = arith.constant 0 : i32
        %while3A_336 = arith.constant true
        %while3A_337:4 = scf.while (%while3A_359 = %while3A, %while3A_360 = %while3A_336, %while3A_361 = %broadcast_in_dim3A_335, %while3A_362 = %broadcast_in_dim3A_335) : (i32, i1, vector<16xf32>, vector<16xf32>) -> (i32, i1, vector<16xf32>, vector<16xf32>) {
          %lt3A = arith.constant 390 : i32
          %lt3A_363 = arith.cmpi slt, %while3A_359, %lt3A : i32
          %and3A = arith.andi %while3A_360, %lt3A_363 : i1
          scf.condition(%and3A) %while3A_359, %while3A_360, %while3A_361, %while3A_362 : i32, i1, vector<16xf32>, vector<16xf32>
        } do {
        ^bb0(%while3A_359: i32, %while3A_360: i1, %while3A_361: vector<16xf32>, %while3A_362: vector<16xf32>):
          %mul3A_363 = arith.constant 2048 : i32
          %mul3A_364 = arith.muli %while3A_359, %mul3A_363 : i32
          %add3A_365 = arith.constant 800000 : i32
          %add3A_366 = arith.addi %add3A_365, %mul3A_364 : i32
          %add3A_367 = arith.constant 1 : i32
          %add3A_368 = arith.addi %while3A_359, %add3A_367 : i32
          %mul3A_369 = arith.constant 2048 : i32
          %mul3A_370 = arith.muli %add3A_368, %mul3A_369 : i32
          %sub3A = arith.constant 800000 : i32
          %sub3A_371 = arith.subi %sub3A, %mul3A_370 : i32
          %select_n3A = arith.select %eq3A_333, %add3A_366, %sub3A_371 : i32
          "tpu.region"() ({
            %run_scoped3A = tpu.sem_alloc : memref<!tpu.dma_semaphore, #tpu.memory_space<semaphore_mem>>
            %dma_start3A_382 = arith.constant 0 : i32
            %dma_start3A_383 = tpu.memref_slice %arg7[%dma_start3A_382] : memref<10000xf32, #tpu.memory_space<vmem>> -> memref<2048xf32, #tpu.memory_space<vmem>>
            %dma_start3A_384 = tpu.memref_slice %arg2[%select_n3A] : memref<1600000xf32, #tpu.memory_space<hbm>> -> memref<2048xf32, #tpu.memory_space<hbm>>
            %dma_start3A_385 = arith.constant 0 : i32
            %dma_start3A_386 = tpu.memref_slice %arg7[%dma_start3A_385] : memref<10000xf32, #tpu.memory_space<vmem>> -> memref<2048xf32, #tpu.memory_space<vmem>>
            %dma_start3A_387 = tpu.memref_slice %arg2[%select_n3A] : memref<1600000xf32, #tpu.memory_space<hbm>> -> memref<2048xf32, #tpu.memory_space<hbm>>
            tpu.enqueue_dma source(%dma_start3A_387 : memref<2048xf32, #tpu.memory_space<hbm>>) target(%dma_start3A_386 : memref<2048xf32, #tpu.memory_space<vmem>>) target_semaphore(%run_scoped3A : memref<!tpu.dma_semaphore, #tpu.memory_space<semaphore_mem>>)
            %dma_wait3A_388 = arith.constant 0 : i32
            %dma_wait3A_389 = tpu.memref_slice %arg7[%dma_wait3A_388] : memref<10000xf32, #tpu.memory_space<vmem>> -> memref<2048xf32, #tpu.memory_space<vmem>>
            %dma_wait3A_390 = tpu.memref_slice %arg2[%select_n3A] : memref<1600000xf32, #tpu.memory_space<hbm>> -> memref<2048xf32, #tpu.memory_space<hbm>>
            %dma_wait3A_391 = arith.constant 0 : i32
            %dma_wait3A_392 = tpu.memref_slice %arg7[%dma_wait3A_391] : memref<10000xf32, #tpu.memory_space<vmem>> -> memref<2048xf32, #tpu.memory_space<vmem>>
            %dma_wait3A_393 = tpu.memref_slice %arg2[%select_n3A] : memref<1600000xf32, #tpu.memory_space<hbm>> -> memref<2048xf32, #tpu.memory_space<hbm>>
            tpu.wait_dma2 semaphore(%run_scoped3A : memref<!tpu.dma_semaphore, #tpu.memory_space<semaphore_mem>>) src(%dma_wait3A_393 : memref<2048xf32, #tpu.memory_space<hbm>>) dst(%dma_wait3A_392 : memref<2048xf32, #tpu.memory_space<vmem>>)
            tpu.yield
          }) : () -> ()
          "tpu.region"() ({
            %run_scoped3A = tpu.sem_alloc : memref<!tpu.dma_semaphore, #tpu.memory_space<semaphore_mem>>
            %dma_start3A_382 = arith.constant 0 : i32
            %dma_start3A_383 = tpu.memref_slice %arg8[%dma_start3A_382] : memref<10000xf32, #tpu.memory_space<vmem>> -> memref<2048xf32, #tpu.memory_space<vmem>>
            %dma_start3A_384 = tpu.memref_slice %arg3[%select_n3A] : memref<1600000xf32, #tpu.memory_space<hbm>> -> memref<2048xf32, #tpu.memory_space<hbm>>
            %dma_start3A_385 = arith.constant 0 : i32
            %dma_start3A_386 = tpu.memref_slice %arg8[%dma_start3A_385] : memref<10000xf32, #tpu.memory_space<vmem>> -> memref<2048xf32, #tpu.memory_space<vmem>>
            %dma_start3A_387 = tpu.memref_slice %arg3[%select_n3A] : memref<1600000xf32, #tpu.memory_space<hbm>> -> memref<2048xf32, #tpu.memory_space<hbm>>
            tpu.enqueue_dma source(%dma_start3A_387 : memref<2048xf32, #tpu.memory_space<hbm>>) target(%dma_start3A_386 : memref<2048xf32, #tpu.memory_space<vmem>>) target_semaphore(%run_scoped3A : memref<!tpu.dma_semaphore, #tpu.memory_space<semaphore_mem>>)
            %dma_wait3A_388 = arith.constant 0 : i32
            %dma_wait3A_389 = tpu.memref_slice %arg8[%dma_wait3A_388] : memref<10000xf32, #tpu.memory_space<vmem>> -> memref<2048xf32, #tpu.memory_space<vmem>>
            %dma_wait3A_390 = tpu.memref_slice %arg3[%select_n3A] : memref<1600000xf32, #tpu.memory_space<hbm>> -> memref<2048xf32, #tpu.memory_space<hbm>>
            %dma_wait3A_391 = arith.constant 0 : i32
            %dma_wait3A_392 = tpu.memref_slice %arg8[%dma_wait3A_391] : memref<10000xf32, #tpu.memory_space<vmem>> -> memref<2048xf32, #tpu.memory_space<vmem>>
            %dma_wait3A_393 = tpu.memref_slice %arg3[%select_n3A] : memref<1600000xf32, #tpu.memory_space<hbm>> -> memref<2048xf32, #tpu.memory_space<hbm>>
            tpu.wait_dma2 semaphore(%run_scoped3A : memref<!tpu.dma_semaphore, #tpu.memory_space<semaphore_mem>>) src(%dma_wait3A_393 : memref<2048xf32, #tpu.memory_space<hbm>>) dst(%dma_wait3A_392 : memref<2048xf32, #tpu.memory_space<vmem>>)
            tpu.yield
          }) : () -> ()
          "tpu.region"() ({
            %run_scoped3A = tpu.sem_alloc : memref<!tpu.dma_semaphore, #tpu.memory_space<semaphore_mem>>
            %dma_start3A_382 = arith.constant 0 : i32
            %dma_start3A_383 = tpu.memref_slice %arg13[%dma_start3A_382] : memref<10000xi32, #tpu.memory_space<vmem>> -> memref<2048xi32, #tpu.memory_space<vmem>>
            %dma_start3A_384 = tpu.memref_slice %arg4[%select_n3A] : memref<1600000xi32, #tpu.memory_space<hbm>> -> memref<2048xi32, #tpu.memory_space<hbm>>
            %dma_start3A_385 = arith.constant 0 : i32
            %dma_start3A_386 = tpu.memref_slice %arg13[%dma_start3A_385] : memref<10000xi32, #tpu.memory_space<vmem>> -> memref<2048xi32, #tpu.memory_space<vmem>>
            %dma_start3A_387 = tpu.memref_slice %arg4[%select_n3A] : memref<1600000xi32, #tpu.memory_space<hbm>> -> memref<2048xi32, #tpu.memory_space<hbm>>
            tpu.enqueue_dma source(%dma_start3A_387 : memref<2048xi32, #tpu.memory_space<hbm>>) target(%dma_start3A_386 : memref<2048xi32, #tpu.memory_space<vmem>>) target_semaphore(%run_scoped3A : memref<!tpu.dma_semaphore, #tpu.memory_space<semaphore_mem>>)
            %dma_wait3A_388 = arith.constant 0 : i32
            %dma_wait3A_389 = tpu.memref_slice %arg13[%dma_wait3A_388] : memref<10000xi32, #tpu.memory_space<vmem>> -> memref<2048xi32, #tpu.memory_space<vmem>>
            %dma_wait3A_390 = tpu.memref_slice %arg4[%select_n3A] : memref<1600000xi32, #tpu.memory_space<hbm>> -> memref<2048xi32, #tpu.memory_space<hbm>>
            %dma_wait3A_391 = arith.constant 0 : i32
            %dma_wait3A_392 = tpu.memref_slice %arg13[%dma_wait3A_391] : memref<10000xi32, #tpu.memory_space<vmem>> -> memref<2048xi32, #tpu.memory_space<vmem>>
            %dma_wait3A_393 = tpu.memref_slice %arg4[%select_n3A] : memref<1600000xi32, #tpu.memory_space<hbm>> -> memref<2048xi32, #tpu.memory_space<hbm>>
            tpu.wait_dma2 semaphore(%run_scoped3A : memref<!tpu.dma_semaphore, #tpu.memory_space<semaphore_mem>>) src(%dma_wait3A_393 : memref<2048xi32, #tpu.memory_space<hbm>>) dst(%dma_wait3A_392 : memref<2048xi32, #tpu.memory_space<vmem>>)
            tpu.yield
          }) : () -> ()
          "tpu.region"() ({
            %run_scoped3A = tpu.sem_alloc : memref<!tpu.dma_semaphore, #tpu.memory_space<semaphore_mem>>
            %dma_start3A_382 = arith.constant 0 : i32
            %dma_start3A_383 = tpu.memref_slice %arg9[%dma_start3A_382] : memref<10000xi32, #tpu.memory_space<vmem>> -> memref<2048xi32, #tpu.memory_space<vmem>>
            %dma_start3A_384 = tpu.memref_slice %arg5[%select_n3A] : memref<1600000xi32, #tpu.memory_space<hbm>> -> memref<2048xi32, #tpu.memory_space<hbm>>
            %dma_start3A_385 = arith.constant 0 : i32
            %dma_start3A_386 = tpu.memref_slice %arg9[%dma_start3A_385] : memref<10000xi32, #tpu.memory_space<vmem>> -> memref<2048xi32, #tpu.memory_space<vmem>>
            %dma_start3A_387 = tpu.memref_slice %arg5[%select_n3A] : memref<1600000xi32, #tpu.memory_space<hbm>> -> memref<2048xi32, #tpu.memory_space<hbm>>
            tpu.enqueue_dma source(%dma_start3A_387 : memref<2048xi32, #tpu.memory_space<hbm>>) target(%dma_start3A_386 : memref<2048xi32, #tpu.memory_space<vmem>>) target_semaphore(%run_scoped3A : memref<!tpu.dma_semaphore, #tpu.memory_space<semaphore_mem>>)
            %dma_wait3A_388 = arith.constant 0 : i32
            %dma_wait3A_389 = tpu.memref_slice %arg9[%dma_wait3A_388] : memref<10000xi32, #tpu.memory_space<vmem>> -> memref<2048xi32, #tpu.memory_space<vmem>>
            %dma_wait3A_390 = tpu.memref_slice %arg5[%select_n3A] : memref<1600000xi32, #tpu.memory_space<hbm>> -> memref<2048xi32, #tpu.memory_space<hbm>>
            %dma_wait3A_391 = arith.constant 0 : i32
            %dma_wait3A_392 = tpu.memref_slice %arg9[%dma_wait3A_391] : memref<10000xi32, #tpu.memory_space<vmem>> -> memref<2048xi32, #tpu.memory_space<vmem>>
            %dma_wait3A_393 = tpu.memref_slice %arg5[%select_n3A] : memref<1600000xi32, #tpu.memory_space<hbm>> -> memref<2048xi32, #tpu.memory_space<hbm>>
            tpu.wait_dma2 semaphore(%run_scoped3A : memref<!tpu.dma_semaphore, #tpu.memory_space<semaphore_mem>>) src(%dma_wait3A_393 : memref<2048xi32, #tpu.memory_space<hbm>>) dst(%dma_wait3A_392 : memref<2048xi32, #tpu.memory_space<vmem>>)
            tpu.yield
          }) : () -> ()
          %scan3A = arith.constant 0 : i32
          %scan3A_372 = arith.constant 0 : i32
          %scan3A_373 = arith.constant 128 : i32
          %scan3A_374 = arith.addi %scan3A_372, %scan3A_373 : i32
          %scan3A_375 = arith.constant 1 : i32
          %scan3A_376:3 = scf.for %scan3A_382 = %scan3A_372 to %scan3A_374 step %scan3A_375 iter_args(%scan3A_383 = %while3A_361, %scan3A_384 = %while3A_362, %scan3A_385 = %scan3A) -> (vector<16xf32>, vector<16xf32>, i32)  : i32 {
            %mul3A_386 = arith.constant 16 : i32
            %mul3A_387 = arith.muli %scan3A_382, %mul3A_386 : i32
            %get3A_388 = arith.index_cast %mul3A_387 : i32 to index
            %get3A_389 = tpu.vector_load %arg9[%get3A_388] {strides = array<i32>} : memref<10000xi32, #tpu.memory_space<vmem>>, vector<16xi32>,
            %eq3A_390 = arith.cmpi eq, %get3A_389, %broadcast_in_dim3A : vector<16xi32>
            %get3A_391 = arith.index_cast %mul3A_387 : i32 to index
            %get3A_392 = tpu.vector_load %arg8[%get3A_391] {strides = array<i32>} : memref<10000xf32, #tpu.memory_space<vmem>>, vector<16xf32>,
            %div3A = arith.constant 1.000000e+00 : f32
            %div3A_393 = vector.broadcast %div3A : f32 to vector<16xf32>
            %div3A_394 = arith.divf %div3A_393, %get3A_392 : vector<16xf32>
            %get3A_395 = arith.index_cast %mul3A_387 : i32 to index
            %get3A_396 = tpu.vector_load %arg7[%get3A_395] {strides = array<i32>} : memref<10000xf32, #tpu.memory_space<vmem>>, vector<16xf32>,
            %mul3A_397 = arith.mulf %div3A_394, %get3A_396 : vector<16xf32>
            %get3A_398 = arith.index_cast %mul3A_387 : i32 to index
            %get3A_399 = tpu.vector_load %arg13[%get3A_398] {strides = array<i32>} : memref<10000xi32, #tpu.memory_space<vmem>>, vector<16xi32>,
            %convert_element_type3A_400 = arith.sitofp %get3A_399 : vector<16xi32> to vector<16xf32>
            %add3A_401 = arith.addf %mul3A_397, %convert_element_type3A_400 : vector<16xf32>
            %broadcast_in_dim3A_402 = arith.constant 0.000000e+00 : f32
            %broadcast_in_dim3A_403 = vector.broadcast %broadcast_in_dim3A_402 : f32 to vector<16xf32>
            %select_n3A_404 = arith.select %eq3A_390, %add3A_401, %broadcast_in_dim3A_403 : vector<16xi1>, vector<16xf32>
            %add3A_405 = arith.addf %scan3A_383, %select_n3A_404 : vector<16xf32>
            %select_n3A_406 = arith.select %eq3A_390, %div3A_394, %broadcast_in_dim3A_403 : vector<16xi1>, vector<16xf32>
            %add3A_407 = arith.addf %scan3A_384, %select_n3A_406 : vector<16xf32>
            %convert_element_type3A_408 = arith.extui %eq3A_390 : vector<16xi1> to vector<16xi32>
            %reduce_sum3A_409 = arith.constant true
            %reduce_sum3A_410 = vector.broadcast %reduce_sum3A_409 : i1 to vector<16xi1>
            %reduce_sum3A_411 = tpu.scan <sum>, %convert_element_type3A_408 masked %reduce_sum3A_410 : vector<16xi32>, vector<16xi1> -> vector<16xi32>
            %reduce_sum3A_412 = vector.extract %reduce_sum3A_411[15] : i32 from vector<16xi32>
            %add3A_413 = arith.addi %scan3A_385, %reduce_sum3A_412 : i32
            scf.yield %add3A_405, %add3A_407, %add3A_413 : vector<16xf32>, vector<16xf32>, i32
          }
          %scan3A_377 = arith.constant 128 : i32
          %add3A_378 = arith.constant 1 : i32
          %add3A_379 = arith.addi %while3A_359, %add3A_378 : i32
          %eq3A_380 = arith.constant 2048 : i32
          %eq3A_381 = arith.cmpi eq, %scan3A_376#2, %eq3A_380 : i32
          %and3A = arith.andi %while3A_360, %eq3A_381 : i1
          scf.yield %add3A_379, %and3A, %scan3A_376#0, %scan3A_376#1 : i32, i1, vector<16xf32>, vector<16xf32>
        }
        %iota3A = tpu.iota {dimensions = array<i32: 0>} : vector<16xi32>
        %eq3A_338 = arith.constant 0 : i32
        %eq3A_339 = vector.broadcast %eq3A_338 : i32 to vector<16xi32>
        %eq3A_340 = arith.cmpi eq, %iota3A, %eq3A_339 : vector<16xi32>
        %convert_element_type3A_341 = arith.extui %eq3A_340 : vector<16xi1> to vector<16xi32>
        %convert_element_type3A_342 = arith.sitofp %convert_element_type3A_341 : vector<16xi32> to vector<16xf32>
        %swap3A = arith.constant 0 : index
        %swap3A_343 = tpu.vector_load %arg14[%swap3A] {strides = array<i32>} : memref<16xi32, #tpu.memory_space<vmem>>, vector<16xi32>,
        tpu.vector_store %arg14[%swap3A], %broadcast_in_dim3A {strides = array<i32>} : memref<16xi32, #tpu.memory_space<vmem>>, vector<16xi32>,
        %reduce_sum3A = arith.constant true
        %reduce_sum3A_344 = vector.broadcast %reduce_sum3A : i1 to vector<16xi1>
        %reduce_sum3A_345 = tpu.scan <sum>, %while3A_337#2 masked %reduce_sum3A_344 : vector<16xf32>, vector<16xi1> -> vector<16xf32>
        %reduce_sum3A_346 = vector.extract %reduce_sum3A_345[15] : f32 from vector<16xf32>
        %mul3A_347 = vector.broadcast %reduce_sum3A_346 : f32 to vector<16xf32>
        %mul3A_348 = arith.mulf %mul3A_347, %convert_element_type3A_342 : vector<16xf32>
        %swap3A_349 = arith.constant 0 : index
        %swap3A_350 = tpu.vector_load %arg15[%swap3A_349] {strides = array<i32>} : memref<16xf32, #tpu.memory_space<vmem>>, vector<16xf32>,
        tpu.vector_store %arg15[%swap3A_349], %mul3A_348 {strides = array<i32>} : memref<16xf32, #tpu.memory_space<vmem>>, vector<16xf32>,
        %reduce_sum3A_351 = arith.constant true
        %reduce_sum3A_352 = vector.broadcast %reduce_sum3A_351 : i1 to vector<16xi1>
        %reduce_sum3A_353 = tpu.scan <sum>, %while3A_337#3 masked %reduce_sum3A_352 : vector<16xf32>, vector<16xi1> -> vector<16xf32>
        %reduce_sum3A_354 = vector.extract %reduce_sum3A_353[15] : f32 from vector<16xf32>
        %mul3A_355 = vector.broadcast %reduce_sum3A_354 : f32 to vector<16xf32>
        %mul3A_356 = arith.mulf %mul3A_355, %convert_element_type3A_342 : vector<16xf32>
        %swap3A_357 = arith.constant 0 : index
        %swap3A_358 = tpu.vector_load %arg16[%swap3A_357] {strides = array<i32>} : memref<16xf32, #tpu.memory_space<vmem>>, vector<16xf32>,
        tpu.vector_store %arg16[%swap3A_357], %mul3A_356 {strides = array<i32>} : memref<16xf32, #tpu.memory_space<vmem>>, vector<16xf32>,
        "tpu.region"() ({
          %run_scoped3A = tpu.sem_alloc : memref<!tpu.dma_semaphore, #tpu.memory_space<semaphore_mem>>
          %dma_start3A_359 = arith.constant 0 : i32
          %dma_start3A_360 = tpu.memref_slice %arg18[%dma_start3A_359] : memref<50176xf32, #tpu.memory_space<vmem_shared>> -> memref<50176xf32, #tpu.memory_space<vmem_shared>>
          tpu.enqueue_indirect_dma source(%arg15 : memref<16xf32, #tpu.memory_space<vmem>>) target(%dma_start3A_360 : memref<50176xf32, #tpu.memory_space<vmem_shared>>) offsets(%arg14 : memref<16xi32, #tpu.memory_space<vmem>>) semaphore(%run_scoped3A : memref<!tpu.dma_semaphore, #tpu.memory_space<semaphore_mem>>) {add = true}
          %dma_wait3A_361 = arith.constant 0 : i32
          %dma_wait3A_362 = tpu.memref_slice %arg18[%dma_wait3A_361] : memref<50176xf32, #tpu.memory_space<vmem_shared>> -> memref<50176xf32, #tpu.memory_space<vmem_shared>>
          tpu.wait_indirect_dma semaphore(%run_scoped3A : memref<!tpu.dma_semaphore, #tpu.memory_space<semaphore_mem>>) src(%arg15 : memref<16xf32, #tpu.memory_space<vmem>>) dst(%dma_wait3A_362 : memref<50176xf32, #tpu.memory_space<vmem_shared>>)
          tpu.yield
        }) : () -> ()
        "tpu.region"() ({
          %run_scoped3A = tpu.sem_alloc : memref<!tpu.dma_semaphore, #tpu.memory_space<semaphore_mem>>
          %dma_start3A_359 = arith.constant 0 : i32
          %dma_start3A_360 = tpu.memref_slice %arg19[%dma_start3A_359] : memref<50176xf32, #tpu.memory_space<vmem_shared>> -> memref<50176xf32, #tpu.memory_space<vmem_shared>>
          tpu.enqueue_indirect_dma source(%arg16 : memref<16xf32, #tpu.memory_space<vmem>>) target(%dma_start3A_360 : memref<50176xf32, #tpu.memory_space<vmem_shared>>) offsets(%arg14 : memref<16xi32, #tpu.memory_space<vmem>>) semaphore(%run_scoped3A : memref<!tpu.dma_semaphore, #tpu.memory_space<semaphore_mem>>) {add = true}
          %dma_wait3A_361 = arith.constant 0 : i32
          %dma_wait3A_362 = tpu.memref_slice %arg19[%dma_wait3A_361] : memref<50176xf32, #tpu.memory_space<vmem_shared>> -> memref<50176xf32, #tpu.memory_space<vmem_shared>>
          tpu.wait_indirect_dma semaphore(%run_scoped3A : memref<!tpu.dma_semaphore, #tpu.memory_space<semaphore_mem>>) src(%arg16 : memref<16xf32, #tpu.memory_space<vmem>>) dst(%dma_wait3A_362 : memref<50176xf32, #tpu.memory_space<vmem_shared>>)
          tpu.yield
        }) : () -> ()
      } else {
      }
    } else {
    }
    %barrier3A_183 = arith.constant 0 : index
    tpu.barrier barrier_id(%barrier3A_183)
    %mul3A_184 = arith.constant 3136 : i32
    %mul3A_185 = arith.muli %arg1, %mul3A_184 : i32
    "tpu.region"() ({
      %run_scoped3A = tpu.sem_alloc : memref<!tpu.dma_semaphore, #tpu.memory_space<semaphore_mem>>
      %dma_start3A_325 = arith.constant 0 : i32
      %dma_start3A_326 = tpu.memref_slice %arg7[%dma_start3A_325] : memref<10000xf32, #tpu.memory_space<vmem>> -> memref<3136xf32, #tpu.memory_space<vmem>>
      %dma_start3A_327 = tpu.memref_slice %arg18[%mul3A_185] : memref<50176xf32, #tpu.memory_space<vmem_shared>> -> memref<3136xf32, #tpu.memory_space<vmem_shared>>
      %dma_start3A_328 = arith.constant 0 : i32
      %dma_start3A_329 = tpu.memref_slice %arg7[%dma_start3A_328] : memref<10000xf32, #tpu.memory_space<vmem>> -> memref<3136xf32, #tpu.memory_space<vmem>>
      %dma_start3A_330 = tpu.memref_slice %arg18[%mul3A_185] : memref<50176xf32, #tpu.memory_space<vmem_shared>> -> memref<3136xf32, #tpu.memory_space<vmem_shared>>
      tpu.enqueue_dma source(%dma_start3A_330 : memref<3136xf32, #tpu.memory_space<vmem_shared>>) target(%dma_start3A_329 : memref<3136xf32, #tpu.memory_space<vmem>>) target_semaphore(%run_scoped3A : memref<!tpu.dma_semaphore, #tpu.memory_space<semaphore_mem>>)
      %dma_wait3A_331 = arith.constant 0 : i32
      %dma_wait3A_332 = tpu.memref_slice %arg7[%dma_wait3A_331] : memref<10000xf32, #tpu.memory_space<vmem>> -> memref<3136xf32, #tpu.memory_space<vmem>>
      %dma_wait3A_333 = tpu.memref_slice %arg18[%mul3A_185] : memref<50176xf32, #tpu.memory_space<vmem_shared>> -> memref<3136xf32, #tpu.memory_space<vmem_shared>>
      %dma_wait3A_334 = arith.constant 0 : i32
      %dma_wait3A_335 = tpu.memref_slice %arg7[%dma_wait3A_334] : memref<10000xf32, #tpu.memory_space<vmem>> -> memref<3136xf32, #tpu.memory_space<vmem>>
      %dma_wait3A_336 = tpu.memref_slice %arg18[%mul3A_185] : memref<50176xf32, #tpu.memory_space<vmem_shared>> -> memref<3136xf32, #tpu.memory_space<vmem_shared>>
      tpu.wait_dma2 semaphore(%run_scoped3A : memref<!tpu.dma_semaphore, #tpu.memory_space<semaphore_mem>>) src(%dma_wait3A_336 : memref<3136xf32, #tpu.memory_space<vmem_shared>>) dst(%dma_wait3A_335 : memref<3136xf32, #tpu.memory_space<vmem>>)
      tpu.yield
    }) : () -> ()
    "tpu.region"() ({
      %run_scoped3A = tpu.sem_alloc : memref<!tpu.dma_semaphore, #tpu.memory_space<semaphore_mem>>
      %dma_start3A_325 = arith.constant 0 : i32
      %dma_start3A_326 = tpu.memref_slice %arg8[%dma_start3A_325] : memref<10000xf32, #tpu.memory_space<vmem>> -> memref<3136xf32, #tpu.memory_space<vmem>>
      %dma_start3A_327 = tpu.memref_slice %arg19[%mul3A_185] : memref<50176xf32, #tpu.memory_space<vmem_shared>> -> memref<3136xf32, #tpu.memory_space<vmem_shared>>
      %dma_start3A_328 = arith.constant 0 : i32
      %dma_start3A_329 = tpu.memref_slice %arg8[%dma_start3A_328] : memref<10000xf32, #tpu.memory_space<vmem>> -> memref<3136xf32, #tpu.memory_space<vmem>>
      %dma_start3A_330 = tpu.memref_slice %arg19[%mul3A_185] : memref<50176xf32, #tpu.memory_space<vmem_shared>> -> memref<3136xf32, #tpu.memory_space<vmem_shared>>
      tpu.enqueue_dma source(%dma_start3A_330 : memref<3136xf32, #tpu.memory_space<vmem_shared>>) target(%dma_start3A_329 : memref<3136xf32, #tpu.memory_space<vmem>>) target_semaphore(%run_scoped3A : memref<!tpu.dma_semaphore, #tpu.memory_space<semaphore_mem>>)
      %dma_wait3A_331 = arith.constant 0 : i32
      %dma_wait3A_332 = tpu.memref_slice %arg8[%dma_wait3A_331] : memref<10000xf32, #tpu.memory_space<vmem>> -> memref<3136xf32, #tpu.memory_space<vmem>>
      %dma_wait3A_333 = tpu.memref_slice %arg19[%mul3A_185] : memref<50176xf32, #tpu.memory_space<vmem_shared>> -> memref<3136xf32, #tpu.memory_space<vmem_shared>>
      %dma_wait3A_334 = arith.constant 0 : i32
      %dma_wait3A_335 = tpu.memref_slice %arg8[%dma_wait3A_334] : memref<10000xf32, #tpu.memory_space<vmem>> -> memref<3136xf32, #tpu.memory_space<vmem>>
      %dma_wait3A_336 = tpu.memref_slice %arg19[%mul3A_185] : memref<50176xf32, #tpu.memory_space<vmem_shared>> -> memref<3136xf32, #tpu.memory_space<vmem_shared>>
      tpu.wait_dma2 semaphore(%run_scoped3A : memref<!tpu.dma_semaphore, #tpu.memory_space<semaphore_mem>>) src(%dma_wait3A_336 : memref<3136xf32, #tpu.memory_space<vmem_shared>>) dst(%dma_wait3A_335 : memref<3136xf32, #tpu.memory_space<vmem>>)
      tpu.yield
    }) : () -> ()
    %parallel_loop3A_186 = arith.constant 0 : i32
    %parallel_loop3A_187 = arith.constant 196 : i32
    %parallel_loop3A_188 = arith.constant 1 : i32
    scf.for %parallel_loop3A_325 = %parallel_loop3A_186 to %parallel_loop3A_187 step %parallel_loop3A_188  : i32 {
      %parallel_loop3A_326 = arith.constant 16 : i32
      %parallel_loop3A_327 = arith.muli %parallel_loop3A_325, %parallel_loop3A_326 : i32
      %parallel_loop3A_328 = arith.index_cast %parallel_loop3A_327 : i32 to index
      %parallel_loop3A_329 = tpu.vector_load %arg7[%parallel_loop3A_328] {strides = array<i32>} : memref<10000xf32, #tpu.memory_space<vmem>>, vector<16xf32>,
      %parallel_loop3A_330 = arith.index_cast %parallel_loop3A_327 : i32 to index
      %parallel_loop3A_331 = tpu.vector_load %arg8[%parallel_loop3A_330] {strides = array<i32>} : memref<10000xf32, #tpu.memory_space<vmem>>, vector<16xf32>,
      %parallel_loop3A_332 = arith.divf %parallel_loop3A_329, %parallel_loop3A_331 : vector<16xf32>
      %parallel_loop3A_333 = arith.index_cast %parallel_loop3A_327 : i32 to index
      %parallel_loop3A_334 = tpu.vector_load %arg10[%parallel_loop3A_333] {strides = array<i32>} : memref<10000xf32, #tpu.memory_space<vmem>>, vector<16xf32>,
      tpu.vector_store %arg10[%parallel_loop3A_333], %parallel_loop3A_332 {strides = array<i32>} : memref<10000xf32, #tpu.memory_space<vmem>>, vector<16xf32>,
    } {sc.loop_unroll_factor = 4 : i64, sc.parallel_access}
    "tpu.region"() ({
      %run_scoped3A = tpu.sem_alloc : memref<!tpu.dma_semaphore, #tpu.memory_space<semaphore_mem>>
      %dma_start3A_325 = arith.constant 0 : i32
      %dma_start3A_326 = tpu.memref_slice %arg10[%dma_start3A_325] : memref<10000xf32, #tpu.memory_space<vmem>> -> memref<3136xf32, #tpu.memory_space<vmem>>
      %dma_start3A_327 = tpu.memref_slice %arg20[%mul3A_185] : memref<50176xf32, #tpu.memory_space<vmem_shared>> -> memref<3136xf32, #tpu.memory_space<vmem_shared>>
      %dma_start3A_328 = tpu.memref_slice %arg20[%mul3A_185] : memref<50176xf32, #tpu.memory_space<vmem_shared>> -> memref<3136xf32, #tpu.memory_space<vmem_shared>>
      %dma_start3A_329 = arith.constant 0 : i32
      %dma_start3A_330 = tpu.memref_slice %arg10[%dma_start3A_329] : memref<10000xf32, #tpu.memory_space<vmem>> -> memref<3136xf32, #tpu.memory_space<vmem>>
      tpu.enqueue_dma source(%dma_start3A_330 : memref<3136xf32, #tpu.memory_space<vmem>>) target(%dma_start3A_328 : memref<3136xf32, #tpu.memory_space<vmem_shared>>) target_semaphore(%run_scoped3A : memref<!tpu.dma_semaphore, #tpu.memory_space<semaphore_mem>>)
      %dma_wait3A_331 = arith.constant 0 : i32
      %dma_wait3A_332 = tpu.memref_slice %arg10[%dma_wait3A_331] : memref<10000xf32, #tpu.memory_space<vmem>> -> memref<3136xf32, #tpu.memory_space<vmem>>
      %dma_wait3A_333 = tpu.memref_slice %arg20[%mul3A_185] : memref<50176xf32, #tpu.memory_space<vmem_shared>> -> memref<3136xf32, #tpu.memory_space<vmem_shared>>
      %dma_wait3A_334 = tpu.memref_slice %arg20[%mul3A_185] : memref<50176xf32, #tpu.memory_space<vmem_shared>> -> memref<3136xf32, #tpu.memory_space<vmem_shared>>
      %dma_wait3A_335 = arith.constant 0 : i32
      %dma_wait3A_336 = tpu.memref_slice %arg10[%dma_wait3A_335] : memref<10000xf32, #tpu.memory_space<vmem>> -> memref<3136xf32, #tpu.memory_space<vmem>>
      tpu.wait_dma2 semaphore(%run_scoped3A : memref<!tpu.dma_semaphore, #tpu.memory_space<semaphore_mem>>) src(%dma_wait3A_336 : memref<3136xf32, #tpu.memory_space<vmem>>) dst(%dma_wait3A_334 : memref<3136xf32, #tpu.memory_space<vmem_shared>>)
      tpu.yield
    }) : () -> ()
    %barrier3A_189 = arith.constant 0 : index
    tpu.barrier barrier_id(%barrier3A_189)
    "tpu.region"() ({
      %run_scoped3A = tpu.sem_alloc : memref<!tpu.dma_semaphore, #tpu.memory_space<semaphore_mem>>
      tpu.enqueue_dma source(%arg20 : memref<50176xf32, #tpu.memory_space<vmem_shared>>) target(%arg17 : memref<50176xf32, #tpu.memory_space<vmem>>) target_semaphore(%run_scoped3A : memref<!tpu.dma_semaphore, #tpu.memory_space<semaphore_mem>>)
      tpu.wait_dma2 semaphore(%run_scoped3A : memref<!tpu.dma_semaphore, #tpu.memory_space<semaphore_mem>>) src(%arg20 : memref<50176xf32, #tpu.memory_space<vmem_shared>>) dst(%arg17 : memref<50176xf32, #tpu.memory_space<vmem>>)
      tpu.yield
    }) : () -> ()
    %mul3A_190 = arith.constant 50000 : i32
    %mul3A_191 = arith.muli %add3A, %mul3A_190 : i32
    %add3A_192 = arith.constant 0 : i32
    %add3A_193 = arith.addi %mul3A_191, %add3A_192 : i32
    %dma_start3A_194 = tpu.memref_slice %arg2[%add3A_193] : memref<1600000xf32, #tpu.memory_space<hbm>> -> memref<10000xf32, #tpu.memory_space<hbm>>
    %dma_start3A_195 = tpu.memref_slice %arg2[%add3A_193] : memref<1600000xf32, #tpu.memory_space<hbm>> -> memref<10000xf32, #tpu.memory_space<hbm>>
    tpu.enqueue_dma source(%dma_start3A_195 : memref<10000xf32, #tpu.memory_space<hbm>>) target(%arg7 : memref<10000xf32, #tpu.memory_space<vmem>>) target_semaphore(%arg21 : memref<!tpu.dma_semaphore, #tpu.memory_space<semaphore_mem>>)
    %dma_start3A_196 = tpu.memref_slice %arg3[%add3A_193] : memref<1600000xf32, #tpu.memory_space<hbm>> -> memref<10000xf32, #tpu.memory_space<hbm>>
    %dma_start3A_197 = tpu.memref_slice %arg3[%add3A_193] : memref<1600000xf32, #tpu.memory_space<hbm>> -> memref<10000xf32, #tpu.memory_space<hbm>>
    tpu.enqueue_dma source(%dma_start3A_197 : memref<10000xf32, #tpu.memory_space<hbm>>) target(%arg8 : memref<10000xf32, #tpu.memory_space<vmem>>) target_semaphore(%arg21 : memref<!tpu.dma_semaphore, #tpu.memory_space<semaphore_mem>>)
    %dma_start3A_198 = tpu.memref_slice %arg5[%add3A_193] : memref<1600000xi32, #tpu.memory_space<hbm>> -> memref<10000xi32, #tpu.memory_space<hbm>>
    %dma_start3A_199 = tpu.memref_slice %arg5[%add3A_193] : memref<1600000xi32, #tpu.memory_space<hbm>> -> memref<10000xi32, #tpu.memory_space<hbm>>
    tpu.enqueue_dma source(%dma_start3A_199 : memref<10000xi32, #tpu.memory_space<hbm>>) target(%arg9 : memref<10000xi32, #tpu.memory_space<vmem>>) target_semaphore(%arg21 : memref<!tpu.dma_semaphore, #tpu.memory_space<semaphore_mem>>)
    %dma_wait3A_200 = tpu.memref_slice %arg2[%add3A_193] : memref<1600000xf32, #tpu.memory_space<hbm>> -> memref<10000xf32, #tpu.memory_space<hbm>>
    %dma_wait3A_201 = tpu.memref_slice %arg2[%add3A_193] : memref<1600000xf32, #tpu.memory_space<hbm>> -> memref<10000xf32, #tpu.memory_space<hbm>>
    tpu.wait_dma2 semaphore(%arg21 : memref<!tpu.dma_semaphore, #tpu.memory_space<semaphore_mem>>) src(%dma_wait3A_201 : memref<10000xf32, #tpu.memory_space<hbm>>) dst(%arg7 : memref<10000xf32, #tpu.memory_space<vmem>>)
    %dma_wait3A_202 = tpu.memref_slice %arg3[%add3A_193] : memref<1600000xf32, #tpu.memory_space<hbm>> -> memref<10000xf32, #tpu.memory_space<hbm>>
    %dma_wait3A_203 = tpu.memref_slice %arg3[%add3A_193] : memref<1600000xf32, #tpu.memory_space<hbm>> -> memref<10000xf32, #tpu.memory_space<hbm>>
    tpu.wait_dma2 semaphore(%arg21 : memref<!tpu.dma_semaphore, #tpu.memory_space<semaphore_mem>>) src(%dma_wait3A_203 : memref<10000xf32, #tpu.memory_space<hbm>>) dst(%arg8 : memref<10000xf32, #tpu.memory_space<vmem>>)
    %dma_wait3A_204 = tpu.memref_slice %arg5[%add3A_193] : memref<1600000xi32, #tpu.memory_space<hbm>> -> memref<10000xi32, #tpu.memory_space<hbm>>
    %dma_wait3A_205 = tpu.memref_slice %arg5[%add3A_193] : memref<1600000xi32, #tpu.memory_space<hbm>> -> memref<10000xi32, #tpu.memory_space<hbm>>
    tpu.wait_dma2 semaphore(%arg21 : memref<!tpu.dma_semaphore, #tpu.memory_space<semaphore_mem>>) src(%dma_wait3A_205 : memref<10000xi32, #tpu.memory_space<hbm>>) dst(%arg9 : memref<10000xi32, #tpu.memory_space<vmem>>)
    %mul3A_206 = arith.constant 50000 : i32
    %mul3A_207 = arith.muli %add3A, %mul3A_206 : i32
    %add3A_208 = arith.constant 10000 : i32
    %add3A_209 = arith.addi %mul3A_207, %add3A_208 : i32
    %dma_start3A_210 = tpu.memref_slice %arg2[%add3A_209] : memref<1600000xf32, #tpu.memory_space<hbm>> -> memref<10000xf32, #tpu.memory_space<hbm>>
    %dma_start3A_211 = tpu.memref_slice %arg2[%add3A_209] : memref<1600000xf32, #tpu.memory_space<hbm>> -> memref<10000xf32, #tpu.memory_space<hbm>>
    tpu.enqueue_dma source(%dma_start3A_211 : memref<10000xf32, #tpu.memory_space<hbm>>) target(%arg10 : memref<10000xf32, #tpu.memory_space<vmem>>) target_semaphore(%arg22 : memref<!tpu.dma_semaphore, #tpu.memory_space<semaphore_mem>>)
    %dma_start3A_212 = tpu.memref_slice %arg3[%add3A_209] : memref<1600000xf32, #tpu.memory_space<hbm>> -> memref<10000xf32, #tpu.memory_space<hbm>>
    %dma_start3A_213 = tpu.memref_slice %arg3[%add3A_209] : memref<1600000xf32, #tpu.memory_space<hbm>> -> memref<10000xf32, #tpu.memory_space<hbm>>
    tpu.enqueue_dma source(%dma_start3A_213 : memref<10000xf32, #tpu.memory_space<hbm>>) target(%arg11 : memref<10000xf32, #tpu.memory_space<vmem>>) target_semaphore(%arg22 : memref<!tpu.dma_semaphore, #tpu.memory_space<semaphore_mem>>)
    %dma_start3A_214 = tpu.memref_slice %arg5[%add3A_209] : memref<1600000xi32, #tpu.memory_space<hbm>> -> memref<10000xi32, #tpu.memory_space<hbm>>
    %dma_start3A_215 = tpu.memref_slice %arg5[%add3A_209] : memref<1600000xi32, #tpu.memory_space<hbm>> -> memref<10000xi32, #tpu.memory_space<hbm>>
    tpu.enqueue_dma source(%dma_start3A_215 : memref<10000xi32, #tpu.memory_space<hbm>>) target(%arg12 : memref<10000xi32, #tpu.memory_space<vmem>>) target_semaphore(%arg22 : memref<!tpu.dma_semaphore, #tpu.memory_space<semaphore_mem>>)
    %parallel_loop3A_216 = arith.constant 0 : i32
    %parallel_loop3A_217 = arith.constant 625 : i32
    %parallel_loop3A_218 = arith.constant 1 : i32
    scf.for %parallel_loop3A_325 = %parallel_loop3A_216 to %parallel_loop3A_217 step %parallel_loop3A_218  : i32 {
      %parallel_loop3A_326 = arith.constant 16 : i32
      %parallel_loop3A_327 = arith.muli %parallel_loop3A_325, %parallel_loop3A_326 : i32
      %parallel_loop3A_328 = arith.index_cast %parallel_loop3A_327 : i32 to index
      %parallel_loop3A_329 = tpu.vector_load %arg9[%parallel_loop3A_328] {strides = array<i32>} : memref<10000xi32, #tpu.memory_space<vmem>>, vector<16xi32>,
      %parallel_loop3A_330 = tpu.vector_load_idx %arg17[%parallel_loop3A_329] : memref<50176xf32, #tpu.memory_space<vmem>>[vector<16xi32>], vector<16xf32>,
      %parallel_loop3A_331 = arith.index_cast %parallel_loop3A_327 : i32 to index
      %parallel_loop3A_332 = tpu.vector_load %arg8[%parallel_loop3A_331] {strides = array<i32>} : memref<10000xf32, #tpu.memory_space<vmem>>, vector<16xf32>,
      %parallel_loop3A_333 = arith.constant 1.000000e+00 : f32
      %parallel_loop3A_334 = vector.broadcast %parallel_loop3A_333 : f32 to vector<16xf32>
      %parallel_loop3A_335 = arith.divf %parallel_loop3A_334, %parallel_loop3A_332 : vector<16xf32>
      %parallel_loop3A_336 = arith.index_cast %parallel_loop3A_327 : i32 to index
      %parallel_loop3A_337 = tpu.vector_load %arg7[%parallel_loop3A_336] {strides = array<i32>} : memref<10000xf32, #tpu.memory_space<vmem>>, vector<16xf32>,
      %parallel_loop3A_338 = arith.subf %parallel_loop3A_330, %parallel_loop3A_337 : vector<16xf32>
      %parallel_loop3A_339 = arith.mulf %parallel_loop3A_335, %parallel_loop3A_338 : vector<16xf32>
      %parallel_loop3A_340 = arith.index_cast %parallel_loop3A_327 : i32 to index
      %parallel_loop3A_341 = tpu.vector_load %arg7[%parallel_loop3A_340] {strides = array<i32>} : memref<10000xf32, #tpu.memory_space<vmem>>, vector<16xf32>,
      tpu.vector_store %arg7[%parallel_loop3A_340], %parallel_loop3A_339 {strides = array<i32>} : memref<10000xf32, #tpu.memory_space<vmem>>, vector<16xf32>,
    } {sc.loop_unroll_factor = 5 : i64, sc.parallel_access}
    %mul3A_219 = arith.constant 50000 : i32
    %mul3A_220 = arith.muli %add3A, %mul3A_219 : i32
    %add3A_221 = arith.constant 0 : i32
    %add3A_222 = arith.addi %mul3A_220, %add3A_221 : i32
    %dma_start3A_223 = tpu.memref_slice %arg6[%add3A_222] : memref<1600000xf32, #tpu.memory_space<hbm>> -> memref<10000xf32, #tpu.memory_space<hbm>>
    %dma_start3A_224 = tpu.memref_slice %arg6[%add3A_222] : memref<1600000xf32, #tpu.memory_space<hbm>> -> memref<10000xf32, #tpu.memory_space<hbm>>
    tpu.enqueue_dma source(%arg7 : memref<10000xf32, #tpu.memory_space<vmem>>) target(%dma_start3A_224 : memref<10000xf32, #tpu.memory_space<hbm>>) target_semaphore(%arg23 : memref<!tpu.dma_semaphore, #tpu.memory_space<semaphore_mem>>)
    %dma_wait3A_225 = tpu.memref_slice %arg2[%add3A_209] : memref<1600000xf32, #tpu.memory_space<hbm>> -> memref<10000xf32, #tpu.memory_space<hbm>>
    %dma_wait3A_226 = tpu.memref_slice %arg2[%add3A_209] : memref<1600000xf32, #tpu.memory_space<hbm>> -> memref<10000xf32, #tpu.memory_space<hbm>>
    tpu.wait_dma2 semaphore(%arg22 : memref<!tpu.dma_semaphore, #tpu.memory_space<semaphore_mem>>) src(%dma_wait3A_226 : memref<10000xf32, #tpu.memory_space<hbm>>) dst(%arg10 : memref<10000xf32, #tpu.memory_space<vmem>>)
    %dma_wait3A_227 = tpu.memref_slice %arg3[%add3A_209] : memref<1600000xf32, #tpu.memory_space<hbm>> -> memref<10000xf32, #tpu.memory_space<hbm>>
    %dma_wait3A_228 = tpu.memref_slice %arg3[%add3A_209] : memref<1600000xf32, #tpu.memory_space<hbm>> -> memref<10000xf32, #tpu.memory_space<hbm>>
    tpu.wait_dma2 semaphore(%arg22 : memref<!tpu.dma_semaphore, #tpu.memory_space<semaphore_mem>>) src(%dma_wait3A_228 : memref<10000xf32, #tpu.memory_space<hbm>>) dst(%arg11 : memref<10000xf32, #tpu.memory_space<vmem>>)
    %dma_wait3A_229 = tpu.memref_slice %arg5[%add3A_209] : memref<1600000xi32, #tpu.memory_space<hbm>> -> memref<10000xi32, #tpu.memory_space<hbm>>
    %dma_wait3A_230 = tpu.memref_slice %arg5[%add3A_209] : memref<1600000xi32, #tpu.memory_space<hbm>> -> memref<10000xi32, #tpu.memory_space<hbm>>
    tpu.wait_dma2 semaphore(%arg22 : memref<!tpu.dma_semaphore, #tpu.memory_space<semaphore_mem>>) src(%dma_wait3A_230 : memref<10000xi32, #tpu.memory_space<hbm>>) dst(%arg12 : memref<10000xi32, #tpu.memory_space<vmem>>)
    %dma_wait3A_231 = tpu.memref_slice %arg6[%add3A_222] : memref<1600000xf32, #tpu.memory_space<hbm>> -> memref<10000xf32, #tpu.memory_space<hbm>>
    %dma_wait3A_232 = tpu.memref_slice %arg6[%add3A_222] : memref<1600000xf32, #tpu.memory_space<hbm>> -> memref<10000xf32, #tpu.memory_space<hbm>>
    tpu.wait_dma2 semaphore(%arg23 : memref<!tpu.dma_semaphore, #tpu.memory_space<semaphore_mem>>) src(%arg7 : memref<10000xf32, #tpu.memory_space<vmem>>) dst(%dma_wait3A_232 : memref<10000xf32, #tpu.memory_space<hbm>>)
    %mul3A_233 = arith.constant 50000 : i32
    %mul3A_234 = arith.muli %add3A, %mul3A_233 : i32
    %add3A_235 = arith.constant 20000 : i32
    %add3A_236 = arith.addi %mul3A_234, %add3A_235 : i32
    %dma_start3A_237 = tpu.memref_slice %arg2[%add3A_236] : memref<1600000xf32, #tpu.memory_space<hbm>> -> memref<10000xf32, #tpu.memory_space<hbm>>
    %dma_start3A_238 = tpu.memref_slice %arg2[%add3A_236] : memref<1600000xf32, #tpu.memory_space<hbm>> -> memref<10000xf32, #tpu.memory_space<hbm>>
    tpu.enqueue_dma source(%dma_start3A_238 : memref<10000xf32, #tpu.memory_space<hbm>>) target(%arg7 : memref<10000xf32, #tpu.memory_space<vmem>>) target_semaphore(%arg21 : memref<!tpu.dma_semaphore, #tpu.memory_space<semaphore_mem>>)
    %dma_start3A_239 = tpu.memref_slice %arg3[%add3A_236] : memref<1600000xf32, #tpu.memory_space<hbm>> -> memref<10000xf32, #tpu.memory_space<hbm>>
    %dma_start3A_240 = tpu.memref_slice %arg3[%add3A_236] : memref<1600000xf32, #tpu.memory_space<hbm>> -> memref<10000xf32, #tpu.memory_space<hbm>>
    tpu.enqueue_dma source(%dma_start3A_240 : memref<10000xf32, #tpu.memory_space<hbm>>) target(%arg8 : memref<10000xf32, #tpu.memory_space<vmem>>) target_semaphore(%arg21 : memref<!tpu.dma_semaphore, #tpu.memory_space<semaphore_mem>>)
    %dma_start3A_241 = tpu.memref_slice %arg5[%add3A_236] : memref<1600000xi32, #tpu.memory_space<hbm>> -> memref<10000xi32, #tpu.memory_space<hbm>>
    %dma_start3A_242 = tpu.memref_slice %arg5[%add3A_236] : memref<1600000xi32, #tpu.memory_space<hbm>> -> memref<10000xi32, #tpu.memory_space<hbm>>
    tpu.enqueue_dma source(%dma_start3A_242 : memref<10000xi32, #tpu.memory_space<hbm>>) target(%arg9 : memref<10000xi32, #tpu.memory_space<vmem>>) target_semaphore(%arg21 : memref<!tpu.dma_semaphore, #tpu.memory_space<semaphore_mem>>)
    %parallel_loop3A_243 = arith.constant 0 : i32
    %parallel_loop3A_244 = arith.constant 625 : i32
    %parallel_loop3A_245 = arith.constant 1 : i32
    scf.for %parallel_loop3A_325 = %parallel_loop3A_243 to %parallel_loop3A_244 step %parallel_loop3A_245  : i32 {
      %parallel_loop3A_326 = arith.constant 16 : i32
      %parallel_loop3A_327 = arith.muli %parallel_loop3A_325, %parallel_loop3A_326 : i32
      %parallel_loop3A_328 = arith.index_cast %parallel_loop3A_327 : i32 to index
      %parallel_loop3A_329 = tpu.vector_load %arg12[%parallel_loop3A_328] {strides = array<i32>} : memref<10000xi32, #tpu.memory_space<vmem>>, vector<16xi32>,
      %parallel_loop3A_330 = tpu.vector_load_idx %arg17[%parallel_loop3A_329] : memref<50176xf32, #tpu.memory_space<vmem>>[vector<16xi32>], vector<16xf32>,
      %parallel_loop3A_331 = arith.index_cast %parallel_loop3A_327 : i32 to index
      %parallel_loop3A_332 = tpu.vector_load %arg11[%parallel_loop3A_331] {strides = array<i32>} : memref<10000xf32, #tpu.memory_space<vmem>>, vector<16xf32>,
      %parallel_loop3A_333 = arith.constant 1.000000e+00 : f32
      %parallel_loop3A_334 = vector.broadcast %parallel_loop3A_333 : f32 to vector<16xf32>
      %parallel_loop3A_335 = arith.divf %parallel_loop3A_334, %parallel_loop3A_332 : vector<16xf32>
      %parallel_loop3A_336 = arith.index_cast %parallel_loop3A_327 : i32 to index
      %parallel_loop3A_337 = tpu.vector_load %arg10[%parallel_loop3A_336] {strides = array<i32>} : memref<10000xf32, #tpu.memory_space<vmem>>, vector<16xf32>,
      %parallel_loop3A_338 = arith.subf %parallel_loop3A_330, %parallel_loop3A_337 : vector<16xf32>
      %parallel_loop3A_339 = arith.mulf %parallel_loop3A_335, %parallel_loop3A_338 : vector<16xf32>
      %parallel_loop3A_340 = arith.index_cast %parallel_loop3A_327 : i32 to index
      %parallel_loop3A_341 = tpu.vector_load %arg10[%parallel_loop3A_340] {strides = array<i32>} : memref<10000xf32, #tpu.memory_space<vmem>>, vector<16xf32>,
      tpu.vector_store %arg10[%parallel_loop3A_340], %parallel_loop3A_339 {strides = array<i32>} : memref<10000xf32, #tpu.memory_space<vmem>>, vector<16xf32>,
    } {sc.loop_unroll_factor = 5 : i64, sc.parallel_access}
    %mul3A_246 = arith.constant 50000 : i32
    %mul3A_247 = arith.muli %add3A, %mul3A_246 : i32
    %add3A_248 = arith.constant 10000 : i32
    %add3A_249 = arith.addi %mul3A_247, %add3A_248 : i32
    %dma_start3A_250 = tpu.memref_slice %arg6[%add3A_249] : memref<1600000xf32, #tpu.memory_space<hbm>> -> memref<10000xf32, #tpu.memory_space<hbm>>
    %dma_start3A_251 = tpu.memref_slice %arg6[%add3A_249] : memref<1600000xf32, #tpu.memory_space<hbm>> -> memref<10000xf32, #tpu.memory_space<hbm>>
    tpu.enqueue_dma source(%arg10 : memref<10000xf32, #tpu.memory_space<vmem>>) target(%dma_start3A_251 : memref<10000xf32, #tpu.memory_space<hbm>>) target_semaphore(%arg24 : memref<!tpu.dma_semaphore, #tpu.memory_space<semaphore_mem>>)
    %dma_wait3A_252 = tpu.memref_slice %arg2[%add3A_236] : memref<1600000xf32, #tpu.memory_space<hbm>> -> memref<10000xf32, #tpu.memory_space<hbm>>
    %dma_wait3A_253 = tpu.memref_slice %arg2[%add3A_236] : memref<1600000xf32, #tpu.memory_space<hbm>> -> memref<10000xf32, #tpu.memory_space<hbm>>
    tpu.wait_dma2 semaphore(%arg21 : memref<!tpu.dma_semaphore, #tpu.memory_space<semaphore_mem>>) src(%dma_wait3A_253 : memref<10000xf32, #tpu.memory_space<hbm>>) dst(%arg7 : memref<10000xf32, #tpu.memory_space<vmem>>)
    %dma_wait3A_254 = tpu.memref_slice %arg3[%add3A_236] : memref<1600000xf32, #tpu.memory_space<hbm>> -> memref<10000xf32, #tpu.memory_space<hbm>>
    %dma_wait3A_255 = tpu.memref_slice %arg3[%add3A_236] : memref<1600000xf32, #tpu.memory_space<hbm>> -> memref<10000xf32, #tpu.memory_space<hbm>>
    tpu.wait_dma2 semaphore(%arg21 : memref<!tpu.dma_semaphore, #tpu.memory_space<semaphore_mem>>) src(%dma_wait3A_255 : memref<10000xf32, #tpu.memory_space<hbm>>) dst(%arg8 : memref<10000xf32, #tpu.memory_space<vmem>>)
    %dma_wait3A_256 = tpu.memref_slice %arg5[%add3A_236] : memref<1600000xi32, #tpu.memory_space<hbm>> -> memref<10000xi32, #tpu.memory_space<hbm>>
    %dma_wait3A_257 = tpu.memref_slice %arg5[%add3A_236] : memref<1600000xi32, #tpu.memory_space<hbm>> -> memref<10000xi32, #tpu.memory_space<hbm>>
    tpu.wait_dma2 semaphore(%arg21 : memref<!tpu.dma_semaphore, #tpu.memory_space<semaphore_mem>>) src(%dma_wait3A_257 : memref<10000xi32, #tpu.memory_space<hbm>>) dst(%arg9 : memref<10000xi32, #tpu.memory_space<vmem>>)
    %dma_wait3A_258 = tpu.memref_slice %arg6[%add3A_249] : memref<1600000xf32, #tpu.memory_space<hbm>> -> memref<10000xf32, #tpu.memory_space<hbm>>
    %dma_wait3A_259 = tpu.memref_slice %arg6[%add3A_249] : memref<1600000xf32, #tpu.memory_space<hbm>> -> memref<10000xf32, #tpu.memory_space<hbm>>
    tpu.wait_dma2 semaphore(%arg24 : memref<!tpu.dma_semaphore, #tpu.memory_space<semaphore_mem>>) src(%arg10 : memref<10000xf32, #tpu.memory_space<vmem>>) dst(%dma_wait3A_259 : memref<10000xf32, #tpu.memory_space<hbm>>)
    %mul3A_260 = arith.constant 50000 : i32
    %mul3A_261 = arith.muli %add3A, %mul3A_260 : i32
    %add3A_262 = arith.constant 30000 : i32
    %add3A_263 = arith.addi %mul3A_261, %add3A_262 : i32
    %dma_start3A_264 = tpu.memref_slice %arg2[%add3A_263] : memref<1600000xf32, #tpu.memory_space<hbm>> -> memref<10000xf32, #tpu.memory_space<hbm>>
    %dma_start3A_265 = tpu.memref_slice %arg2[%add3A_263] : memref<1600000xf32, #tpu.memory_space<hbm>> -> memref<10000xf32, #tpu.memory_space<hbm>>
    tpu.enqueue_dma source(%dma_start3A_265 : memref<10000xf32, #tpu.memory_space<hbm>>) target(%arg10 : memref<10000xf32, #tpu.memory_space<vmem>>) target_semaphore(%arg22 : memref<!tpu.dma_semaphore, #tpu.memory_space<semaphore_mem>>)
    %dma_start3A_266 = tpu.memref_slice %arg3[%add3A_263] : memref<1600000xf32, #tpu.memory_space<hbm>> -> memref<10000xf32, #tpu.memory_space<hbm>>
    %dma_start3A_267 = tpu.memref_slice %arg3[%add3A_263] : memref<1600000xf32, #tpu.memory_space<hbm>> -> memref<10000xf32, #tpu.memory_space<hbm>>
    tpu.enqueue_dma source(%dma_start3A_267 : memref<10000xf32, #tpu.memory_space<hbm>>) target(%arg11 : memref<10000xf32, #tpu.memory_space<vmem>>) target_semaphore(%arg22 : memref<!tpu.dma_semaphore, #tpu.memory_space<semaphore_mem>>)
    %dma_start3A_268 = tpu.memref_slice %arg5[%add3A_263] : memref<1600000xi32, #tpu.memory_space<hbm>> -> memref<10000xi32, #tpu.memory_space<hbm>>
    %dma_start3A_269 = tpu.memref_slice %arg5[%add3A_263] : memref<1600000xi32, #tpu.memory_space<hbm>> -> memref<10000xi32, #tpu.memory_space<hbm>>
    tpu.enqueue_dma source(%dma_start3A_269 : memref<10000xi32, #tpu.memory_space<hbm>>) target(%arg12 : memref<10000xi32, #tpu.memory_space<vmem>>) target_semaphore(%arg22 : memref<!tpu.dma_semaphore, #tpu.memory_space<semaphore_mem>>)
    %parallel_loop3A_270 = arith.constant 0 : i32
    %parallel_loop3A_271 = arith.constant 625 : i32
    %parallel_loop3A_272 = arith.constant 1 : i32
    scf.for %parallel_loop3A_325 = %parallel_loop3A_270 to %parallel_loop3A_271 step %parallel_loop3A_272  : i32 {
      %parallel_loop3A_326 = arith.constant 16 : i32
      %parallel_loop3A_327 = arith.muli %parallel_loop3A_325, %parallel_loop3A_326 : i32
      %parallel_loop3A_328 = arith.index_cast %parallel_loop3A_327 : i32 to index
      %parallel_loop3A_329 = tpu.vector_load %arg9[%parallel_loop3A_328] {strides = array<i32>} : memref<10000xi32, #tpu.memory_space<vmem>>, vector<16xi32>,
      %parallel_loop3A_330 = tpu.vector_load_idx %arg17[%parallel_loop3A_329] : memref<50176xf32, #tpu.memory_space<vmem>>[vector<16xi32>], vector<16xf32>,
      %parallel_loop3A_331 = arith.index_cast %parallel_loop3A_327 : i32 to index
      %parallel_loop3A_332 = tpu.vector_load %arg8[%parallel_loop3A_331] {strides = array<i32>} : memref<10000xf32, #tpu.memory_space<vmem>>, vector<16xf32>,
      %parallel_loop3A_333 = arith.constant 1.000000e+00 : f32
      %parallel_loop3A_334 = vector.broadcast %parallel_loop3A_333 : f32 to vector<16xf32>
      %parallel_loop3A_335 = arith.divf %parallel_loop3A_334, %parallel_loop3A_332 : vector<16xf32>
      %parallel_loop3A_336 = arith.index_cast %parallel_loop3A_327 : i32 to index
      %parallel_loop3A_337 = tpu.vector_load %arg7[%parallel_loop3A_336] {strides = array<i32>} : memref<10000xf32, #tpu.memory_space<vmem>>, vector<16xf32>,
      %parallel_loop3A_338 = arith.subf %parallel_loop3A_330, %parallel_loop3A_337 : vector<16xf32>
      %parallel_loop3A_339 = arith.mulf %parallel_loop3A_335, %parallel_loop3A_338 : vector<16xf32>
      %parallel_loop3A_340 = arith.index_cast %parallel_loop3A_327 : i32 to index
      %parallel_loop3A_341 = tpu.vector_load %arg7[%parallel_loop3A_340] {strides = array<i32>} : memref<10000xf32, #tpu.memory_space<vmem>>, vector<16xf32>,
      tpu.vector_store %arg7[%parallel_loop3A_340], %parallel_loop3A_339 {strides = array<i32>} : memref<10000xf32, #tpu.memory_space<vmem>>, vector<16xf32>,
    } {sc.loop_unroll_factor = 5 : i64, sc.parallel_access}
    %mul3A_273 = arith.constant 50000 : i32
    %mul3A_274 = arith.muli %add3A, %mul3A_273 : i32
    %add3A_275 = arith.constant 20000 : i32
    %add3A_276 = arith.addi %mul3A_274, %add3A_275 : i32
    %dma_start3A_277 = tpu.memref_slice %arg6[%add3A_276] : memref<1600000xf32, #tpu.memory_space<hbm>> -> memref<10000xf32, #tpu.memory_space<hbm>>
    %dma_start3A_278 = tpu.memref_slice %arg6[%add3A_276] : memref<1600000xf32, #tpu.memory_space<hbm>> -> memref<10000xf32, #tpu.memory_space<hbm>>
    tpu.enqueue_dma source(%arg7 : memref<10000xf32, #tpu.memory_space<vmem>>) target(%dma_start3A_278 : memref<10000xf32, #tpu.memory_space<hbm>>) target_semaphore(%arg23 : memref<!tpu.dma_semaphore, #tpu.memory_space<semaphore_mem>>)
    %dma_wait3A_279 = tpu.memref_slice %arg2[%add3A_263] : memref<1600000xf32, #tpu.memory_space<hbm>> -> memref<10000xf32, #tpu.memory_space<hbm>>
    %dma_wait3A_280 = tpu.memref_slice %arg2[%add3A_263] : memref<1600000xf32, #tpu.memory_space<hbm>> -> memref<10000xf32, #tpu.memory_space<hbm>>
    tpu.wait_dma2 semaphore(%arg22 : memref<!tpu.dma_semaphore, #tpu.memory_space<semaphore_mem>>) src(%dma_wait3A_280 : memref<10000xf32, #tpu.memory_space<hbm>>) dst(%arg10 : memref<10000xf32, #tpu.memory_space<vmem>>)
    %dma_wait3A_281 = tpu.memref_slice %arg3[%add3A_263] : memref<1600000xf32, #tpu.memory_space<hbm>> -> memref<10000xf32, #tpu.memory_space<hbm>>
    %dma_wait3A_282 = tpu.memref_slice %arg3[%add3A_263] : memref<1600000xf32, #tpu.memory_space<hbm>> -> memref<10000xf32, #tpu.memory_space<hbm>>
    tpu.wait_dma2 semaphore(%arg22 : memref<!tpu.dma_semaphore, #tpu.memory_space<semaphore_mem>>) src(%dma_wait3A_282 : memref<10000xf32, #tpu.memory_space<hbm>>) dst(%arg11 : memref<10000xf32, #tpu.memory_space<vmem>>)
    %dma_wait3A_283 = tpu.memref_slice %arg5[%add3A_263] : memref<1600000xi32, #tpu.memory_space<hbm>> -> memref<10000xi32, #tpu.memory_space<hbm>>
    %dma_wait3A_284 = tpu.memref_slice %arg5[%add3A_263] : memref<1600000xi32, #tpu.memory_space<hbm>> -> memref<10000xi32, #tpu.memory_space<hbm>>
    tpu.wait_dma2 semaphore(%arg22 : memref<!tpu.dma_semaphore, #tpu.memory_space<semaphore_mem>>) src(%dma_wait3A_284 : memref<10000xi32, #tpu.memory_space<hbm>>) dst(%arg12 : memref<10000xi32, #tpu.memory_space<vmem>>)
    %dma_wait3A_285 = tpu.memref_slice %arg6[%add3A_276] : memref<1600000xf32, #tpu.memory_space<hbm>> -> memref<10000xf32, #tpu.memory_space<hbm>>
    %dma_wait3A_286 = tpu.memref_slice %arg6[%add3A_276] : memref<1600000xf32, #tpu.memory_space<hbm>> -> memref<10000xf32, #tpu.memory_space<hbm>>
    tpu.wait_dma2 semaphore(%arg23 : memref<!tpu.dma_semaphore, #tpu.memory_space<semaphore_mem>>) src(%arg7 : memref<10000xf32, #tpu.memory_space<vmem>>) dst(%dma_wait3A_286 : memref<10000xf32, #tpu.memory_space<hbm>>)
    %mul3A_287 = arith.constant 50000 : i32
    %mul3A_288 = arith.muli %add3A, %mul3A_287 : i32
    %add3A_289 = arith.constant 40000 : i32
    %add3A_290 = arith.addi %mul3A_288, %add3A_289 : i32
    %dma_start3A_291 = tpu.memref_slice %arg2[%add3A_290] : memref<1600000xf32, #tpu.memory_space<hbm>> -> memref<10000xf32, #tpu.memory_space<hbm>>
    %dma_start3A_292 = tpu.memref_slice %arg2[%add3A_290] : memref<1600000xf32, #tpu.memory_space<hbm>> -> memref<10000xf32, #tpu.memory_space<hbm>>
    tpu.enqueue_dma source(%dma_start3A_292 : memref<10000xf32, #tpu.memory_space<hbm>>) target(%arg7 : memref<10000xf32, #tpu.memory_space<vmem>>) target_semaphore(%arg21 : memref<!tpu.dma_semaphore, #tpu.memory_space<semaphore_mem>>)
    %dma_start3A_293 = tpu.memref_slice %arg3[%add3A_290] : memref<1600000xf32, #tpu.memory_space<hbm>> -> memref<10000xf32, #tpu.memory_space<hbm>>
    %dma_start3A_294 = tpu.memref_slice %arg3[%add3A_290] : memref<1600000xf32, #tpu.memory_space<hbm>> -> memref<10000xf32, #tpu.memory_space<hbm>>
    tpu.enqueue_dma source(%dma_start3A_294 : memref<10000xf32, #tpu.memory_space<hbm>>) target(%arg8 : memref<10000xf32, #tpu.memory_space<vmem>>) target_semaphore(%arg21 : memref<!tpu.dma_semaphore, #tpu.memory_space<semaphore_mem>>)
    %dma_start3A_295 = tpu.memref_slice %arg5[%add3A_290] : memref<1600000xi32, #tpu.memory_space<hbm>> -> memref<10000xi32, #tpu.memory_space<hbm>>
    %dma_start3A_296 = tpu.memref_slice %arg5[%add3A_290] : memref<1600000xi32, #tpu.memory_space<hbm>> -> memref<10000xi32, #tpu.memory_space<hbm>>
    tpu.enqueue_dma source(%dma_start3A_296 : memref<10000xi32, #tpu.memory_space<hbm>>) target(%arg9 : memref<10000xi32, #tpu.memory_space<vmem>>) target_semaphore(%arg21 : memref<!tpu.dma_semaphore, #tpu.memory_space<semaphore_mem>>)
    %parallel_loop3A_297 = arith.constant 0 : i32
    %parallel_loop3A_298 = arith.constant 625 : i32
    %parallel_loop3A_299 = arith.constant 1 : i32
    scf.for %parallel_loop3A_325 = %parallel_loop3A_297 to %parallel_loop3A_298 step %parallel_loop3A_299  : i32 {
      %parallel_loop3A_326 = arith.constant 16 : i32
      %parallel_loop3A_327 = arith.muli %parallel_loop3A_325, %parallel_loop3A_326 : i32
      %parallel_loop3A_328 = arith.index_cast %parallel_loop3A_327 : i32 to index
      %parallel_loop3A_329 = tpu.vector_load %arg12[%parallel_loop3A_328] {strides = array<i32>} : memref<10000xi32, #tpu.memory_space<vmem>>, vector<16xi32>,
      %parallel_loop3A_330 = tpu.vector_load_idx %arg17[%parallel_loop3A_329] : memref<50176xf32, #tpu.memory_space<vmem>>[vector<16xi32>], vector<16xf32>,
      %parallel_loop3A_331 = arith.index_cast %parallel_loop3A_327 : i32 to index
      %parallel_loop3A_332 = tpu.vector_load %arg11[%parallel_loop3A_331] {strides = array<i32>} : memref<10000xf32, #tpu.memory_space<vmem>>, vector<16xf32>,
      %parallel_loop3A_333 = arith.constant 1.000000e+00 : f32
      %parallel_loop3A_334 = vector.broadcast %parallel_loop3A_333 : f32 to vector<16xf32>
      %parallel_loop3A_335 = arith.divf %parallel_loop3A_334, %parallel_loop3A_332 : vector<16xf32>
      %parallel_loop3A_336 = arith.index_cast %parallel_loop3A_327 : i32 to index
      %parallel_loop3A_337 = tpu.vector_load %arg10[%parallel_loop3A_336] {strides = array<i32>} : memref<10000xf32, #tpu.memory_space<vmem>>, vector<16xf32>,
      %parallel_loop3A_338 = arith.subf %parallel_loop3A_330, %parallel_loop3A_337 : vector<16xf32>
      %parallel_loop3A_339 = arith.mulf %parallel_loop3A_335, %parallel_loop3A_338 : vector<16xf32>
      %parallel_loop3A_340 = arith.index_cast %parallel_loop3A_327 : i32 to index
      %parallel_loop3A_341 = tpu.vector_load %arg10[%parallel_loop3A_340] {strides = array<i32>} : memref<10000xf32, #tpu.memory_space<vmem>>, vector<16xf32>,
      tpu.vector_store %arg10[%parallel_loop3A_340], %parallel_loop3A_339 {strides = array<i32>} : memref<10000xf32, #tpu.memory_space<vmem>>, vector<16xf32>,
    } {sc.loop_unroll_factor = 5 : i64, sc.parallel_access}
    %mul3A_300 = arith.constant 50000 : i32
    %mul3A_301 = arith.muli %add3A, %mul3A_300 : i32
    %add3A_302 = arith.constant 30000 : i32
    %add3A_303 = arith.addi %mul3A_301, %add3A_302 : i32
    %dma_start3A_304 = tpu.memref_slice %arg6[%add3A_303] : memref<1600000xf32, #tpu.memory_space<hbm>> -> memref<10000xf32, #tpu.memory_space<hbm>>
    %dma_start3A_305 = tpu.memref_slice %arg6[%add3A_303] : memref<1600000xf32, #tpu.memory_space<hbm>> -> memref<10000xf32, #tpu.memory_space<hbm>>
    tpu.enqueue_dma source(%arg10 : memref<10000xf32, #tpu.memory_space<vmem>>) target(%dma_start3A_305 : memref<10000xf32, #tpu.memory_space<hbm>>) target_semaphore(%arg24 : memref<!tpu.dma_semaphore, #tpu.memory_space<semaphore_mem>>)
    %dma_wait3A_306 = tpu.memref_slice %arg2[%add3A_290] : memref<1600000xf32, #tpu.memory_space<hbm>> -> memref<10000xf32, #tpu.memory_space<hbm>>
    %dma_wait3A_307 = tpu.memref_slice %arg2[%add3A_290] : memref<1600000xf32, #tpu.memory_space<hbm>> -> memref<10000xf32, #tpu.memory_space<hbm>>
    tpu.wait_dma2 semaphore(%arg21 : memref<!tpu.dma_semaphore, #tpu.memory_space<semaphore_mem>>) src(%dma_wait3A_307 : memref<10000xf32, #tpu.memory_space<hbm>>) dst(%arg7 : memref<10000xf32, #tpu.memory_space<vmem>>)
    %dma_wait3A_308 = tpu.memref_slice %arg3[%add3A_290] : memref<1600000xf32, #tpu.memory_space<hbm>> -> memref<10000xf32, #tpu.memory_space<hbm>>
    %dma_wait3A_309 = tpu.memref_slice %arg3[%add3A_290] : memref<1600000xf32, #tpu.memory_space<hbm>> -> memref<10000xf32, #tpu.memory_space<hbm>>
    tpu.wait_dma2 semaphore(%arg21 : memref<!tpu.dma_semaphore, #tpu.memory_space<semaphore_mem>>) src(%dma_wait3A_309 : memref<10000xf32, #tpu.memory_space<hbm>>) dst(%arg8 : memref<10000xf32, #tpu.memory_space<vmem>>)
    %dma_wait3A_310 = tpu.memref_slice %arg5[%add3A_290] : memref<1600000xi32, #tpu.memory_space<hbm>> -> memref<10000xi32, #tpu.memory_space<hbm>>
    %dma_wait3A_311 = tpu.memref_slice %arg5[%add3A_290] : memref<1600000xi32, #tpu.memory_space<hbm>> -> memref<10000xi32, #tpu.memory_space<hbm>>
    tpu.wait_dma2 semaphore(%arg21 : memref<!tpu.dma_semaphore, #tpu.memory_space<semaphore_mem>>) src(%dma_wait3A_311 : memref<10000xi32, #tpu.memory_space<hbm>>) dst(%arg9 : memref<10000xi32, #tpu.memory_space<vmem>>)
    %parallel_loop3A_312 = arith.constant 0 : i32
    %parallel_loop3A_313 = arith.constant 625 : i32
    %parallel_loop3A_314 = arith.constant 1 : i32
    scf.for %parallel_loop3A_325 = %parallel_loop3A_312 to %parallel_loop3A_313 step %parallel_loop3A_314  : i32 {
      %parallel_loop3A_326 = arith.constant 16 : i32
      %parallel_loop3A_327 = arith.muli %parallel_loop3A_325, %parallel_loop3A_326 : i32
      %parallel_loop3A_328 = arith.index_cast %parallel_loop3A_327 : i32 to index
      %parallel_loop3A_329 = tpu.vector_load %arg9[%parallel_loop3A_328] {strides = array<i32>} : memref<10000xi32, #tpu.memory_space<vmem>>, vector<16xi32>,
      %parallel_loop3A_330 = tpu.vector_load_idx %arg17[%parallel_loop3A_329] : memref<50176xf32, #tpu.memory_space<vmem>>[vector<16xi32>], vector<16xf32>,
      %parallel_loop3A_331 = arith.index_cast %parallel_loop3A_327 : i32 to index
      %parallel_loop3A_332 = tpu.vector_load %arg8[%parallel_loop3A_331] {strides = array<i32>} : memref<10000xf32, #tpu.memory_space<vmem>>, vector<16xf32>,
      %parallel_loop3A_333 = arith.constant 1.000000e+00 : f32
      %parallel_loop3A_334 = vector.broadcast %parallel_loop3A_333 : f32 to vector<16xf32>
      %parallel_loop3A_335 = arith.divf %parallel_loop3A_334, %parallel_loop3A_332 : vector<16xf32>
      %parallel_loop3A_336 = arith.index_cast %parallel_loop3A_327 : i32 to index
      %parallel_loop3A_337 = tpu.vector_load %arg7[%parallel_loop3A_336] {strides = array<i32>} : memref<10000xf32, #tpu.memory_space<vmem>>, vector<16xf32>,
      %parallel_loop3A_338 = arith.subf %parallel_loop3A_330, %parallel_loop3A_337 : vector<16xf32>
      %parallel_loop3A_339 = arith.mulf %parallel_loop3A_335, %parallel_loop3A_338 : vector<16xf32>
      %parallel_loop3A_340 = arith.index_cast %parallel_loop3A_327 : i32 to index
      %parallel_loop3A_341 = tpu.vector_load %arg7[%parallel_loop3A_340] {strides = array<i32>} : memref<10000xf32, #tpu.memory_space<vmem>>, vector<16xf32>,
      tpu.vector_store %arg7[%parallel_loop3A_340], %parallel_loop3A_339 {strides = array<i32>} : memref<10000xf32, #tpu.memory_space<vmem>>, vector<16xf32>,
    } {sc.loop_unroll_factor = 5 : i64, sc.parallel_access}
    %mul3A_315 = arith.constant 50000 : i32
    %mul3A_316 = arith.muli %add3A, %mul3A_315 : i32
    %add3A_317 = arith.constant 40000 : i32
    %add3A_318 = arith.addi %mul3A_316, %add3A_317 : i32
    %dma_start3A_319 = tpu.memref_slice %arg6[%add3A_318] : memref<1600000xf32, #tpu.memory_space<hbm>> -> memref<10000xf32, #tpu.memory_space<hbm>>
    %dma_start3A_320 = tpu.memref_slice %arg6[%add3A_318] : memref<1600000xf32, #tpu.memory_space<hbm>> -> memref<10000xf32, #tpu.memory_space<hbm>>
    tpu.enqueue_dma source(%arg7 : memref<10000xf32, #tpu.memory_space<vmem>>) target(%dma_start3A_320 : memref<10000xf32, #tpu.memory_space<hbm>>) target_semaphore(%arg23 : memref<!tpu.dma_semaphore, #tpu.memory_space<semaphore_mem>>)
    %dma_wait3A_321 = tpu.memref_slice %arg6[%add3A_303] : memref<1600000xf32, #tpu.memory_space<hbm>> -> memref<10000xf32, #tpu.memory_space<hbm>>
    %dma_wait3A_322 = tpu.memref_slice %arg6[%add3A_303] : memref<1600000xf32, #tpu.memory_space<hbm>> -> memref<10000xf32, #tpu.memory_space<hbm>>
    tpu.wait_dma2 semaphore(%arg24 : memref<!tpu.dma_semaphore, #tpu.memory_space<semaphore_mem>>) src(%arg10 : memref<10000xf32, #tpu.memory_space<vmem>>) dst(%dma_wait3A_322 : memref<10000xf32, #tpu.memory_space<hbm>>)
    %dma_wait3A_323 = tpu.memref_slice %arg6[%add3A_318] : memref<1600000xf32, #tpu.memory_space<hbm>> -> memref<10000xf32, #tpu.memory_space<hbm>>
    %dma_wait3A_324 = tpu.memref_slice %arg6[%add3A_318] : memref<1600000xf32, #tpu.memory_space<hbm>> -> memref<10000xf32, #tpu.memory_space<hbm>>
    tpu.wait_dma2 semaphore(%arg23 : memref<!tpu.dma_semaphore, #tpu.memory_space<semaphore_mem>>) src(%arg7 : memref<10000xf32, #tpu.memory_space<vmem>>) dst(%dma_wait3A_324 : memref<10000xf32, #tpu.memory_space<hbm>>)
    return
  }
}

</mosaic_0001>

<sc_bundles>
// kernel: kernel.3.cloned.1.call-start
scs
__scs_entry_jumppad:
0x0: {  	(pc) =	sbr.rel $0x88, $3  }
0x1: {  	(tag) =	ssettag $0x0;
	lr =	simm.s32 $0x1  }
0x2: {  	[smem:$0x3F9E] =	sst lr;
	_ =	strace $0xD0000000  }
0x3: {  	_ = 	snop  }
0x4: {  	_ = 	snop  }
0x5: {  	_ = 	snop  }
0x6: {  	_ = 	snop  }
0x7: {  	_ = 	snop  }
__scs_overlays_trampoline_lowered:
0x8: {  	[smem:$0x3FAD] =	sst s0  }
0x9: {  	[smem:$0x3FAE] =	sst s1  }
0xa: {  	[smem:$0x3FAF] =	sst s2  }
0xb: {  	[smem:$0x3FB0] =	sst s3  }
0xc: {  	[smem:$0x3FB1] =	sst s4  }
0xd: {  	[smem:$0x3FB2] =	sst s5  }
0xe: {  	[smem:$0x3FB3] =	sst s6  }
0xf: {  	[smem:$0x3FB4] =	sst s7  }
0x10: {  	[smem:$0x3FB5] =	sst s8  }
0x11: {  	[smem:$0x3FB6] =	sst s9;
	s0 =	simm.s32 @!p0 $0x0  }
0x12: {  	s1 =	sld [smem:$0x3F9C];
	s0 =	simm.s32 @p0 $0x1  }
0x13: {  	[smem:$0x3FB7] =	sst s0;
	s0 =	simm.s32 @!p1 $0x0  }
0x14: {  	s2 =	sld [smem:$0x3F9B];
	s0 =	simm.s32 @p1 $0x1  }
0x15: {  	[smem:$0x3FB8] =	sst s0;
	s0 =	simm.s32 @!p2 $0x0  }
0x16: {  	s3 =	sld [smem:$0x3FDB];
	s0 =	simm.s32 @p2 $0x1  }
0x17: {  	s4 =	simm.s32 $0x1BF5;
	[smem:$0x3FBA] =	sst s0  }
0x18: {  	s0 =	sld [smem:$0x3F9D];
	_ =	swait.ge [sflag:s4], $0x0  }
0x19: {  	s7 =	sld [smem:$0x3F9E]  }
0x1a: {  	s8 =	sadd.s32 $0xFFFFE003, lr  }
0x1b: {  	s9 =	sadd.s32 $0xFFFFFEF7, lr;
	s5 =	simm.s32 $0xFFFFFFFF;
	p2 =	slt.u32 s8, $0xFFFFF086  }
0x1c: {  	p1 =	slt.u32 s9, $0xF7A;
	s5 =	simm.s32 @!p2 $0x0  }
0x1d: {  	s5 =	simm.s32 @p1 $0x1;
	p0 =	seq.s32 s7, s2  }
0x1e: {  	s7 =	smul.u32 @!p0 $0xF7A, s2;
	p2 =	seq.s32 @!p0 s5, $0x0  }
0x1f: {  	s9 =	smul.u32 $0xF7A, s1;
	s8 =	simm.s32 @!p0 $0x1BF5;
	p2 =	por !p2, p0  }
0x20: {  	[sflag:s8] =	ssyncset.s32 @!p0 $0xFFFFF086;
	s6 =	sadd.s32 @!p0 s3, s7;
	s7 =	simm.s32 @!p0 $0x108  }
0x21: {  	s3 =	sadd.s32 s3, s9;
	s6 =	sadd.s32 @!p0 $0x88, s6;
	s7 =	simm.s32 @p2 $0x1082  }
0x22: {  	[simem:s7], [sflag:s8] =	dma.local @!p0 [hbm:s6], $0xF7A  }
0x23: {  	s9 =	sor.u32 $0xD0000000, s2;
	s6 =	simm.s32 $0x108;
	_ =	swait.ge @!p0 [sflag:s8], $0x0  }
0x24: {  	s3 =	sadd.s32 $0x88, s3;
	s6 =	simm.s32 @!p1 $0x1082;
	[sflag:s4] =	ssyncset.s32 $0xFFFFF086  }
0x25: {  	[simem:s6], [sflag:s4] =	dma.local [hbm:s3], $0xF7A  }
0x26: {  	[smem:$0x3F9E] =	sst s1;
	(tag) =	ssettag s2;
	_ =	strace s9  }
0x27: {  	s1 =	sld [smem:$0x3FAE]  }
0x28: {  	s2 =	sld [smem:$0x3FAF]  }
0x29: {  	s4 =	sld [smem:$0x3FB1]  }
0x2a: {  	p0 =	seq.s32 s5, $0x0;
	s5 =	sld [smem:$0x3FB2]  }
0x2b: {  	s6 =	sld [smem:$0x3FB3]  }
0x2c: {  	s7 =	sld [smem:$0x3FB4]  }
0x2d: {  	s3 =	simm.s32 $0x108;
	s8 =	sld [smem:$0x3FB5]  }
0x2e: {  	s3 =	simm.s32 @!p0 $0x1082;
	s9 =	sld [smem:$0x3FB6]  }
0x2f: {  	lr =	sadd.s32 s0, s3;
	s0 =	sld [smem:$0x3FAD]  }
0x30: {  	s3 =	sld [smem:$0x3FB0]  }
0x31: {  	[smem:$0x3FB9] =	sst s10  }
0x32: {  	s10 =	sld [smem:$0x3FB7];
	_ =	sdelay $0x3  }
0x33: {  	p0 =	seq.s32 s10, $0x1;
	s10 =	sld [smem:$0x3FB9];
	_ =	sdelay $0x3  }
0x34: {  	[smem:$0x3FB9] =	sst s10  }
0x35: {  	s10 =	sld [smem:$0x3FB8];
	_ =	sdelay $0x3  }
0x36: {  	p1 =	seq.s32 s10, $0x1;
	s10 =	sld [smem:$0x3FB9];
	_ =	sdelay $0x3  }
0x37: {  	[smem:$0x3FB9] =	sst s10  }
0x38: {  	s10 =	sld [smem:$0x3FBA]  }
0x39: {  	_ = 	snop;
	(pc) =	sbr.ind lr, $3  }
0x3a: {  	_ = 	snop  }
0x3b: {  	_ = 	snop  }
0x3c: {  	p2 =	seq.s32 s10, $0x1;
	s10 =	sld [smem:$0x3FB9]  }
0x3d: {  	_ =	shalt  }
0x3e: {  	_ =	shalt  }
0x3f: {  	_ =	shalt  }
0x40: {  	_ =	shalt  }
0x41: {  	_ =	shalt  }
0x42: {  	_ =	shalt  }
0x43: {  	_ =	shalt  }
0x44: {  	_ =	shalt  }
0x45: {  	_ =	shalt  }
0x46: {  	_ =	shalt  }
0x47: {  	_ =	shalt  }
0x48: {  	_ =	shalt  }
0x49: {  	_ =	shalt  }
0x4a: {  	_ =	shalt  }
0x4b: {  	_ =	shalt  }
0x4c: {  	_ =	shalt  }
0x4d: {  	_ =	shalt  }
0x4e: {  	_ =	shalt  }
0x4f: {  	_ =	shalt  }
0x50: {  	_ =	shalt  }
0x51: {  	_ =	shalt  }
0x52: {  	_ =	shalt  }
0x53: {  	_ =	shalt  }
0x54: {  	_ =	shalt  }
0x55: {  	_ =	shalt  }
0x56: {  	_ =	shalt  }
0x57: {  	_ =	shalt  }
0x58: {  	_ =	shalt  }
0x59: {  	_ =	shalt  }
0x5a: {  	_ =	shalt  }
0x5b: {  	_ =	shalt  }
0x5c: {  	_ =	shalt  }
0x5d: {  	_ =	shalt  }
0x5e: {  	_ =	shalt  }
0x5f: {  	_ =	shalt  }
0x60: {  	_ =	shalt  }
0x61: {  	_ =	shalt  }
0x62: {  	_ =	shalt  }
0x63: {  	_ =	shalt  }
0x64: {  	_ =	shalt  }
0x65: {  	_ =	shalt  }
0x66: {  	_ =	shalt  }
0x67: {  	_ =	shalt  }
0x68: {  	_ =	shalt  }
0x69: {  	_ =	shalt  }
0x6a: {  	_ =	shalt  }
0x6b: {  	_ =	shalt  }
0x6c: {  	_ =	shalt  }
0x6d: {  	_ =	shalt  }
0x6e: {  	_ =	shalt  }
0x6f: {  	_ =	shalt  }
0x70: {  	_ =	shalt  }
0x71: {  	_ =	shalt  }
0x72: {  	_ =	shalt  }
0x73: {  	_ =	shalt  }
0x74: {  	_ =	shalt  }
0x75: {  	_ =	shalt  }
0x76: {  	_ =	shalt  }
0x77: {  	_ =	shalt  }
0x78: {  	_ =	shalt  }
0x79: {  	_ =	shalt  }
0x7a: {  	_ =	shalt  }
0x7b: {  	_ =	shalt  }
0x7c: {  	_ =	shalt  }
0x7d: {  	_ =	shalt  }
0x7e: {  	_ =	shalt  }
0x7f: {  	_ =	shalt  }
0x80: {  	_ =	shalt  }
0x81: {  	_ =	shalt  }
0x82: {  	_ =	shalt  }
0x83: {  	_ =	shalt  }
0x84: {  	_ =	shalt  }
0x85: {  	_ =	shalt  }
0x86: {  	_ =	shalt  }
0x87: {  	_ =	shalt  }
.Lfunc_end0:
.L_simem_size_0:
called_computation_lowered:
.L_overlay_start_0:
0x88: {  	s2 =	sld [smem:$0x3FD9]  }
0x89: {  	s3 =	sld [smem:$0x3FFE];
	_ =	sdelay $0x1  }
0x8a: {  	s1 =	srdreg.scid  }
0x8b: {  	s0 =	sand.u32 $0x1, s1  }
0x8c: {  	s17 =	sshll.u32 s0, $0xA;
	s2 =	sadd.s32 s3, s2  }
0x8d: {  	s2 =	sadd.s32 s2, s17  }
0x8e: {  	[smem:$0x3FC5] =	sst s2  }
0x8f: {  	_ = 	snop  }
0x90: {  	s2 =	sld [smem:$0x3FC8]  }
0x91: {  	s18 =	sld [smem:$0x3FC7];
	(tm) =	ssettm $0x1  }
0x92: {  	s4 =	sld [smem:$0x3FFB];
	_ =	sdelay $0x3  }
0x93: {  	_ =	strace s4  }
0x94: {  	s4 =	sld [smem:$0x3FFC];
	_ =	sdelay $0x3  }
0x95: {  	_ =	strace s4  }
0x96: {  	s4 =	sld [smem:$0x3FFD];
	_ =	sdelay $0x3  }
0x97: {  	_ =	strace s4  }
0x98: {  	_ =	strace $0x8FFFFFFF  }
0x99: {  	s19 =	sld [smem:$0x3FDB];
	_ =	sdelay $0x1  }
0x9a: {  	s5 =	simm.s32 $_scs_section_size  }
0x9b: {  	s6 =	simm.s32 $_size__tile_overlayer_lowered;
	s7 =	simm.s32 $_tile_overlayer_lowered  }
0x9c: {  	s22 =	simm.s32 $0x1BFF;
	s21 =	sshll.u32 s7, $0x1;
	s4 =	sadd.s32 s5, s19  }
0x9d: {  	s8 =	simm.s32 $0x0;
	s20 =	sshll.u32 s6, $0x1;
	s6 =	sadd.s32 s21, s4  }
0x9e: {  	[timem:s8], [sflag:s22] =	dma.local [hbm:s6], s20  }
0x9f: {  	_ =	swait.ge [sflag:s22], s20  }
0xa0: {  	s5 =	ssub.s32 $0x0, s20;
	[sflag:s22] =	ssyncset.done $0x0  }
0xa1: {  	[sflag:s22] =	ssyncadd.s32 s5;
	_ =	sdelay $0x1  }
0xa2: {  	s23 =	simm.s32 $0x1B8B  }
0xa3: {  	_ =	swait.ge [sflag:s23], $0x1  }
0xa4: {  	[sflag:s23] =	ssyncset.done $0x0  }
0xa5: {  	s25 =	simm.s32 $0x1B8E;
	s24 =	sld [smem:$0x3FFE];
	[sflag:s23] =	ssyncadd.s32 $0xFFFFFFFF  }
0xa6: {  	s26 =	simm.s32 $execute0_lowered;
	[smem:$0x3FD2] =	sst s25  }
0xa7: {  	s6 =	sshll.u32 s26, $0x1;
	_ =	strace $0x80000046;
	[dreg:$0x1] =	wrdreg $0xFFFFFFFF  }
0xa8: {  	s28 =	simm.s32 $_size_execute0_lowered;
	s4 =	sadd.s32 s4, s6;
	[dreg:$0x0] =	wrdreg $0x0  }
0xa9: {  	s6 =	sshll.u32 s28, $0x1;
	[dreg:$0x2] =	wrdreg s4  }
0xaa: {  	[dreg:$0x3] =	wrdreg s6  }
0xab: {  	[dreg:$0x4] =	wrdreg $0xC0  }
0xac: {  	_ =	task [dreg:s8], $0x5FFFF  }
0xad: {  	[dreg:$0x1] =	wrdreg $0xFFFFFFFF  }
0xae: {  	[dreg:$0x0] =	wrdreg $0x60  }
0xaf: {  	[dreg:$0x2] =	wrdreg s24  }
0xb0: {  	[dreg:$0x3] =	wrdreg s2  }
0xb1: {  	[dreg:$0x4] =	wrdreg s18  }
0xb2: {  	[dreg:$0x5] =	wrdreg $0x1DA000  }
0xb3: {  	[dreg:$0x6] =	wrdreg $0x1E6400  }
0xb4: {  	[dreg:$0x7] =	wrdreg $0x1F2800  }
0xb5: {  	[dreg:$0x8] =	wrdreg $0x9  }
0xb6: {  	_ =	task.clear_ibuf [dreg:s8], $0x9FFFF;
	_ =	strace $0x90000046  }
0xb7: {  	s29 =	simm.s32 $0x9;
	_ =	strace $0x80000048  }
0xb8: {  	_ =	swait.ge [sflag:s29], $0x1  }
0xb9: {  	[sflag:s29] =	ssyncadd.s32 $0xFFFFFFFF  }
0xba: {  	_ =	strace $0x90000048  }
0xbb: {  	_ =	sfence  }
0xbc: {  	s30 =	sld [smem:$0x0];
	_ =	sdelay $0x2  }
0xbd: {  	s31 =	sshll.u32 s1, $0xD;
	s1 =	sshrl.u32 s1, $0x2  }
0xbe: {  	s3 =	sand.u32 $0x4000, s31;
	s1 =	sadd.s32 s1, s30  }
0xbf: {  	s0 =	sor.u32 s3, s0;
	s1 =	sshll.u32 s1, $0x11  }
0xc0: {  	s0 =	sor.u32 s1, s0  }
0xc1: {  	s0 =	sadd.s32 $0x8F2B, s0  }
0xc2: {  	[sflag:s0] =	ssyncadd.remote.s32 $0x1  }
0xc3: {  	_ =	sfence.sel $0xFFFF  }
0xc4: {  	[dreg:$0x0] =	wrdreg $0xFFFFFFFF;
	(pc) =	sbr.abs _section_cstart, $3  }
0xc5: {  	[dreg:$0x1] =	wrdreg $0xFFFFFFFF  }
0xc6: {  	_ =	task.clear_ibuf [dreg:s8], $0x2FFFF;
	_ =	strace $0x9FFFFFFF  }
0xc7: {  	(tm) =	ssettm $0x7FFFFFFF  }
tec
execute0_lowered:
.L_overlay_start_1:
0x0: {  	(tag) =	ssettag $0x1  }
0x1: {  	s0 =	rddreg [dreg:$0x0];
	s2 =	srdreg.scid  }
0x2: {  	s1 =	rddreg [dreg:$0x1];
	s2 =	sand.u32 $0x1, s2  }
0x3: {  	s3 =	rddreg [dreg:$0x2];
	s6 =	stileid.u32;
	s8 =	sshll.u32 s2, $0x4  }
0x4: {  	s4 =	rddreg [dreg:$0x3];
	s8 =	sor.u32 s6, s8  }
0x5: {  	s17 =	rddreg [dreg:$0x4];
	s10 =	smul.u32 $0xC350, s8  }
0x6: {  	s19 =	rddreg [dreg:$0x5];
	s7 =	simm.s32 $0x0  }
0x7: {  	[smem:$0x7FF] =	sst s7;
	s11 =	sadd.s32 $0x61C00, s0;
	s10 =	sshrl.u32 s10, $0x3  }
0x8: {  	_ =	strace $0x80000047;
	s8 =	sadd.s32 $0x30E00, s0;
	s14 =	sadd.s32 s3, s10  }
0x9: {  	s13 =	sadd.s32 $0x4E2, s10;
	s23 =	sadd.s32 s1, s10;
	[dreg:$0x7] =	wrdreg s14  }
0xa: {  	p0 =	sne.s32 s6, $0x0;
	[dreg:$0x8] =	wrdreg s23;
	s24 =	sadd.s32 s8, s13  }
0xb: {  	s9 =	ssub.s32 $0x2, s2;
	s25 =	sadd.s32 s0, s13;
	[dreg:$0x9] =	wrdreg s24  }
0xc: {  	s12 =	sshrl.u32 s9, $0x1;
	s5 =	sadd.s32 s3, s13;
	[dreg:$0xa] =	wrdreg s25  }
0xd: {  	s9 =	ssub.s32 s9, s12;
	s15 =	sadd.s32 s1, s13;
	[dreg:$0xb] =	wrdreg s5  }
0xe: {  	s16 =	sadd.s32 $0x9C4, s10;
	s18 =	sadd.s32 s11, s13;
	[dreg:$0xc] =	wrdreg s15  }
0xf: {  	s12 =	smul.u32 $0xC40, s6;
	s20 =	sadd.s32 s8, s16;
	[dreg:$0xe] =	wrdreg s18  }
0x10: {  	s26 =	sadd.s32 s8, s10;
	s21 =	sadd.s32 s0, s16;
	[dreg:$0xf] =	wrdreg s20  }
0x11: {  	s31 =	sadd.s32 s0, s10;
	s22 =	sadd.s32 s3, s16;
	[dreg:$0x10] =	wrdreg s21  }
0x12: {  	s6 =	sadd.s32 $0x1388, s10;
	s23 =	sadd.s32 s1, s16;
	[dreg:$0x11] =	wrdreg s22  }
0x13: {  	s15 =	sadd.s32 $0xEA6, s10;
	s10 =	sadd.s32 s11, s10;
	[dreg:$0x12] =	wrdreg s23  }
0x14: {  	s29 =	simm.s32 $0x5;
	s24 =	sadd.s32 s11, s16;
	[dreg:$0xd] =	wrdreg s10  }
0x15: {  	s30 =	simm.s32 $0x2780;
	s16 =	sadd.s32 s11, s6;
	[dreg:$0x13] =	wrdreg s24  }
0x16: {  	s28 =	simm.s32 $0x7680;
	s18 =	sadd.s32 s8, s6;
	[dreg:$0x19] =	wrdreg s16  }
0x17: {  	s20 =	sadd.s32 s0, s6;
	s21 =	sadd.s32 s3, s6;
	[dreg:$0x1a] =	wrdreg s18  }
0x18: {  	s6 =	sadd.s32 s1, s6;
	s22 =	sadd.s32 s12, s17;
	[dreg:$0x1b] =	wrdreg s20  }
0x19: {  	s23 =	sadd.s32 s12, s19;
	s19 =	simm.s32 $0x11600;
	[dreg:$0x1c] =	wrdreg s21  }
0x1a: {  	s25 =	sadd.s32 s8, s15;
	s5 =	sadd.s32 s0, s15;
	[dreg:$0x1d] =	wrdreg s6  }
0x1b: {  	s13 =	sadd.s32 s3, s15;
	s14 =	sadd.s32 s1, s15;
	[dreg:$0x1e] =	wrdreg s22  }
0x1c: {  	s15 =	sadd.s32 s11, s15;
	s16 =	ssub.s32 $0x0, s2;
	[dreg:$0x1f] =	wrdreg s23  }
0x1d: {  	s18 =	sadd.s32 s12, s4;
	s24 =	smax.u32 s9, $0x1;
	[dreg:$0x14] =	wrdreg s25  }
0x1e: {  	s12 =	simm.s32 $0x4F00;
	s22 =	simm.s32 $0xED00;
	[dreg:$0x15] =	wrdreg s5  }
0x1f: {  	s23 =	simm.s32 $0x1;
	s9 =	simm.s32 $0x9E00;
	[dreg:$0x16] =	wrdreg s13  }
0x20: {  	s10 =	simm.s32 $0xC580;
	s11 =	simm.s32 $0x2710;
	[dreg:$0x17] =	wrdreg s14  }
0x21: {  	s20 =	simm.s32 $0x0;
	[dreg:$0x18] =	wrdreg s15;
	s5 =	smov.u32 s17  }
0x22: {  	v0 =	vimm.f32 $0.0e+00;
	vm0 =	vcmask $0x300;
	[smem:$0x7FC] =	sst s24;
	s25 =	sadd.s32 $0x1869F, s3;
	s13 =	simm.s32 $0x2  }
0x23: {  	v1 =	vimm.s32 $0x0;
	v2 =	vsel vm0, $0x3F800000, v0;
	s14 =	simm.s32 $0x3;
	s15 =	simm.s32 $0x4;
	[smem:$0x7FD] =	sst s25  }
.LBB2_1:
0x24: {  	s2 =	simm.s32 $0x20  }
0x25: {  	[tilespmem:s2+$0xFFFFFFE0] =	vst v0  }
0x26: {  	[tilespmem:s2+$0x10] =	vst v0  }
0x27: {  	s6 =	simm.s32 $0x0;
	[tilespmem:s2+$0x0] =	vst v0  }
.LBB2_2:
0x28: {  	s6 =	sadd.s32 $0x4, s6  }
0x29: {  	[tilespmem:s2+$0xFFFFFFF0] =	vst v0;
	s2 =	sadd.s32 $0x40, s2;
	p1 =	slt.u32 s6, $0xC0  }
.Ltmp0:
0x2a: {  	[tilespmem:s2+$0xFFFFFFE0] =	vst v0;
	(pc) =	sbr.rel @p1 .LBB2_2-.Ltmp0, $3  }
0x2b: {  	_ =	sdelay $0x1  }
0x2c: {  	[tilespmem:s2+$0x10] =	vst v0  }
0x2d: {  	[tilespmem:s2+$0x0] =	vst v0  }
0x2e: {  	[tilespmem:s2+$0xFFFFFFF0] =	vst v0  }
0x2f: {  	[spmem:s18] =	stream.linear.scatter [tilespmem:s7], [sflag:$0x5], $0xC40, $0x38;
	[tilespmem:$0x1FEC0] =	vst v63  }
0x30: {  	_ =	swait.ge [sflag:s29], $0xC40  }
0x31: {  	[sflag:s29] =	ssyncset.done $0x0  }
0x32: {  	s25 =	rddreg [dreg:$0x1e];
	[sflag:s29] =	ssyncadd.s32 $0xFFFFF3C0  }
0x33: {  	[spmem:s25] =	stream.linear.scatter [tilespmem:s7], [sflag:$0x5], $0xC40, $0x38;
	[tilespmem:$0x1FEC0] =	vst v63  }
0x34: {  	_ =	swait.ge [sflag:s29], $0xC40  }
0x35: {  	[sflag:s29] =	ssyncset.done $0x0  }
0x36: {  	[sflag:s29] =	ssyncadd.s32 $0xFFFFF3C0  }
0x37: {  	[bflag:$0x0] =	sbarrier.arrive $0xFFFF  }
0x38: {  	[tilespmem:s7], [sflag:$0x1] =	stream.linear.gather [hbm4b:s26+s7], $0x2710, $0x38;
	[tilespmem:$0x1FEC0] =	vst v63  }
0x39: {  	_ = 	snop  }
0x3a: {  	[tilespmem:s30], [sflag:$0x1] =	stream.linear.gather [hbm4b:s31+s7], $0x2710, $0x38;
	[tilespmem:$0x1FEC0] =	vst v63  }
0x3b: {  	s17 =	smov.u32 s26;
	s26 =	rddreg [dreg:$0x7]  }
0x3c: {  	[tilespmem:s12], [sflag:$0x1] =	stream.linear.gather [hbm4b:s26+s7], $0x2710, $0x38;
	[tilespmem:$0x1FEC0] =	vst v63  }
0x3d: {  	s6 =	rddreg [dreg:$0x8]  }
0x3e: {  	[tilespmem:s22], [sflag:$0x1] =	stream.linear.gather [hbm4b:s6+s7], $0x2710, $0x38;
	[tilespmem:$0x1FEC0] =	vst v63  }
0x3f: {  	_ =	swait.ge [sflag:s23], $0x2710  }
0x40: {  	[sflag:s23] =	ssyncset.done $0x0  }
0x41: {  	[sflag:s23] =	ssyncadd.s32 $0xFFFFD8F0  }
0x42: {  	_ =	swait.ge [sflag:s23], $0x2710  }
0x43: {  	[sflag:s23] =	ssyncset.done $0x0  }
0x44: {  	[sflag:s23] =	ssyncadd.s32 $0xFFFFD8F0  }
0x45: {  	_ =	swait.ge [sflag:s23], $0x2710  }
0x46: {  	[sflag:s23] =	ssyncset.done $0x0  }
0x47: {  	[sflag:s23] =	ssyncadd.s32 $0xFFFFD8F0  }
0x48: {  	_ =	swait.ge [sflag:s23], $0x2710  }
0x49: {  	[sflag:s23] =	ssyncset.done $0x0  }
0x4a: {  	s21 =	rddreg [dreg:$0x9];
	[sflag:s23] =	ssyncadd.s32 $0xFFFFD8F0  }
0x4b: {  	[tilespmem:s28], [sflag:$0x2] =	stream.linear.gather [hbm4b:s21+s7], $0x2710, $0x38;
	[tilespmem:$0x1FEC0] =	vst v63  }
0x4c: {  	s24 =	rddreg [dreg:$0xa]  }
0x4d: {  	[tilespmem:s9], [sflag:$0x2] =	stream.linear.gather [hbm4b:s24+s7], $0x2710, $0x38;
	[tilespmem:$0x1FEC0] =	vst v63  }
0x4e: {  	s25 =	rddreg [dreg:$0xb];
	s24 =	simm.s32 $0x27A0  }
0x4f: {  	[tilespmem:s10], [sflag:$0x2] =	stream.linear.gather [hbm4b:s25+s7], $0x2710, $0x38;
	[tilespmem:$0x1FEC0] =	vst v63  }
0x50: {  	v3 =	vld [tilespmem:s24+$0x20]  }
0x51: {  	v4 =	vld [tilespmem:s24+$0xFFFFFFF0]  }
0x52: {  	v5 =	vld [tilespmem:s24+$0x0]  }
0x53: {  	v6 =	vld [tilespmem:s24+$0x10]  }
0x54: {  	v7 =	vld [tilespmem:s24+$0xFFFFFFE0]  }
0x55: {  	(erf) = vrcp.f32 v3  }
0x56: {  	s25 =	simm.s32 $0x20;
	(erf) = vrcp.f32 v4  }
0x57: {  	s21 =	simm.s32 $0x27F0;
	v8 =	vld [tilespmem:s25+$0xFFFFFFF0];
	(erf) = vrcp.f32 v5  }
0x58: {  	v10 =	vld [tilespmem:s21+$0x20];
	(erf) = vrcp.f32 v6  }
0x59: {  	v11 =	vld [tilespmem:s21+$0xFFFFFFF0];
	(erf) = vrcp.f32 v7  }
0x5a: {  	v13 =	vld [tilespmem:s21+$0x0]  }
0x5b: {  	s26 =	simm.s32 $0xED20;
	v3 =	vld [tilespmem:s25+$0x20]  }
0x5c: {  	v5 =	vld [tilespmem:s26+$0x20]  }
0x5d: {  	v7 =	vld [tilespmem:s26+$0xFFFFFFE0]  }
0x5e: {  	v6 =	vld [tilespmem:s25+$0xFFFFFFE0];
	v12 =	vpop (erf)  }
0x5f: {  	v15 =	vld [tilespmem:s21+$0x10];
	v14 =	vpop (erf)  }
0x60: {  	v9 =	vld [tilespmem:s26+$0xFFFFFFF0];
	(erf) = vrcp.f32 v10;
	v4 =	vpop (erf)  }
0x61: {  	v17 =	vld [tilespmem:s21+$0xFFFFFFE0];
	v5 =	vcvt.s32.f32 v5;
	v16 =	vmul.f32 v3, v12;
	v3 =	vpop (erf)  }
0x62: {  	v10 =	vld [tilespmem:s25+$0x0];
	v7 =	vcvt.s32.f32 v7;
	(erf) = vrcp.f32 v11;
	v18 =	vpop (erf)  }
0x63: {  	v19 =	vld [tilespmem:s26+$0x0];
	v5 =	vadd.f32 v5, v16;
	(erf) = vrcp.f32 v13;
	v6 =	vmul.f32 v6, v18  }
0x64: {  	v63 =	vld [tilespmem:s25+$0x10];
	(erf) = vrcp.f32 v15  }
0x65: {  	s4 =	smov.u32 s18;
	s18 =	smov.u32 s31;
	s31 =	simm.s32 $0xED70;
	v20 =	vld [tilespmem:s26+$0x10];
	[tilespmem:s25+$0x20] =	vst v5;
	v5 =	vmul.f32 v8, v14;
	v8 =	vcvt.s32.f32 v9;
	v6 =	vadd.f32 v7, v6  }
0x66: {  	s26 =	simm.s32 $0x70;
	v11 =	vld [tilespmem:s31+$0x20];
	(erf) = vrcp.f32 v17  }
0x67: {  	v9 =	vld [tilespmem:s26+$0x20];
	v7 =	vadd.f32 v8, v5;
	[tilespmem:s25+$0xFFFFFFE0] =	vst v6;
	v6 =	vmul.f32 v10, v4  }
0x68: {  	[tilespmem:s24+$0x20] =	vst v12;
	v5 =	vld [tilespmem:s26+$0xFFFFFFE0];
	v8 =	vcvt.s32.f32 v19  }
0x69: {  	v10 =	vld [tilespmem:s31+$0xFFFFFFE0];
	[tilespmem:s25+$0xFFFFFFF0] =	vst v7  }
0x6a: {  	v12 =	vmul.f32 v63, v3;
	v7 =	vld [tilespmem:s26+$0xFFFFFFF0];
	[tilespmem:s24+$0xFFFFFFF0] =	vst v14;
	v14 =	vcvt.s32.f32 v20;
	v13 =	vadd.f32 v8, v6  }
0x6b: {  	s2 =	simm.s32 $0x5;
	s6 =	simm.s32 $0x2840;
	[tilespmem:s24+$0xFFFFFFE0] =	vst v18;
	v8 =	vld [tilespmem:s31+$0xFFFFFFF0];
	v6 =	vpop (erf)  }
.LBB2_4:
0x6c: {  	v15 =	vld [tilespmem:s6+$0x20];
	v9 =	vmul.f32 v9, v6;
	v18 =	vcvt.s32.f32 v11;
	v16 =	vpop (erf);
	[tilespmem:s25+$0x0] =	vst v13;
	v12 =	vadd.f32 v14, v12  }
0x6d: {  	s2 =	sadd.s32 $0x5, s2;
	v13 =	vld [tilespmem:s6+$0xFFFFFFF0];
	[tilespmem:s24+$0x0] =	vst v4;
	v4 =	vpop (erf)  }
0x6e: {  	p1 =	slt.u32 s2, $0x26C;
	v14 =	vld [tilespmem:s6+$0x0];
	v10 =	vcvt.s32.f32 v10;
	v9 =	vadd.f32 v18, v9;
	v11 =	vpop (erf);
	[tilespmem:s25+$0x10] =	vst v12;
	s25 =	smov.u32 s26  }
0x6f: {  	v12 =	vld [tilespmem:s6+$0x10];
	v7 =	vmul.f32 v7, v16;
	v17 =	vpop (erf);
	[tilespmem:s24+$0x10] =	vst v3;
	v3 =	vmov v11;
	s24 =	smov.u32 s21;
	s21 =	smov.u32 s6  }
0x70: {  	v11 =	vld [tilespmem:s6+$0xFFFFFFE0];
	v5 =	vmul.f32 v5, v17;
	v8 =	vcvt.s32.f32 v8;
	[tilespmem:s26+$0x20] =	vst v9  }
0x71: {  	(erf) = vrcp.f32 v15;
	v15 =	vld [tilespmem:s26+$0x0];
	[tilespmem:s24+$0x20] =	vst v6  }
0x72: {  	(erf) = vrcp.f32 v13;
	v5 =	vadd.f32 v10, v5;
	v6 =	vadd.f32 v8, v7;
	v7 =	vld [tilespmem:s31+$0x0]  }
0x73: {  	(erf) = vrcp.f32 v14;
	v8 =	vld [tilespmem:s26+$0x10]  }
0x74: {  	s26 =	sadd.s32 $0x50, s26;
	(erf) = vrcp.f32 v12;
	[tilespmem:s25+$0xFFFFFFE0] =	vst v5;
	v14 =	vld [tilespmem:s31+$0x10]  }
0x75: {  	s31 =	sadd.s32 $0x50, s31;
	v9 =	vld [tilespmem:s26+$0x20];
	(erf) = vrcp.f32 v11;
	[tilespmem:s24+$0xFFFFFFE0] =	vst v17  }
.Ltmp1:
0x76: {  	v11 =	vld [tilespmem:s31+$0x20];
	[tilespmem:s25+$0xFFFFFFF0] =	vst v6;
	v6 =	vmul.f32 v15, v4;
	(pc) =	sbr.rel @p1 .LBB2_4-.Ltmp1, $4  }
0x77: {  	v5 =	vld [tilespmem:s26+$0xFFFFFFE0];
	[tilespmem:s24+$0xFFFFFFF0] =	vst v16;
	v13 =	vcvt.s32.f32 v7  }
0x78: {  	v10 =	vld [tilespmem:s31+$0xFFFFFFE0];
	v12 =	vmul.f32 v8, v3  }
0x79: {  	v7 =	vld [tilespmem:s26+$0xFFFFFFF0];
	v13 =	vadd.f32 v13, v6;
	v14 =	vcvt.s32.f32 v14  }
0x7a: {  	s6 =	sadd.s32 $0x50, s6;
	v8 =	vld [tilespmem:s31+$0xFFFFFFF0];
	v6 =	vpop (erf)  }
0x7b: {  	v15 =	vpop (erf)  }
0x7c: {  	v16 =	vpop (erf)  }
0x7d: {  	v9 =	vmul.f32 v9, v6;
	v11 =	vcvt.s32.f32 v11;
	[tilespmem:s25+$0x0] =	vst v13;
	v12 =	vadd.f32 v14, v12;
	v14 =	vld [tilespmem:s26+$0x0];
	v13 =	vpop (erf)  }
0x7e: {  	v17 =	vld [tilespmem:s31+$0x0];
	[tilespmem:s24+$0x0] =	vst v4;
	v4 =	vpop (erf)  }
0x7f: {  	v10 =	vcvt.s32.f32 v10;
	v9 =	vadd.f32 v11, v9;
	[tilespmem:s25+$0x10] =	vst v12;
	v11 =	vld [tilespmem:s26+$0x10];
	v5 =	vmul.f32 v5, v4  }
0x80: {  	[tilespmem:s24+$0x10] =	vst v3;
	v3 =	vld [tilespmem:s31+$0x10];
	v7 =	vmul.f32 v7, v15;
	v8 =	vcvt.s32.f32 v8  }
0x81: {  	[tilespmem:s26+$0x20] =	vst v9;
	v5 =	vadd.f32 v10, v5  }
0x82: {  	[tilespmem:s21+$0x20] =	vst v6;
	v6 =	vadd.f32 v8, v7  }
0x83: {  	v7 =	vcvt.s32.f32 v17;
	[tilespmem:s26+$0xFFFFFFE0] =	vst v5;
	v5 =	vmul.f32 v14, v16  }
0x84: {  	[tilespmem:s26+$0xFFFFFFF0] =	vst v6  }
0x85: {  	v3 =	vcvt.s32.f32 v3;
	[tilespmem:s21+$0xFFFFFFE0] =	vst v4;
	v4 =	vmul.f32 v11, v13;
	v5 =	vadd.f32 v7, v5  }
0x86: {  	[tilespmem:s21+$0xFFFFFFF0] =	vst v15  }
0x87: {  	v3 =	vadd.f32 v3, v4;
	[tilespmem:s26+$0x0] =	vst v5  }
0x88: {  	[tilespmem:s21+$0x0] =	vst v16  }
0x89: {  	[tilespmem:s26+$0x10] =	vst v3  }
0x8a: {  	[tilespmem:s21+$0x10] =	vst v13  }
0x8b: {  	s2 =	rddreg [dreg:$0xc]  }
0x8c: {  	[tilespmem:s22], [sflag:$0x1] =	stream.linear.gather [hbm4b:s2+s7], $0x2710, $0x38;
	[tilespmem:$0x1FEC0] =	vst v63  }
0x8d: {  	s6 =	rddreg [dreg:$0x3]  }
0x8e: {  	[spmem:s6] =	stream.indirect.scatter.add.f32 [tilespmem:s7], [sflag:$0x3], $0x1, s12, s11, $0xb8;
	[tilespmem:$0x1FEC0] =	vst v63  }
0x8f: {  	_ = 	snop  }
0x90: {  	[spmem:s5] =	stream.indirect.scatter.add.f32 [tilespmem:s30], [sflag:$0x3], $0x1, s12, s11, $0xb8;
	[tilespmem:$0x1FEC0] =	vst v63  }
0x91: {  	_ =	swait.ge [sflag:s13], $0x2710  }
0x92: {  	[sflag:s13] =	ssyncset.done $0x0  }
0x93: {  	[sflag:s13] =	ssyncadd.s32 $0xFFFFD8F0  }
0x94: {  	_ =	swait.ge [sflag:s13], $0x2710  }
0x95: {  	[sflag:s13] =	ssyncset.done $0x0  }
0x96: {  	[sflag:s13] =	ssyncadd.s32 $0xFFFFD8F0  }
0x97: {  	_ =	swait.ge [sflag:s13], $0x2710  }
0x98: {  	[sflag:s13] =	ssyncset.done $0x0  }
0x99: {  	[sflag:s13] =	ssyncadd.s32 $0xFFFFD8F0  }
0x9a: {  	_ =	swait.ge [sflag:s23], $0x2710  }
0x9b: {  	[sflag:s23] =	ssyncset.done $0x0  }
0x9c: {  	[sflag:s23] =	ssyncadd.s32 $0xFFFFD8F0  }
0x9d: {  	_ =	swait.ge [sflag:s14], $0x2710  }
0x9e: {  	[sflag:s14] =	ssyncset.done $0x0  }
0x9f: {  	[sflag:s14] =	ssyncadd.s32 $0xFFFFD8F0  }
0xa0: {  	_ =	swait.ge [sflag:s14], $0x2710  }
0xa1: {  	[sflag:s14] =	ssyncset.done $0x0  }
0xa2: {  	s21 =	rddreg [dreg:$0xf];
	[sflag:s14] =	ssyncadd.s32 $0xFFFFD8F0  }
0xa3: {  	[tilespmem:s7], [sflag:$0x1] =	stream.linear.gather [hbm4b:s21+s7], $0x2710, $0x38;
	[tilespmem:$0x1FEC0] =	vst v63  }
0xa4: {  	s24 =	rddreg [dreg:$0x10]  }
0xa5: {  	[tilespmem:s30], [sflag:$0x1] =	stream.linear.gather [hbm4b:s24+s7], $0x2710, $0x38;
	[tilespmem:$0x1FEC0] =	vst v63  }
0xa6: {  	s25 =	rddreg [dreg:$0x11];
	s24 =	simm.s32 $0x9E20  }
0xa7: {  	[tilespmem:s12], [sflag:$0x1] =	stream.linear.gather [hbm4b:s25+s7], $0x2710, $0x38;
	[tilespmem:$0x1FEC0] =	vst v63  }
0xa8: {  	v3 =	vld [tilespmem:s24+$0x20]  }
0xa9: {  	v4 =	vld [tilespmem:s24+$0xFFFFFFF0]  }
0xaa: {  	v5 =	vld [tilespmem:s24+$0x0]  }
0xab: {  	v6 =	vld [tilespmem:s24+$0x10]  }
0xac: {  	v7 =	vld [tilespmem:s24+$0xFFFFFFE0]  }
0xad: {  	(erf) = vrcp.f32 v3  }
0xae: {  	s25 =	simm.s32 $0x76A0;
	(erf) = vrcp.f32 v4  }
0xaf: {  	s26 =	simm.s32 $0xED20;
	v8 =	vld [tilespmem:s25+$0xFFFFFFF0];
	(erf) = vrcp.f32 v5  }
0xb0: {  	s21 =	simm.s32 $0x9E70;
	v9 =	vld [tilespmem:s26+$0xFFFFFFF0];
	(erf) = vrcp.f32 v6  }
0xb1: {  	v10 =	vld [tilespmem:s21+$0x20];
	(erf) = vrcp.f32 v7  }
0xb2: {  	v3 =	vld [tilespmem:s25+$0x20]  }
0xb3: {  	v5 =	vld [tilespmem:s26+$0x20]  }
0xb4: {  	v11 =	vld [tilespmem:s21+$0xFFFFFFF0]  }
0xb5: {  	v7 =	vld [tilespmem:s26+$0xFFFFFFE0]  }
0xb6: {  	v6 =	vld [tilespmem:s25+$0xFFFFFFE0];
	v12 =	vpop (erf)  }
0xb7: {  	v13 =	vld [tilespmem:s21+$0x0];
	v14 =	vpop (erf)  }
0xb8: {  	v15 =	vld [tilespmem:s21+$0x10];
	v5 =	vcvt.s32.f32 v5;
	v61 =	vmul.f32 v3, v12;
	v4 =	vpop (erf)  }
0xb9: {  	v62 =	vld [tilespmem:s21+$0xFFFFFFE0];
	v3 =	vpop (erf)  }
0xba: {  	v7 =	vcvt.s32.f32 v7;
	(erf) = vrcp.f32 v10;
	v10 =	vld [tilespmem:s25+$0x0];
	v5 =	vadd.f32 v5, v61;
	v18 =	vpop (erf)  }
0xbb: {  	v19 =	vld [tilespmem:s26+$0x0];
	(erf) = vrcp.f32 v11;
	v6 =	vmul.f32 v6, v18  }
0xbc: {  	v63 =	vld [tilespmem:s25+$0x10];
	[tilespmem:s25+$0x20] =	vst v5;
	v5 =	vmul.f32 v8, v14;
	(erf) = vrcp.f32 v13  }
0xbd: {  	s31 =	simm.s32 $0xED70;
	v20 =	vld [tilespmem:s26+$0x10];
	v8 =	vcvt.s32.f32 v9;
	(erf) = vrcp.f32 v15;
	v6 =	vadd.f32 v7, v6  }
0xbe: {  	s26 =	simm.s32 $0x76F0;
	v11 =	vld [tilespmem:s31+$0x20];
	(erf) = vrcp.f32 v62  }
0xbf: {  	v9 =	vld [tilespmem:s26+$0x20];
	v7 =	vadd.f32 v8, v5;
	[tilespmem:s25+$0xFFFFFFE0] =	vst v6;
	v6 =	vmul.f32 v10, v4  }
0xc0: {  	[tilespmem:s24+$0x20] =	vst v12;
	v5 =	vld [tilespmem:s26+$0xFFFFFFE0];
	v8 =	vcvt.s32.f32 v19  }
0xc1: {  	v10 =	vld [tilespmem:s31+$0xFFFFFFE0];
	[tilespmem:s25+$0xFFFFFFF0] =	vst v7  }
0xc2: {  	v12 =	vmul.f32 v63, v3;
	v7 =	vld [tilespmem:s26+$0xFFFFFFF0];
	[tilespmem:s24+$0xFFFFFFF0] =	vst v14;
	v14 =	vcvt.s32.f32 v20;
	v13 =	vadd.f32 v8, v6  }
0xc3: {  	s2 =	simm.s32 $0x5;
	s6 =	simm.s32 $0x9EC0;
	[tilespmem:s24+$0xFFFFFFE0] =	vst v18;
	v8 =	vld [tilespmem:s31+$0xFFFFFFF0];
	v6 =	vpop (erf)  }
.LBB2_6:
0xc4: {  	v15 =	vld [tilespmem:s6+$0x20];
	v9 =	vmul.f32 v9, v6;
	v18 =	vcvt.s32.f32 v11;
	v16 =	vpop (erf);
	[tilespmem:s25+$0x0] =	vst v13;
	v12 =	vadd.f32 v14, v12  }
0xc5: {  	s2 =	sadd.s32 $0x5, s2;
	v13 =	vld [tilespmem:s6+$0xFFFFFFF0];
	[tilespmem:s24+$0x0] =	vst v4;
	v4 =	vpop (erf)  }
0xc6: {  	p1 =	slt.u32 s2, $0x26C;
	v14 =	vld [tilespmem:s6+$0x0];
	v10 =	vcvt.s32.f32 v10;
	v9 =	vadd.f32 v18, v9;
	v11 =	vpop (erf);
	[tilespmem:s25+$0x10] =	vst v12;
	s25 =	smov.u32 s26  }
0xc7: {  	v12 =	vld [tilespmem:s6+$0x10];
	v7 =	vmul.f32 v7, v16;
	v17 =	vpop (erf);
	[tilespmem:s24+$0x10] =	vst v3;
	v3 =	vmov v11;
	s24 =	smov.u32 s21;
	s21 =	smov.u32 s6  }
0xc8: {  	v11 =	vld [tilespmem:s6+$0xFFFFFFE0];
	v5 =	vmul.f32 v5, v17;
	v8 =	vcvt.s32.f32 v8;
	[tilespmem:s26+$0x20] =	vst v9  }
0xc9: {  	(erf) = vrcp.f32 v15;
	v15 =	vld [tilespmem:s26+$0x0];
	[tilespmem:s24+$0x20] =	vst v6  }
0xca: {  	(erf) = vrcp.f32 v13;
	v5 =	vadd.f32 v10, v5;
	v6 =	vadd.f32 v8, v7;
	v7 =	vld [tilespmem:s31+$0x0]  }
0xcb: {  	(erf) = vrcp.f32 v14;
	v8 =	vld [tilespmem:s26+$0x10]  }
0xcc: {  	s26 =	sadd.s32 $0x50, s26;
	(erf) = vrcp.f32 v12;
	[tilespmem:s25+$0xFFFFFFE0] =	vst v5;
	v14 =	vld [tilespmem:s31+$0x10]  }
0xcd: {  	s31 =	sadd.s32 $0x50, s31;
	v9 =	vld [tilespmem:s26+$0x20];
	(erf) = vrcp.f32 v11;
	[tilespmem:s24+$0xFFFFFFE0] =	vst v17  }
.Ltmp2:
0xce: {  	v11 =	vld [tilespmem:s31+$0x20];
	[tilespmem:s25+$0xFFFFFFF0] =	vst v6;
	v6 =	vmul.f32 v15, v4;
	(pc) =	sbr.rel @p1 .LBB2_6-.Ltmp2, $4  }
0xcf: {  	v5 =	vld [tilespmem:s26+$0xFFFFFFE0];
	[tilespmem:s24+$0xFFFFFFF0] =	vst v16;
	v13 =	vcvt.s32.f32 v7  }
0xd0: {  	v10 =	vld [tilespmem:s31+$0xFFFFFFE0];
	v12 =	vmul.f32 v8, v3  }
0xd1: {  	v7 =	vld [tilespmem:s26+$0xFFFFFFF0];
	v13 =	vadd.f32 v13, v6;
	v14 =	vcvt.s32.f32 v14  }
0xd2: {  	s6 =	sadd.s32 $0x50, s6;
	v8 =	vld [tilespmem:s31+$0xFFFFFFF0];
	v6 =	vpop (erf)  }
0xd3: {  	v15 =	vpop (erf)  }
0xd4: {  	v16 =	vpop (erf)  }
0xd5: {  	v9 =	vmul.f32 v9, v6;
	v11 =	vcvt.s32.f32 v11;
	[tilespmem:s25+$0x0] =	vst v13;
	v12 =	vadd.f32 v14, v12;
	v14 =	vld [tilespmem:s26+$0x0];
	v13 =	vpop (erf)  }
0xd6: {  	v17 =	vld [tilespmem:s31+$0x0];
	[tilespmem:s24+$0x0] =	vst v4;
	v4 =	vpop (erf)  }
0xd7: {  	v10 =	vcvt.s32.f32 v10;
	v9 =	vadd.f32 v11, v9;
	[tilespmem:s25+$0x10] =	vst v12;
	v11 =	vld [tilespmem:s26+$0x10];
	v5 =	vmul.f32 v5, v4  }
0xd8: {  	[tilespmem:s24+$0x10] =	vst v3;
	v3 =	vld [tilespmem:s31+$0x10];
	v7 =	vmul.f32 v7, v15;
	v8 =	vcvt.s32.f32 v8  }
0xd9: {  	[tilespmem:s26+$0x20] =	vst v9;
	v5 =	vadd.f32 v10, v5  }
0xda: {  	[tilespmem:s21+$0x20] =	vst v6;
	v6 =	vadd.f32 v8, v7  }
0xdb: {  	v7 =	vcvt.s32.f32 v17;
	[tilespmem:s26+$0xFFFFFFE0] =	vst v5;
	v5 =	vmul.f32 v14, v16  }
0xdc: {  	[tilespmem:s26+$0xFFFFFFF0] =	vst v6  }
0xdd: {  	v3 =	vcvt.s32.f32 v3;
	[tilespmem:s21+$0xFFFFFFE0] =	vst v4;
	v4 =	vmul.f32 v11, v13;
	v5 =	vadd.f32 v7, v5  }
0xde: {  	[tilespmem:s21+$0xFFFFFFF0] =	vst v15  }
0xdf: {  	v3 =	vadd.f32 v3, v4;
	[tilespmem:s26+$0x0] =	vst v5  }
0xe0: {  	[tilespmem:s21+$0x0] =	vst v16  }
0xe1: {  	[tilespmem:s26+$0x10] =	vst v3  }
0xe2: {  	[tilespmem:s21+$0x10] =	vst v13  }
0xe3: {  	s2 =	rddreg [dreg:$0x12]  }
0xe4: {  	[tilespmem:s22], [sflag:$0x1] =	stream.linear.gather [hbm4b:s2+s7], $0x2710, $0x38;
	[tilespmem:$0x1FEC0] =	vst v63  }
0xe5: {  	s6 =	rddreg [dreg:$0x3]  }
0xe6: {  	[spmem:s6] =	stream.indirect.scatter.add.f32 [tilespmem:s28], [sflag:$0x4], $0x1, s10, s11, $0xb8;
	[tilespmem:$0x1FEC0] =	vst v63  }
0xe7: {  	_ = 	snop  }
0xe8: {  	[spmem:s5] =	stream.indirect.scatter.add.f32 [tilespmem:s9], [sflag:$0x4], $0x1, s10, s11, $0xb8;
	[tilespmem:$0x1FEC0] =	vst v63  }
0xe9: {  	_ =	swait.ge [sflag:s23], $0x2710  }
0xea: {  	[sflag:s23] =	ssyncset.done $0x0  }
0xeb: {  	[sflag:s23] =	ssyncadd.s32 $0xFFFFD8F0  }
0xec: {  	_ =	swait.ge [sflag:s23], $0x2710  }
0xed: {  	[sflag:s23] =	ssyncset.done $0x0  }
0xee: {  	[sflag:s23] =	ssyncadd.s32 $0xFFFFD8F0  }
0xef: {  	_ =	swait.ge [sflag:s23], $0x2710  }
0xf0: {  	[sflag:s23] =	ssyncset.done $0x0  }
0xf1: {  	[sflag:s23] =	ssyncadd.s32 $0xFFFFD8F0  }
0xf2: {  	_ =	swait.ge [sflag:s23], $0x2710  }
0xf3: {  	[sflag:s23] =	ssyncset.done $0x0  }
0xf4: {  	[sflag:s23] =	ssyncadd.s32 $0xFFFFD8F0  }
0xf5: {  	_ =	swait.ge [sflag:s15], $0x2710  }
0xf6: {  	[sflag:s15] =	ssyncset.done $0x0  }
0xf7: {  	[sflag:s15] =	ssyncadd.s32 $0xFFFFD8F0  }
0xf8: {  	_ =	swait.ge [sflag:s15], $0x2710  }
0xf9: {  	[sflag:s15] =	ssyncset.done $0x0  }
0xfa: {  	s21 =	rddreg [dreg:$0x14];
	[sflag:s15] =	ssyncadd.s32 $0xFFFFD8F0  }
0xfb: {  	[tilespmem:s28], [sflag:$0x2] =	stream.linear.gather [hbm4b:s21+s7], $0x2710, $0x38;
	[tilespmem:$0x1FEC0] =	vst v63  }
0xfc: {  	s24 =	rddreg [dreg:$0x15]  }
0xfd: {  	[tilespmem:s9], [sflag:$0x2] =	stream.linear.gather [hbm4b:s24+s7], $0x2710, $0x38;
	[tilespmem:$0x1FEC0] =	vst v63  }
0xfe: {  	s25 =	rddreg [dreg:$0x16];
	s24 =	simm.s32 $0x27A0  }
0xff: {  	[tilespmem:s10], [sflag:$0x2] =	stream.linear.gather [hbm4b:s25+s7], $0x2710, $0x38;
	[tilespmem:$0x1FEC0] =	vst v63  }
0x100: {  	v3 =	vld [tilespmem:s24+$0x20]  }
0x101: {  	v4 =	vld [tilespmem:s24+$0xFFFFFFF0]  }
0x102: {  	v5 =	vld [tilespmem:s24+$0x0]  }
0x103: {  	v6 =	vld [tilespmem:s24+$0x10]  }
0x104: {  	v7 =	vld [tilespmem:s24+$0xFFFFFFE0]  }
0x105: {  	(erf) = vrcp.f32 v3  }
0x106: {  	s25 =	simm.s32 $0x20;
	(erf) = vrcp.f32 v4  }
0x107: {  	s26 =	simm.s32 $0xED20;
	v8 =	vld [tilespmem:s25+$0xFFFFFFF0];
	(erf) = vrcp.f32 v5  }
0x108: {  	s21 =	simm.s32 $0x27F0;
	v9 =	vld [tilespmem:s26+$0xFFFFFFF0];
	(erf) = vrcp.f32 v6  }
0x109: {  	v10 =	vld [tilespmem:s21+$0x20];
	(erf) = vrcp.f32 v7  }
0x10a: {  	v3 =	vld [tilespmem:s25+$0x20]  }
0x10b: {  	v5 =	vld [tilespmem:s26+$0x20]  }
0x10c: {  	v11 =	vld [tilespmem:s21+$0xFFFFFFF0]  }
0x10d: {  	v7 =	vld [tilespmem:s26+$0xFFFFFFE0]  }
0x10e: {  	v6 =	vld [tilespmem:s25+$0xFFFFFFE0];
	v12 =	vpop (erf)  }
0x10f: {  	v13 =	vld [tilespmem:s21+$0x0];
	v14 =	vpop (erf)  }
0x110: {  	v15 =	vld [tilespmem:s21+$0x10];
	v5 =	vcvt.s32.f32 v5;
	v61 =	vmul.f32 v3, v12;
	v4 =	vpop (erf)  }
0x111: {  	v62 =	vld [tilespmem:s21+$0xFFFFFFE0];
	v3 =	vpop (erf)  }
0x112: {  	v7 =	vcvt.s32.f32 v7;
	(erf) = vrcp.f32 v10;
	v10 =	vld [tilespmem:s25+$0x0];
	v5 =	vadd.f32 v5, v61;
	v18 =	vpop (erf)  }
0x113: {  	v19 =	vld [tilespmem:s26+$0x0];
	(erf) = vrcp.f32 v11;
	v6 =	vmul.f32 v6, v18  }
0x114: {  	v63 =	vld [tilespmem:s25+$0x10];
	[tilespmem:s25+$0x20] =	vst v5;
	v5 =	vmul.f32 v8, v14;
	(erf) = vrcp.f32 v13  }
0x115: {  	s31 =	simm.s32 $0xED70;
	v20 =	vld [tilespmem:s26+$0x10];
	v8 =	vcvt.s32.f32 v9;
	(erf) = vrcp.f32 v15;
	v6 =	vadd.f32 v7, v6  }
0x116: {  	s26 =	simm.s32 $0x70;
	v11 =	vld [tilespmem:s31+$0x20];
	(erf) = vrcp.f32 v62  }
0x117: {  	v9 =	vld [tilespmem:s26+$0x20];
	v7 =	vadd.f32 v8, v5;
	[tilespmem:s25+$0xFFFFFFE0] =	vst v6;
	v6 =	vmul.f32 v10, v4  }
0x118: {  	[tilespmem:s24+$0x20] =	vst v12;
	v5 =	vld [tilespmem:s26+$0xFFFFFFE0];
	v8 =	vcvt.s32.f32 v19  }
0x119: {  	v10 =	vld [tilespmem:s31+$0xFFFFFFE0];
	[tilespmem:s25+$0xFFFFFFF0] =	vst v7  }
0x11a: {  	v12 =	vmul.f32 v63, v3;
	v7 =	vld [tilespmem:s26+$0xFFFFFFF0];
	[tilespmem:s24+$0xFFFFFFF0] =	vst v14;
	v14 =	vcvt.s32.f32 v20;
	v13 =	vadd.f32 v8, v6  }
0x11b: {  	s2 =	simm.s32 $0x5;
	s6 =	simm.s32 $0x2840;
	[tilespmem:s24+$0xFFFFFFE0] =	vst v18;
	v8 =	vld [tilespmem:s31+$0xFFFFFFF0];
	v6 =	vpop (erf)  }
.LBB2_8:
0x11c: {  	v15 =	vld [tilespmem:s6+$0x20];
	v9 =	vmul.f32 v9, v6;
	v18 =	vcvt.s32.f32 v11;
	v16 =	vpop (erf);
	[tilespmem:s25+$0x0] =	vst v13;
	v12 =	vadd.f32 v14, v12  }
0x11d: {  	s2 =	sadd.s32 $0x5, s2;
	v13 =	vld [tilespmem:s6+$0xFFFFFFF0];
	[tilespmem:s24+$0x0] =	vst v4;
	v4 =	vpop (erf)  }
0x11e: {  	p1 =	slt.u32 s2, $0x26C;
	v14 =	vld [tilespmem:s6+$0x0];
	v10 =	vcvt.s32.f32 v10;
	v9 =	vadd.f32 v18, v9;
	v11 =	vpop (erf);
	[tilespmem:s25+$0x10] =	vst v12;
	s25 =	smov.u32 s26  }
0x11f: {  	v12 =	vld [tilespmem:s6+$0x10];
	v7 =	vmul.f32 v7, v16;
	v17 =	vpop (erf);
	[tilespmem:s24+$0x10] =	vst v3;
	v3 =	vmov v11;
	s24 =	smov.u32 s21;
	s21 =	smov.u32 s6  }
0x120: {  	v11 =	vld [tilespmem:s6+$0xFFFFFFE0];
	v5 =	vmul.f32 v5, v17;
	v8 =	vcvt.s32.f32 v8;
	[tilespmem:s26+$0x20] =	vst v9  }
0x121: {  	(erf) = vrcp.f32 v15;
	v15 =	vld [tilespmem:s26+$0x0];
	[tilespmem:s24+$0x20] =	vst v6  }
0x122: {  	(erf) = vrcp.f32 v13;
	v5 =	vadd.f32 v10, v5;
	v6 =	vadd.f32 v8, v7;
	v7 =	vld [tilespmem:s31+$0x0]  }
0x123: {  	(erf) = vrcp.f32 v14;
	v8 =	vld [tilespmem:s26+$0x10]  }
0x124: {  	s26 =	sadd.s32 $0x50, s26;
	(erf) = vrcp.f32 v12;
	[tilespmem:s25+$0xFFFFFFE0] =	vst v5;
	v14 =	vld [tilespmem:s31+$0x10]  }
0x125: {  	s31 =	sadd.s32 $0x50, s31;
	v9 =	vld [tilespmem:s26+$0x20];
	(erf) = vrcp.f32 v11;
	[tilespmem:s24+$0xFFFFFFE0] =	vst v17  }
.Ltmp3:
0x126: {  	v11 =	vld [tilespmem:s31+$0x20];
	[tilespmem:s25+$0xFFFFFFF0] =	vst v6;
	v6 =	vmul.f32 v15, v4;
	(pc) =	sbr.rel @p1 .LBB2_8-.Ltmp3, $4  }
0x127: {  	v5 =	vld [tilespmem:s26+$0xFFFFFFE0];
	[tilespmem:s24+$0xFFFFFFF0] =	vst v16;
	v13 =	vcvt.s32.f32 v7  }
0x128: {  	v10 =	vld [tilespmem:s31+$0xFFFFFFE0];
	v12 =	vmul.f32 v8, v3  }
0x129: {  	v7 =	vld [tilespmem:s26+$0xFFFFFFF0];
	v13 =	vadd.f32 v13, v6;
	v14 =	vcvt.s32.f32 v14  }
0x12a: {  	s6 =	sadd.s32 $0x50, s6;
	v8 =	vld [tilespmem:s31+$0xFFFFFFF0];
	v6 =	vpop (erf)  }
0x12b: {  	v15 =	vpop (erf)  }
0x12c: {  	v16 =	vpop (erf)  }
0x12d: {  	v9 =	vmul.f32 v9, v6;
	v11 =	vcvt.s32.f32 v11;
	[tilespmem:s25+$0x0] =	vst v13;
	v12 =	vadd.f32 v14, v12;
	v14 =	vld [tilespmem:s26+$0x0];
	v13 =	vpop (erf)  }
0x12e: {  	v17 =	vld [tilespmem:s31+$0x0];
	[tilespmem:s24+$0x0] =	vst v4;
	v4 =	vpop (erf)  }
0x12f: {  	v10 =	vcvt.s32.f32 v10;
	v9 =	vadd.f32 v11, v9;
	[tilespmem:s25+$0x10] =	vst v12;
	v11 =	vld [tilespmem:s26+$0x10];
	v5 =	vmul.f32 v5, v4  }
0x130: {  	[tilespmem:s24+$0x10] =	vst v3;
	v3 =	vld [tilespmem:s31+$0x10];
	v7 =	vmul.f32 v7, v15;
	v8 =	vcvt.s32.f32 v8  }
0x131: {  	[tilespmem:s26+$0x20] =	vst v9;
	v5 =	vadd.f32 v10, v5  }
0x132: {  	[tilespmem:s21+$0x20] =	vst v6;
	v6 =	vadd.f32 v8, v7  }
0x133: {  	v7 =	vcvt.s32.f32 v17;
	[tilespmem:s26+$0xFFFFFFE0] =	vst v5;
	v5 =	vmul.f32 v14, v16  }
0x134: {  	[tilespmem:s26+$0xFFFFFFF0] =	vst v6  }
0x135: {  	v3 =	vcvt.s32.f32 v3;
	[tilespmem:s21+$0xFFFFFFE0] =	vst v4;
	v4 =	vmul.f32 v11, v13;
	v5 =	vadd.f32 v7, v5  }
0x136: {  	[tilespmem:s21+$0xFFFFFFF0] =	vst v15  }
0x137: {  	v3 =	vadd.f32 v3, v4;
	[tilespmem:s26+$0x0] =	vst v5  }
0x138: {  	[tilespmem:s21+$0x0] =	vst v16  }
0x139: {  	[tilespmem:s26+$0x10] =	vst v3  }
0x13a: {  	[tilespmem:s21+$0x10] =	vst v13  }
0x13b: {  	s2 =	rddreg [dreg:$0x17]  }
0x13c: {  	[tilespmem:s22], [sflag:$0x1] =	stream.linear.gather [hbm4b:s2+s7], $0x2710, $0x38;
	[tilespmem:$0x1FEC0] =	vst v63  }
0x13d: {  	s6 =	rddreg [dreg:$0x3]  }
0x13e: {  	[spmem:s6] =	stream.indirect.scatter.add.f32 [tilespmem:s7], [sflag:$0x3], $0x1, s12, s11, $0xb8;
	[tilespmem:$0x1FEC0] =	vst v63  }
0x13f: {  	_ = 	snop  }
0x140: {  	[spmem:s5] =	stream.indirect.scatter.add.f32 [tilespmem:s30], [sflag:$0x3], $0x1, s12, s11, $0xb8;
	[tilespmem:$0x1FEC0] =	vst v63  }
0x141: {  	_ =	swait.ge [sflag:s13], $0x2710  }
0x142: {  	[sflag:s13] =	ssyncset.done $0x0  }
0x143: {  	[sflag:s13] =	ssyncadd.s32 $0xFFFFD8F0  }
0x144: {  	_ =	swait.ge [sflag:s13], $0x2710  }
0x145: {  	[sflag:s13] =	ssyncset.done $0x0  }
0x146: {  	[sflag:s13] =	ssyncadd.s32 $0xFFFFD8F0  }
0x147: {  	_ =	swait.ge [sflag:s13], $0x2710  }
0x148: {  	[sflag:s13] =	ssyncset.done $0x0  }
0x149: {  	[sflag:s13] =	ssyncadd.s32 $0xFFFFD8F0  }
0x14a: {  	_ =	swait.ge [sflag:s23], $0x2710  }
0x14b: {  	[sflag:s23] =	ssyncset.done $0x0  }
0x14c: {  	[sflag:s23] =	ssyncadd.s32 $0xFFFFD8F0  }
0x14d: {  	_ =	swait.ge [sflag:s14], $0x2710  }
0x14e: {  	[sflag:s14] =	ssyncset.done $0x0  }
0x14f: {  	[sflag:s14] =	ssyncadd.s32 $0xFFFFD8F0  }
0x150: {  	_ =	swait.ge [sflag:s14], $0x2710  }
0x151: {  	[sflag:s14] =	ssyncset.done $0x0  }
0x152: {  	s21 =	rddreg [dreg:$0x1a];
	[sflag:s14] =	ssyncadd.s32 $0xFFFFD8F0  }
0x153: {  	[tilespmem:s7], [sflag:$0x1] =	stream.linear.gather [hbm4b:s21+s7], $0x2710, $0x38;
	[tilespmem:$0x1FEC0] =	vst v63  }
0x154: {  	s24 =	rddreg [dreg:$0x1b]  }
0x155: {  	[tilespmem:s30], [sflag:$0x1] =	stream.linear.gather [hbm4b:s24+s7], $0x2710, $0x38;
	[tilespmem:$0x1FEC0] =	vst v63  }
0x156: {  	s25 =	rddreg [dreg:$0x1c];
	s24 =	simm.s32 $0x9E20  }
0x157: {  	[tilespmem:s12], [sflag:$0x1] =	stream.linear.gather [hbm4b:s25+s7], $0x2710, $0x38;
	[tilespmem:$0x1FEC0] =	vst v63  }
0x158: {  	v3 =	vld [tilespmem:s24+$0x20]  }
0x159: {  	v4 =	vld [tilespmem:s24+$0xFFFFFFF0]  }
0x15a: {  	v5 =	vld [tilespmem:s24+$0x0]  }
0x15b: {  	v6 =	vld [tilespmem:s24+$0x10]  }
0x15c: {  	v7 =	vld [tilespmem:s24+$0xFFFFFFE0]  }
0x15d: {  	(erf) = vrcp.f32 v3  }
0x15e: {  	s25 =	simm.s32 $0x76A0;
	(erf) = vrcp.f32 v4  }
0x15f: {  	s26 =	simm.s32 $0xED20;
	v8 =	vld [tilespmem:s25+$0xFFFFFFF0];
	(erf) = vrcp.f32 v5  }
0x160: {  	s21 =	simm.s32 $0x9E70;
	v9 =	vld [tilespmem:s26+$0xFFFFFFF0];
	(erf) = vrcp.f32 v6  }
0x161: {  	v10 =	vld [tilespmem:s21+$0x20];
	(erf) = vrcp.f32 v7  }
0x162: {  	v3 =	vld [tilespmem:s25+$0x20]  }
0x163: {  	v5 =	vld [tilespmem:s26+$0x20]  }
0x164: {  	v11 =	vld [tilespmem:s21+$0xFFFFFFF0]  }
0x165: {  	v7 =	vld [tilespmem:s26+$0xFFFFFFE0]  }
0x166: {  	v6 =	vld [tilespmem:s25+$0xFFFFFFE0];
	v12 =	vpop (erf)  }
0x167: {  	v13 =	vld [tilespmem:s21+$0x0];
	v14 =	vpop (erf)  }
0x168: {  	v15 =	vld [tilespmem:s21+$0x10];
	v5 =	vcvt.s32.f32 v5;
	v61 =	vmul.f32 v3, v12;
	v4 =	vpop (erf)  }
0x169: {  	v62 =	vld [tilespmem:s21+$0xFFFFFFE0];
	v3 =	vpop (erf)  }
0x16a: {  	v7 =	vcvt.s32.f32 v7;
	(erf) = vrcp.f32 v10;
	v10 =	vld [tilespmem:s25+$0x0];
	v5 =	vadd.f32 v5, v61;
	v18 =	vpop (erf)  }
0x16b: {  	v19 =	vld [tilespmem:s26+$0x0];
	(erf) = vrcp.f32 v11;
	v6 =	vmul.f32 v6, v18  }
0x16c: {  	v63 =	vld [tilespmem:s25+$0x10];
	[tilespmem:s25+$0x20] =	vst v5;
	v5 =	vmul.f32 v8, v14;
	(erf) = vrcp.f32 v13  }
0x16d: {  	s31 =	simm.s32 $0xED70;
	v20 =	vld [tilespmem:s26+$0x10];
	v8 =	vcvt.s32.f32 v9;
	(erf) = vrcp.f32 v15;
	v6 =	vadd.f32 v7, v6  }
0x16e: {  	s26 =	simm.s32 $0x76F0;
	v11 =	vld [tilespmem:s31+$0x20];
	(erf) = vrcp.f32 v62  }
0x16f: {  	v9 =	vld [tilespmem:s26+$0x20];
	v7 =	vadd.f32 v8, v5;
	[tilespmem:s25+$0xFFFFFFE0] =	vst v6;
	v6 =	vmul.f32 v10, v4  }
0x170: {  	[tilespmem:s24+$0x20] =	vst v12;
	v5 =	vld [tilespmem:s26+$0xFFFFFFE0];
	v8 =	vcvt.s32.f32 v19  }
0x171: {  	v10 =	vld [tilespmem:s31+$0xFFFFFFE0];
	[tilespmem:s25+$0xFFFFFFF0] =	vst v7  }
0x172: {  	v12 =	vmul.f32 v63, v3;
	v7 =	vld [tilespmem:s26+$0xFFFFFFF0];
	[tilespmem:s24+$0xFFFFFFF0] =	vst v14;
	v14 =	vcvt.s32.f32 v20;
	v13 =	vadd.f32 v8, v6  }
0x173: {  	s2 =	simm.s32 $0x5;
	s6 =	simm.s32 $0x9EC0;
	[tilespmem:s24+$0xFFFFFFE0] =	vst v18;
	v8 =	vld [tilespmem:s31+$0xFFFFFFF0];
	v6 =	vpop (erf)  }
.LBB2_10:
0x174: {  	v15 =	vld [tilespmem:s6+$0x20];
	v9 =	vmul.f32 v9, v6;
	v18 =	vcvt.s32.f32 v11;
	v16 =	vpop (erf);
	[tilespmem:s25+$0x0] =	vst v13;
	v12 =	vadd.f32 v14, v12  }
0x175: {  	s2 =	sadd.s32 $0x5, s2;
	v13 =	vld [tilespmem:s6+$0xFFFFFFF0];
	[tilespmem:s24+$0x0] =	vst v4;
	v4 =	vpop (erf)  }
0x176: {  	p1 =	slt.u32 s2, $0x26C;
	v14 =	vld [tilespmem:s6+$0x0];
	v10 =	vcvt.s32.f32 v10;
	v9 =	vadd.f32 v18, v9;
	v11 =	vpop (erf);
	[tilespmem:s25+$0x10] =	vst v12;
	s25 =	smov.u32 s26  }
0x177: {  	v12 =	vld [tilespmem:s6+$0x10];
	v7 =	vmul.f32 v7, v16;
	v17 =	vpop (erf);
	[tilespmem:s24+$0x10] =	vst v3;
	v3 =	vmov v11;
	s24 =	smov.u32 s21;
	s21 =	smov.u32 s6  }
0x178: {  	v11 =	vld [tilespmem:s6+$0xFFFFFFE0];
	v5 =	vmul.f32 v5, v17;
	v8 =	vcvt.s32.f32 v8;
	[tilespmem:s26+$0x20] =	vst v9  }
0x179: {  	(erf) = vrcp.f32 v15;
	v15 =	vld [tilespmem:s26+$0x0];
	[tilespmem:s24+$0x20] =	vst v6  }
0x17a: {  	(erf) = vrcp.f32 v13;
	v5 =	vadd.f32 v10, v5;
	v6 =	vadd.f32 v8, v7;
	v7 =	vld [tilespmem:s31+$0x0]  }
0x17b: {  	(erf) = vrcp.f32 v14;
	v8 =	vld [tilespmem:s26+$0x10]  }
0x17c: {  	s26 =	sadd.s32 $0x50, s26;
	(erf) = vrcp.f32 v12;
	[tilespmem:s25+$0xFFFFFFE0] =	vst v5;
	v14 =	vld [tilespmem:s31+$0x10]  }
0x17d: {  	s31 =	sadd.s32 $0x50, s31;
	v9 =	vld [tilespmem:s26+$0x20];
	(erf) = vrcp.f32 v11;
	[tilespmem:s24+$0xFFFFFFE0] =	vst v17  }
.Ltmp4:
0x17e: {  	v11 =	vld [tilespmem:s31+$0x20];
	[tilespmem:s25+$0xFFFFFFF0] =	vst v6;
	v6 =	vmul.f32 v15, v4;
	(pc) =	sbr.rel @p1 .LBB2_10-.Ltmp4, $4  }
0x17f: {  	v5 =	vld [tilespmem:s26+$0xFFFFFFE0];
	[tilespmem:s24+$0xFFFFFFF0] =	vst v16;
	v13 =	vcvt.s32.f32 v7  }
0x180: {  	v10 =	vld [tilespmem:s31+$0xFFFFFFE0];
	v12 =	vmul.f32 v8, v3  }
0x181: {  	v7 =	vld [tilespmem:s26+$0xFFFFFFF0];
	v13 =	vadd.f32 v13, v6;
	v14 =	vcvt.s32.f32 v14  }
0x182: {  	s6 =	sadd.s32 $0x50, s6;
	v8 =	vld [tilespmem:s31+$0xFFFFFFF0];
	v6 =	vpop (erf)  }
0x183: {  	v15 =	vpop (erf)  }
0x184: {  	v16 =	vpop (erf)  }
0x185: {  	v9 =	vmul.f32 v9, v6;
	v11 =	vcvt.s32.f32 v11;
	[tilespmem:s25+$0x0] =	vst v13;
	v12 =	vadd.f32 v14, v12;
	v14 =	vld [tilespmem:s26+$0x0];
	v13 =	vpop (erf)  }
0x186: {  	v17 =	vld [tilespmem:s31+$0x0];
	[tilespmem:s24+$0x0] =	vst v4;
	v4 =	vpop (erf)  }
0x187: {  	v10 =	vcvt.s32.f32 v10;
	v9 =	vadd.f32 v11, v9;
	[tilespmem:s25+$0x10] =	vst v12;
	v11 =	vld [tilespmem:s26+$0x10];
	v5 =	vmul.f32 v5, v4  }
0x188: {  	[tilespmem:s24+$0x10] =	vst v3;
	v3 =	vld [tilespmem:s31+$0x10];
	v7 =	vmul.f32 v7, v15;
	v8 =	vcvt.s32.f32 v8  }
0x189: {  	[tilespmem:s26+$0x20] =	vst v9;
	v5 =	vadd.f32 v10, v5  }
0x18a: {  	[tilespmem:s21+$0x20] =	vst v6;
	v6 =	vadd.f32 v8, v7  }
0x18b: {  	v7 =	vcvt.s32.f32 v17;
	[tilespmem:s26+$0xFFFFFFE0] =	vst v5;
	v5 =	vmul.f32 v14, v16  }
0x18c: {  	[tilespmem:s26+$0xFFFFFFF0] =	vst v6  }
0x18d: {  	v3 =	vcvt.s32.f32 v3;
	[tilespmem:s21+$0xFFFFFFE0] =	vst v4;
	v4 =	vmul.f32 v11, v13;
	v5 =	vadd.f32 v7, v5  }
0x18e: {  	[tilespmem:s21+$0xFFFFFFF0] =	vst v15  }
0x18f: {  	v3 =	vadd.f32 v3, v4;
	[tilespmem:s26+$0x0] =	vst v5  }
0x190: {  	[tilespmem:s21+$0x0] =	vst v16  }
0x191: {  	[tilespmem:s26+$0x10] =	vst v3  }
0x192: {  	[tilespmem:s21+$0x10] =	vst v13  }
0x193: {  	s2 =	rddreg [dreg:$0x1d]  }
0x194: {  	[tilespmem:s22], [sflag:$0x1] =	stream.linear.gather [hbm4b:s2+s7], $0x2710, $0x38;
	[tilespmem:$0x1FEC0] =	vst v63  }
0x195: {  	s25 =	rddreg [dreg:$0x3]  }
0x196: {  	[spmem:s25] =	stream.indirect.scatter.add.f32 [tilespmem:s28], [sflag:$0x4], $0x1, s10, s11, $0xb8;
	[tilespmem:$0x1FEC0] =	vst v63  }
0x197: {  	_ = 	snop  }
0x198: {  	[spmem:s5] =	stream.indirect.scatter.add.f32 [tilespmem:s9], [sflag:$0x4], $0x1, s10, s11, $0xb8;
	[tilespmem:$0x1FEC0] =	vst v63  }
0x199: {  	_ =	swait.ge [sflag:s23], $0x2710  }
0x19a: {  	[sflag:s23] =	ssyncset.done $0x0  }
0x19b: {  	[sflag:s23] =	ssyncadd.s32 $0xFFFFD8F0  }
0x19c: {  	_ =	swait.ge [sflag:s23], $0x2710  }
0x19d: {  	[sflag:s23] =	ssyncset.done $0x0  }
0x19e: {  	[sflag:s23] =	ssyncadd.s32 $0xFFFFD8F0  }
0x19f: {  	_ =	swait.ge [sflag:s23], $0x2710  }
0x1a0: {  	[sflag:s23] =	ssyncset.done $0x0  }
0x1a1: {  	[sflag:s23] =	ssyncadd.s32 $0xFFFFD8F0  }
0x1a2: {  	_ =	swait.ge [sflag:s23], $0x2710  }
0x1a3: {  	[sflag:s23] =	ssyncset.done $0x0  }
0x1a4: {  	s24 =	simm.s32 $0x27A0;
	[sflag:s23] =	ssyncadd.s32 $0xFFFFD8F0  }
0x1a5: {  	v3 =	vld [tilespmem:s24+$0x20]  }
0x1a6: {  	v4 =	vld [tilespmem:s24+$0xFFFFFFF0]  }
0x1a7: {  	v5 =	vld [tilespmem:s24+$0x0]  }
0x1a8: {  	v6 =	vld [tilespmem:s24+$0x10]  }
0x1a9: {  	v7 =	vld [tilespmem:s24+$0xFFFFFFE0]  }
0x1aa: {  	(erf) = vrcp.f32 v3  }
0x1ab: {  	s25 =	simm.s32 $0x20;
	(erf) = vrcp.f32 v4  }
0x1ac: {  	s26 =	simm.s32 $0xED20;
	v8 =	vld [tilespmem:s25+$0xFFFFFFF0];
	(erf) = vrcp.f32 v5  }
0x1ad: {  	s21 =	simm.s32 $0x27F0;
	v9 =	vld [tilespmem:s26+$0xFFFFFFF0];
	(erf) = vrcp.f32 v6  }
0x1ae: {  	v10 =	vld [tilespmem:s21+$0x20];
	(erf) = vrcp.f32 v7  }
0x1af: {  	v3 =	vld [tilespmem:s25+$0x20]  }
0x1b0: {  	v5 =	vld [tilespmem:s26+$0x20]  }
0x1b1: {  	v11 =	vld [tilespmem:s21+$0xFFFFFFF0]  }
0x1b2: {  	v7 =	vld [tilespmem:s26+$0xFFFFFFE0]  }
0x1b3: {  	v6 =	vld [tilespmem:s25+$0xFFFFFFE0];
	v12 =	vpop (erf)  }
0x1b4: {  	v13 =	vld [tilespmem:s21+$0x0];
	v14 =	vpop (erf)  }
0x1b5: {  	v15 =	vld [tilespmem:s21+$0x10];
	v5 =	vcvt.s32.f32 v5;
	v61 =	vmul.f32 v3, v12;
	v4 =	vpop (erf)  }
0x1b6: {  	v62 =	vld [tilespmem:s21+$0xFFFFFFE0];
	v3 =	vpop (erf)  }
0x1b7: {  	v7 =	vcvt.s32.f32 v7;
	(erf) = vrcp.f32 v10;
	v10 =	vld [tilespmem:s25+$0x0];
	v5 =	vadd.f32 v5, v61;
	v18 =	vpop (erf)  }
0x1b8: {  	v19 =	vld [tilespmem:s26+$0x0];
	(erf) = vrcp.f32 v11;
	v6 =	vmul.f32 v6, v18  }
0x1b9: {  	v63 =	vld [tilespmem:s25+$0x10];
	[tilespmem:s25+$0x20] =	vst v5;
	v5 =	vmul.f32 v8, v14;
	(erf) = vrcp.f32 v13  }
0x1ba: {  	s31 =	simm.s32 $0xED70;
	v20 =	vld [tilespmem:s26+$0x10];
	v8 =	vcvt.s32.f32 v9;
	(erf) = vrcp.f32 v15;
	v6 =	vadd.f32 v7, v6  }
0x1bb: {  	s26 =	simm.s32 $0x70;
	v11 =	vld [tilespmem:s31+$0x20];
	(erf) = vrcp.f32 v62  }
0x1bc: {  	v9 =	vld [tilespmem:s26+$0x20];
	v7 =	vadd.f32 v8, v5;
	[tilespmem:s25+$0xFFFFFFE0] =	vst v6;
	v6 =	vmul.f32 v10, v4  }
0x1bd: {  	[tilespmem:s24+$0x20] =	vst v12;
	v5 =	vld [tilespmem:s26+$0xFFFFFFE0];
	v8 =	vcvt.s32.f32 v19  }
0x1be: {  	v10 =	vld [tilespmem:s31+$0xFFFFFFE0];
	[tilespmem:s25+$0xFFFFFFF0] =	vst v7  }
0x1bf: {  	v12 =	vmul.f32 v63, v3;
	v7 =	vld [tilespmem:s26+$0xFFFFFFF0];
	[tilespmem:s24+$0xFFFFFFF0] =	vst v14;
	v14 =	vcvt.s32.f32 v20;
	v13 =	vadd.f32 v8, v6  }
0x1c0: {  	s6 =	simm.s32 $0x2840;
	s2 =	simm.s32 $0x5;
	[tilespmem:s24+$0xFFFFFFE0] =	vst v18;
	v8 =	vld [tilespmem:s31+$0xFFFFFFF0];
	v6 =	vpop (erf)  }
.LBB2_12:
0x1c1: {  	v15 =	vld [tilespmem:s6+$0x20];
	v9 =	vmul.f32 v9, v6;
	v18 =	vcvt.s32.f32 v11;
	v16 =	vpop (erf);
	[tilespmem:s25+$0x0] =	vst v13;
	v12 =	vadd.f32 v14, v12  }
0x1c2: {  	s2 =	sadd.s32 $0x5, s2;
	v13 =	vld [tilespmem:s6+$0xFFFFFFF0];
	[tilespmem:s24+$0x0] =	vst v4;
	v4 =	vpop (erf)  }
0x1c3: {  	p1 =	slt.u32 s2, $0x26C;
	v14 =	vld [tilespmem:s6+$0x0];
	v10 =	vcvt.s32.f32 v10;
	v9 =	vadd.f32 v18, v9;
	v11 =	vpop (erf);
	[tilespmem:s25+$0x10] =	vst v12;
	s25 =	smov.u32 s26  }
0x1c4: {  	v12 =	vld [tilespmem:s6+$0x10];
	v7 =	vmul.f32 v7, v16;
	v17 =	vpop (erf);
	[tilespmem:s24+$0x10] =	vst v3;
	v3 =	vmov v11;
	s24 =	smov.u32 s21;
	s21 =	smov.u32 s6  }
0x1c5: {  	v11 =	vld [tilespmem:s6+$0xFFFFFFE0];
	v5 =	vmul.f32 v5, v17;
	v8 =	vcvt.s32.f32 v8;
	[tilespmem:s26+$0x20] =	vst v9  }
0x1c6: {  	(erf) = vrcp.f32 v15;
	v15 =	vld [tilespmem:s26+$0x0];
	[tilespmem:s24+$0x20] =	vst v6  }
0x1c7: {  	(erf) = vrcp.f32 v13;
	v5 =	vadd.f32 v10, v5;
	v6 =	vadd.f32 v8, v7;
	v7 =	vld [tilespmem:s31+$0x0]  }
0x1c8: {  	(erf) = vrcp.f32 v14;
	v8 =	vld [tilespmem:s26+$0x10]  }
0x1c9: {  	s26 =	sadd.s32 $0x50, s26;
	(erf) = vrcp.f32 v12;
	[tilespmem:s25+$0xFFFFFFE0] =	vst v5;
	v14 =	vld [tilespmem:s31+$0x10]  }
0x1ca: {  	s31 =	sadd.s32 $0x50, s31;
	v9 =	vld [tilespmem:s26+$0x20];
	(erf) = vrcp.f32 v11;
	[tilespmem:s24+$0xFFFFFFE0] =	vst v17  }
.Ltmp5:
0x1cb: {  	v11 =	vld [tilespmem:s31+$0x20];
	[tilespmem:s25+$0xFFFFFFF0] =	vst v6;
	v6 =	vmul.f32 v15, v4;
	(pc) =	sbr.rel @p1 .LBB2_12-.Ltmp5, $4  }
0x1cc: {  	v5 =	vld [tilespmem:s26+$0xFFFFFFE0];
	[tilespmem:s24+$0xFFFFFFF0] =	vst v16;
	v13 =	vcvt.s32.f32 v7  }
0x1cd: {  	v10 =	vld [tilespmem:s31+$0xFFFFFFE0];
	v12 =	vmul.f32 v8, v3  }
0x1ce: {  	v7 =	vld [tilespmem:s26+$0xFFFFFFF0];
	v13 =	vadd.f32 v13, v6;
	v14 =	vcvt.s32.f32 v14  }
0x1cf: {  	s6 =	sadd.s32 $0x50, s6;
	v8 =	vld [tilespmem:s31+$0xFFFFFFF0];
	v6 =	vpop (erf)  }
0x1d0: {  	v15 =	vpop (erf)  }
0x1d1: {  	v16 =	vpop (erf)  }
0x1d2: {  	v9 =	vmul.f32 v9, v6;
	v11 =	vcvt.s32.f32 v11;
	[tilespmem:s25+$0x0] =	vst v13;
	v12 =	vadd.f32 v14, v12;
	v60 =	vld [tilespmem:s26+$0x0];
	v59 =	vpop (erf)  }
0x1d3: {  	v17 =	vld [tilespmem:s31+$0x0];
	[tilespmem:s24+$0x0] =	vst v4;
	v4 =	vpop (erf)  }
0x1d4: {  	v61 =	vld [tilespmem:s26+$0x10];
	v9 =	vadd.f32 v11, v9;
	v10 =	vcvt.s32.f32 v10;
	[tilespmem:s25+$0x10] =	vst v12;
	v5 =	vmul.f32 v5, v4  }
0x1d5: {  	[tilespmem:s24+$0x10] =	vst v3;
	v3 =	vld [tilespmem:s31+$0x10];
	v7 =	vmul.f32 v7, v15;
	v8 =	vcvt.s32.f32 v8  }
0x1d6: {  	[tilespmem:s26+$0x20] =	vst v9;
	v5 =	vadd.f32 v10, v5  }
0x1d7: {  	[tilespmem:s21+$0x20] =	vst v6;
	v62 =	vadd.f32 v8, v7  }
0x1d8: {  	v63 =	vcvt.s32.f32 v17;
	[tilespmem:s26+$0xFFFFFFE0] =	vst v5;
	v5 =	vmul.f32 v60, v16  }
0x1d9: {  	[tilespmem:s26+$0xFFFFFFF0] =	vst v62  }
0x1da: {  	v3 =	vcvt.s32.f32 v3;
	[tilespmem:s21+$0xFFFFFFE0] =	vst v4;
	v4 =	vmul.f32 v61, v59;
	v5 =	vadd.f32 v63, v5  }
0x1db: {  	[tilespmem:s21+$0xFFFFFFF0] =	vst v15  }
0x1dc: {  	v3 =	vadd.f32 v3, v4;
	[tilespmem:s26+$0x0] =	vst v5  }
0x1dd: {  	[tilespmem:s21+$0x0] =	vst v16  }
0x1de: {  	[tilespmem:s26+$0x10] =	vst v3  }
0x1df: {  	s2 =	rddreg [dreg:$0x3];
	[tilespmem:s21+$0x10] =	vst v59  }
0x1e0: {  	[spmem:s2] =	stream.indirect.scatter.add.f32 [tilespmem:s7], [sflag:$0x3], $0x1, s12, s11, $0xb8;
	[tilespmem:$0x1FEC0] =	vst v63  }
0x1e1: {  	_ = 	snop  }
0x1e2: {  	[spmem:s5] =	stream.indirect.scatter.add.f32 [tilespmem:s30], [sflag:$0x3], $0x1, s12, s11, $0xb8;
	[tilespmem:$0x1FEC0] =	vst v63  }
0x1e3: {  	_ =	swait.ge [sflag:s15], $0x2710  }
0x1e4: {  	[sflag:s15] =	ssyncset.done $0x0  }
0x1e5: {  	[sflag:s15] =	ssyncadd.s32 $0xFFFFD8F0  }
0x1e6: {  	_ =	swait.ge [sflag:s15], $0x2710  }
0x1e7: {  	[sflag:s15] =	ssyncset.done $0x0  }
0x1e8: {  	[sflag:s15] =	ssyncadd.s32 $0xFFFFD8F0  }
0x1e9: {  	_ =	swait.ge [sflag:s14], $0x2710  }
0x1ea: {  	[sflag:s14] =	ssyncset.done $0x0  }
0x1eb: {  	[sflag:s14] =	ssyncadd.s32 $0xFFFFD8F0  }
0x1ec: {  	_ =	swait.ge [sflag:s14], $0x2710  }
0x1ed: {  	[sflag:s14] =	ssyncset.done $0x0  }
0x1ee: {  	[sflag:s14] =	ssyncadd.s32 $0xFFFFD8F0  }
0x1ef: {  	[bflag:$0x0] =	sbarrier.arrive $0xFFFF  }
0x1f0: {  	s21 =	sld [smem:$0x7FD];
	_ =	sdelay $0x1  }
0x1f1: {  	s6 =	simm.s32 @!p0 $0x11480;
	s2 =	simm.s32 @!p0 $0x0  }
0x1f2: {  	[tilespmem:s6], [sflag:$0x5] =	stream.linear.gather @!p0 [hbm4b:s21+s2], $0x10, $0x38;
	[tilespmem:$0x1FEC0] =	vst v63  }
0x1f3: {  	s2 =	simm.s32 @!p0 $0x5  }
0x1f4: {  	_ =	swait.ge @!p0 [sflag:s2], $0x10  }
0x1f5: {  	[sflag:s2] =	ssyncset.done @!p0 $0x0  }
0x1f6: {  	[sflag:s2] =	ssyncadd.s32 @!p0 $0xFFFFFFF0  }
0x1f7: {  	v3 =	vld @!p0 [tilespmem:$0x11480];
	_ =	sdelay $0x4  }
0x1f8: {  	(v2sf) =	vpush @!p0 v3, $0x7  }
0x1f9: {  	(v2sf) =	vpush @!p0 v3, $0x8;
	_ =	sdelay $0xd  }
0x1fa: {  	s2 =	spop @!p0 (v2sf)  }
0x1fb: {  	s6 =	spop @!p0 (v2sf)  }
0x1fc: {  	p1 =	sne.s32 @!p0 s2, s6  }
0x1fd: {  	p1 =	por p0, p1  }
.Ltmp6:
0x1fe: {  	_ = 	snop;
	(pc) =	sbr.rel @p1 .LBB2_19-.Ltmp6, $2  }
0x1ff: {  	_ =	sdelay $0x2  }
0x200: {  	s31 =	smov.u32 s18;
	s18 =	smov.u32 s4  }
0x201: {  	v3 =	vbroadcast v3, $0x7;
	s21 =	simm.s32 $0x0;
	v4 =	vimm.f32 $0.0e+00;
	v5 =	vimm.f32 $0.0e+00;
	s24 =	simm.s32 $0x0  }
.LBB2_15:
0x202: {  	s2 =	sxor.u32 s16, s24  }
0x203: {  	s2 =	sshll.u32 s2, $0xB  }
0x204: {  	s2 =	sadd.s32 $0xC3500, s2  }
0x205: {  	s2 =	sshrl.u32 s2, $0x3  }
0x206: {  	s6 =	sadd.s32 s8, s2  }
0x207: {  	[tilespmem:s21], [sflag:$0x5] =	stream.linear.gather [hbm4b:s6+s21], $0x800, $0x38;
	[tilespmem:$0x1FEC0] =	vst v63  }
0x208: {  	_ =	swait.ge [sflag:s29], $0x800  }
0x209: {  	[sflag:s29] =	ssyncset.done $0x0  }
0x20a: {  	s26 =	sadd.s32 s0, s2;
	[sflag:s29] =	ssyncadd.s32 $0xFFFFF800  }
0x20b: {  	[tilespmem:s30], [sflag:$0x5] =	stream.linear.gather [hbm4b:s26+s21], $0x800, $0x38;
	[tilespmem:$0x1FEC0] =	vst v63  }
0x20c: {  	_ =	swait.ge [sflag:s29], $0x800  }
0x20d: {  	[sflag:s29] =	ssyncset.done $0x0  }
0x20e: {  	s4 =	sadd.s32 s1, s2;
	[sflag:s29] =	ssyncadd.s32 $0xFFFFF800  }
0x20f: {  	[tilespmem:s22], [sflag:$0x5] =	stream.linear.gather [hbm4b:s4+s21], $0x800, $0x38;
	[tilespmem:$0x1FEC0] =	vst v63  }
0x210: {  	_ =	swait.ge [sflag:s29], $0x800  }
0x211: {  	[sflag:s29] =	ssyncset.done $0x0  }
0x212: {  	s2 =	sadd.s32 s3, s2;
	[sflag:s29] =	ssyncadd.s32 $0xFFFFF800  }
0x213: {  	[tilespmem:s12], [sflag:$0x5] =	stream.linear.gather [hbm4b:s2+s21], $0x800, $0x38;
	[tilespmem:$0x1FEC0] =	vst v63  }
0x214: {  	_ =	swait.ge [sflag:s29], $0x800  }
0x215: {  	[sflag:s29] =	ssyncset.done $0x0  }
0x216: {  	s25 =	simm.s32 $0x0;
	[sflag:s29] =	ssyncadd.s32 $0xFFFFF800  }
0x217: {  	v6 =	vld [tilespmem:s25+$0x2780]  }
0x218: {  	s26 =	simm.s32 $0x10;
	v7 =	vld [tilespmem:s25+$0x4F00]  }
0x219: {  	v8 =	vld [tilespmem:s26+$0x2780];
	_ =	sdelay $0x3  }
0x21a: {  	s4 =	simm.s32 $0x20;
	(erf) = vrcp.f32 v6;
	v6 =	vld [tilespmem:s26+$0x4F00];
	vm0 =	veq.s32 v7, v3  }
0x21b: {  	v11 =	vld [tilespmem:s4+$0x4F00];
	(erf) = vrcp.f32 v8;
	v8 =	vsel vm0, $0x1, v1  }
0x21c: {  	(xrf0) =	vadd.scan.msk.s32 $0xffff, v8  }
0x21d: {  	v10 =	vld [tilespmem:s25+$0xED00]  }
0x21e: {  	v7 =	vld [tilespmem:s4+$0x2780]  }
0x21f: {  	vm1 =	veq.s32 v6, v3  }
0x220: {  	vm2 =	veq.s32 v11, v3;
	v8 =	vsel vm1, $0x1, v1  }
0x221: {  	v9 =	vld [tilespmem:s25+$0x0];
	v11 =	vsel vm2, $0x1, v1;
	(xrf0) =	vadd.scan.msk.s32 $0xffff, v8  }
0x222: {  	s25 =	simm.s32 $0x30;
	v8 =	vcvt.s32.f32 v10;
	v10 =	vld [tilespmem:s4+$0xED00];
	v14, _, _ =	vpop (xrf0);
	(xrf0) =	vadd.scan.msk.s32 $0xffff, v11  }
0x223: {  	(erf) = vrcp.f32 v7;
	v7 =	vld [tilespmem:s25+$0x2780]  }
0x224: {  	vm0 =	vmmov vm0  }
0x225: {  	v12 =	vld [tilespmem:s26+$0x0];
	vm0 =	vmmov vm0;
	v13 =	vpop (erf);
	(v2sf) =	vpush v14, $0xF  }
0x226: {  	v6 =	vld [tilespmem:s26+$0xED00];
	v9 =	vmul.f32 v9, v13;
	v13 =	vnsel vm0, $0x0, v13  }
0x227: {  	v11 =	vadd.f32 v13, v4;
	v4 =	vcvt.s32.f32 v10;
	v10, _, _ =	vpop (xrf0)  }
0x228: {  	(erf) = vrcp.f32 v7;
	(v2sf) =	vpush v10, $0xF;
	v7, _, _ =	vpop (xrf0)  }
0x229: {  	v8 =	vadd.f32 v8, v9;
	v9 =	vld [tilespmem:s25+$0x4F00];
	(v2sf) =	vpush v7, $0xF  }
0x22a: {  	v14 =	vpop (erf)  }
0x22b: {  	vm1 =	vmmov vm1;
	v6 =	vcvt.s32.f32 v6;
	v13 =	vld [tilespmem:s25+$0xED00];
	v12 =	vmul.f32 v12, v14  }
0x22c: {  	v8 =	vnsel vm0, $0x0, v8;
	vm0 =	vmmov vm1  }
0x22d: {  	v15 =	vld [tilespmem:s4+$0x0];
	s26 =	simm.s32 $0x40;
	v16 =	vadd.f32 v8, v5;
	v8 =	vnsel vm0, $0x0, v14;
	v14 =	vadd.f32 v6, v12  }
0x22e: {  	vm1 =	vmmov vm2;
	v10 =	vld [tilespmem:s26+$0x2780];
	vm2 =	veq.s32 v9, v3  }
0x22f: {  	v12 =	vld [tilespmem:s26+$0x4F00];
	v6 =	vadd.f32 v8, v11;
	v11 =	vsel vm2, $0x1, v1  }
0x230: {  	v8 =	vcvt.s32.f32 v13;
	v13 =	vnsel vm0, $0x0, v14;
	v9 =	vld [tilespmem:s26+$0x0];
	(xrf0) =	vadd.scan.msk.s32 $0xffff, v11  }
0x231: {  	vm0 =	vmmov vm1;
	v7 =	vadd.f32 v13, v16;
	v14 =	vpop (erf);
	v11 =	vld [tilespmem:s26+$0xED00]  }
0x232: {  	s6 =	simm.s32 $0x140;
	s2 =	simm.s32 $0x0;
	v5 =	vld [tilespmem:s25+$0x0];
	vm1 =	vmmov vm2;
	v13 =	vmul.f32 v15, v14;
	v14 =	vnsel vm0, $0x0, v14  }
.LBB2_16:
0x233: {  	s25 =	sshra.s32 s6, $0x2;
	v6 =	vadd.f32 v14, v6;
	p1 =	sne.s32 s6, $0x1FC0  }
.Ltmp7:
0x234: {  	s6 =	sadd.s32 $0x40, s6;
	vm2 =	veq.s32 v12, v3;
	(erf) = vrcp.f32 v10;
	v10 =	vld [tilespmem:s25+$0x2780];
	v13 =	vadd.f32 v4, v13;
	s26 =	spop (v2sf);
	(pc) =	sbr.rel @p1 .LBB2_16-.Ltmp7, $4  }
0x235: {  	v4 =	vmov v8;
	v12 =	vld [tilespmem:s25+$0x4F00];
	v17 =	vsel vm2, $0x1, v1;
	s2 =	sadd.s32 s2, s26;
	v15 =	vmov v9  }
0x236: {  	v9 =	vld [tilespmem:s25+$0x0];
	v8 =	vcvt.s32.f32 v11;
	(xrf0) =	vadd.scan.msk.s32 $0xffff, v17;
	v14, _, _ =	vpop (xrf0);
	v13 =	vnsel vm0, $0x0, v13;
	vm0 =	vmmov vm1  }
0x237: {  	vm1 =	vmmov vm2;
	v11 =	vld [tilespmem:s25+$0xED00];
	v16 =	vpop (erf);
	(v2sf) =	vpush v14, $0xF;
	v7 =	vadd.f32 v13, v7  }
0x238: {  	v13 =	vmul.f32 v5, v16;
	v14 =	vnsel vm0, $0x0, v16;
	v5 =	vmov v15  }
0x239: {  	_ = 	snop  }
0x23a: {  	vm2 =	veq.s32 v12, v3  }
0x23b: {  	v12 =	vsel vm2, $0x1, v1  }
0x23c: {  	(xrf0) =	vadd.scan.msk.s32 $0xffff, v12;
	_ =	sdelay $0x4  }
0x23d: {  	v59, _, _ =	vpop (xrf0)  }
0x23e: {  	(v2sf) =	vpush v59, $0xF;
	v60, _, _ =	vpop (xrf0)  }
0x23f: {  	(v2sf) =	vpush v60, $0xF;
	_ =	sdelay $0x8  }
0x240: {  	(erf) = vrcp.f32 v10;
	_ =	sdelay $0x1  }
0x241: {  	s6 =	spop (v2sf)  }
0x242: {  	s2 =	sadd.s32 s2, s6;
	s26 =	spop (v2sf)  }
0x243: {  	s2 =	sadd.s32 s2, s26;
	s4 =	spop (v2sf)  }
0x244: {  	s2 =	sadd.s32 s2, s4;
	s25 =	spop (v2sf)  }
0x245: {  	s2 =	sadd.s32 s2, s25;
	s26 =	spop (v2sf)  }
0x246: {  	v61 =	vpop (erf);
	s2 =	sadd.s32 s2, s26  }
0x247: {  	v4 =	vadd.f32 v4, v13;
	v5 =	vmul.f32 v5, v61;
	p1 =	sne.s32 s2, $0x800  }
0x248: {  	v6 =	vadd.f32 v14, v6;
	v11 =	vcvt.s32.f32 v11;
	v62 =	vpop (erf);
	p2 =	slt.u32 @!p1 s24, $0x185  }
0x249: {  	v4 =	vnsel vm0, $0x0, v4;
	v5 =	vadd.f32 v8, v5;
	v63 =	vmul.f32 v9, v62;
	p1 =	por p1, !p2  }
.Ltmp8:
0x24a: {  	vm13 =	vmmov vm1;
	vm14 =	vmmov vm2;
	v4 =	vadd.f32 v4, v7;
	(pc) =	sbr.rel @!p1 .LBB2_15-.Ltmp8, $4  }
0x24b: {  	v7 =	vnsel vm13, $0x0, v61;
	v5 =	vnsel vm13, $0x0, v5;
	v8 =	vadd.f32 v11, v63  }
0x24c: {  	vm15 =	vmmov vm14;
	v6 =	vadd.f32 v7, v6;
	v5 =	vadd.f32 v5, v4  }
0x24d: {  	v4 =	vnsel vm15, $0x0, v62;
	v7 =	vnsel vm15, $0x0, v8  }
0x24e: {  	v4 =	vadd.f32 v4, v6;
	v5 =	vadd.f32 v7, v5;
	s24 =	sadd.s32 $0x1, s24  }
0x24f: {  	_ = 	snop  }
0x250: {  	(xrf2) =	vadd.scan.msk.f32 $0xffff, v5  }
0x251: {  	(xrf2) =	vadd.scan.msk.f32 $0xffff, v4;
	_ =	sdelay $0x8  }
0x252: {  	v62, _, _ =	vpop (xrf2)  }
0x253: {  	v4 =	vbroadcast v62, $0xF;
	v63, _, _ =	vpop (xrf2)  }
0x254: {  	v5 =	vbroadcast v63, $0xF  }
0x255: {  	v4 =	vmul.f32 v2, v4  }
0x256: {  	[tilespmem:$0x11480] =	vst v3;
	v3 =	vmul.f32 v2, v5  }
0x257: {  	s2 =	rddreg [dreg:$0x3];
	[tilespmem:$0x11500] =	vst v4  }
0x258: {  	s4 =	simm.s32 $0x10;
	s6 =	simm.s32 $0x11480;
	s21 =	simm.s32 $0x11500;
	[tilespmem:$0x11580] =	vst v3  }
0x259: {  	[spmem:s2] =	stream.indirect.scatter.add.f32 [tilespmem:s21], [sflag:$0x5], $0x1, s6, s4, $0xb8;
	[tilespmem:$0x1FEC0] =	vst v63  }
0x25a: {  	_ =	swait.ge [sflag:s29], $0x10  }
0x25b: {  	[sflag:s29] =	ssyncset.done $0x0  }
0x25c: {  	s26 =	simm.s32 $0x11580;
	[sflag:s29] =	ssyncadd.s32 $0xFFFFFFF0  }
0x25d: {  	[spmem:s5] =	stream.indirect.scatter.add.f32 [tilespmem:s26], [sflag:$0x5], $0x1, s6, s4, $0xb8;
	[tilespmem:$0x1FEC0] =	vst v63  }
0x25e: {  	_ =	swait.ge [sflag:s29], $0x10  }
0x25f: {  	[sflag:s29] =	ssyncset.done $0x0  }
0x260: {  	[sflag:s29] =	ssyncadd.s32 $0xFFFFFFF0  }
.LBB2_19:
0x261: {  	[bflag:$0x0] =	sbarrier.arrive $0xFFFF  }
0x262: {  	[tilespmem:s7], [sflag:$0x5] =	stream.linear.gather [spmem:s18], $0xC40, $0x38;
	[tilespmem:$0x1FEC0] =	vst v63  }
0x263: {  	_ =	swait.ge [sflag:s29], $0xC40  }
0x264: {  	[sflag:s29] =	ssyncset.done $0x0  }
0x265: {  	s2 =	rddreg [dreg:$0x1e];
	[sflag:s29] =	ssyncadd.s32 $0xFFFFF3C0  }
0x266: {  	[tilespmem:s30], [sflag:$0x5] =	stream.linear.gather [spmem:s2], $0xC40, $0x38;
	[tilespmem:$0x1FEC0] =	vst v63  }
0x267: {  	_ =	swait.ge [sflag:s29], $0xC40  }
0x268: {  	[sflag:s29] =	ssyncset.done $0x0  }
0x269: {  	s25 =	simm.s32 $0x27A0;
	[sflag:s29] =	ssyncadd.s32 $0xFFFFF3C0  }
0x26a: {  	v3 =	vld [tilespmem:s25+$0x10]  }
0x26b: {  	v4 =	vld [tilespmem:s25+$0xFFFFFFE0]  }
0x26c: {  	v5 =	vld [tilespmem:s25+$0xFFFFFFF0];
	_ =	sdelay $0x1  }
0x26d: {  	v6 =	vld [tilespmem:s25+$0x0]  }
0x26e: {  	s26 =	simm.s32 $0x27E0;
	(erf) = vrcp.f32 v3  }
0x26f: {  	v3 =	vld [tilespmem:s26+$0x10];
	(erf) = vrcp.f32 v4  }
0x270: {  	v4 =	vld [tilespmem:s26+$0xFFFFFFE0];
	(erf) = vrcp.f32 v5  }
0x271: {  	v7 =	vld [tilespmem:s26+$0x0]  }
0x272: {  	s6 =	simm.s32 $0x20;
	(erf) = vrcp.f32 v6;
	v6 =	vld [tilespmem:s26+$0xFFFFFFF0]  }
0x273: {  	v8 =	vld [tilespmem:s6+$0xFFFFFFE0]  }
0x274: {  	v5 =	vld [tilespmem:s6+$0x10];
	(erf) = vrcp.f32 v3  }
0x275: {  	s21 =	simm.s32 $0x2820;
	v3 =	vld [tilespmem:s6+$0xFFFFFFF0];
	(erf) = vrcp.f32 v4  }
0x276: {  	v10 =	vld [tilespmem:s21+$0x10]  }
0x277: {  	v4 =	vld [tilespmem:s6+$0x0];
	v9 =	vpop (erf);
	(erf) = vrcp.f32 v6  }
0x278: {  	v12 =	vld [tilespmem:s21+$0xFFFFFFE0];
	s6 =	simm.s32 $0x60;
	v11 =	vpop (erf);
	(erf) = vrcp.f32 v7  }
0x279: {  	v13 =	vld [tilespmem:s6+$0x10];
	v9 =	vmul.f32 v9, v5;
	v5 =	vpop (erf)  }
0x27a: {  	s2 =	simm.s32 $0x76A0;
	v7 =	vmul.f32 v11, v8;
	v3 =	vmul.f32 v5, v3;
	v5 =	vld [tilespmem:s21+$0xFFFFFFF0]  }
0x27b: {  	v6 =	vld [tilespmem:s21+$0x0];
	v14 =	vpop (erf);
	[tilespmem:s2+$0x10] =	vst v9  }
0x27c: {  	(erf) = vrcp.f32 v10;
	v9 =	vmul.f32 v14, v4;
	v4 =	vld [tilespmem:s6+$0xFFFFFFF0];
	[tilespmem:s2+$0xFFFFFFE0] =	vst v7  }
0x27d: {  	(erf) = vrcp.f32 v12;
	[tilespmem:s2+$0xFFFFFFF0] =	vst v3;
	v3 =	vld [tilespmem:s6+$0x0];
	v8 =	vpop (erf)  }
0x27e: {  	s24 =	simm.s32 $0x2860;
	s21 =	simm.s32 $0x8;
	v7 =	vld [tilespmem:s6+$0xFFFFFFE0];
	[tilespmem:s2+$0x0] =	vst v9;
	v9 =	vmul.f32 v8, v13;
	v8 =	vpop (erf)  }
.LBB2_20:
0x27f: {  	v10 =	vld [tilespmem:s24+$0x10];
	s21 =	sadd.s32 $0x4, s21;
	(erf) = vrcp.f32 v5;
	s2 =	sadd.s32 $0x40, s2  }
0x280: {  	s6 =	sadd.s32 $0x40, s6;
	v11 =	vld [tilespmem:s24+$0xFFFFFFE0];
	p1 =	slt.u32 s21, $0xC0;
	(erf) = vrcp.f32 v6;
	[tilespmem:s2+$0x10] =	vst v9;
	v5 =	vpop (erf)  }
0x281: {  	v9 =	vld [tilespmem:s6+$0x10];
	v4 =	vmul.f32 v5, v4;
	v6 =	vpop (erf)  }
.Ltmp9:
0x282: {  	v5 =	vld [tilespmem:s24+$0xFFFFFFF0];
	v3 =	vmul.f32 v6, v3;
	(pc) =	sbr.rel @p1 .LBB2_20-.Ltmp9, $4  }
0x283: {  	v6 =	vld [tilespmem:s24+$0x0];
	v7 =	vmul.f32 v8, v7;
	[tilespmem:s2+$0xFFFFFFF0] =	vst v4  }
0x284: {  	(erf) = vrcp.f32 v10;
	v4 =	vld [tilespmem:s6+$0xFFFFFFF0];
	[tilespmem:s2+$0x0] =	vst v3  }
0x285: {  	(erf) = vrcp.f32 v11;
	v3 =	vld [tilespmem:s6+$0x0];
	v8 =	vpop (erf);
	[tilespmem:s2+$0xFFFFFFE0] =	vst v7  }
0x286: {  	s24 =	sadd.s32 $0x40, s24;
	v7 =	vld [tilespmem:s6+$0xFFFFFFE0];
	v9 =	vmul.f32 v8, v9;
	v8 =	vpop (erf)  }
0x287: {  	(erf) = vrcp.f32 v5  }
0x288: {  	(erf) = vrcp.f32 v6  }
0x289: {  	s6 =	sadd.s32 $0x40, s6  }
0x28a: {  	s2 =	sadd.s32 $0x40, s2;
	v5 =	vld [tilespmem:s6+$0x10];
	v6 =	vpop (erf)  }
0x28b: {  	[tilespmem:s2+$0x10] =	vst v9;
	v9 =	vld [tilespmem:s6+$0xFFFFFFE0];
	v4 =	vmul.f32 v6, v4  }
0x28c: {  	v10 =	vld [tilespmem:s6+$0xFFFFFFF0];
	v6 =	vpop (erf)  }
0x28d: {  	v11 =	vld [tilespmem:s6+$0x0];
	v3 =	vmul.f32 v6, v3  }
0x28e: {  	v7 =	vmul.f32 v8, v7;
	[tilespmem:s2+$0xFFFFFFF0] =	vst v4;
	v6 =	vpop (erf)  }
0x28f: {  	[tilespmem:s2+$0x0] =	vst v3;
	v4 =	vpop (erf);
	v3 =	vmul.f32 v6, v5  }
0x290: {  	[tilespmem:s2+$0xFFFFFFE0] =	vst v7;
	s2 =	sadd.s32 $0x40, s2;
	v4 =	vmul.f32 v4, v9;
	v5 =	vpop (erf)  }
0x291: {  	[tilespmem:s2+$0x10] =	vst v3;
	v5 =	vmul.f32 v5, v10;
	v6 =	vpop (erf)  }
0x292: {  	[tilespmem:s2+$0xFFFFFFE0] =	vst v4;
	v3 =	vmul.f32 v6, v11  }
0x293: {  	[tilespmem:s2+$0xFFFFFFF0] =	vst v5  }
0x294: {  	[tilespmem:s2+$0x0] =	vst v3  }
0x295: {  	s2 =	rddreg [dreg:$0x1f]  }
0x296: {  	[spmem:s2] =	stream.linear.scatter [tilespmem:s28], [sflag:$0x5], $0xC40, $0x38;
	[tilespmem:$0x1FEC0] =	vst v63  }
0x297: {  	_ =	swait.ge [sflag:s29], $0xC40  }
0x298: {  	[sflag:s29] =	ssyncset.done $0x0  }
0x299: {  	[sflag:s29] =	ssyncadd.s32 $0xFFFFF3C0  }
0x29a: {  	[bflag:$0x0] =	sbarrier.arrive $0xFFFF  }
0x29b: {  	s4 =	rddreg [dreg:$0x5]  }
0x29c: {  	[tilespmem:s19], [sflag:$0x5] =	stream.linear.gather [spmem:s4], $0xC400, $0x38;
	[tilespmem:$0x1FEC0] =	vst v63  }
0x29d: {  	_ =	swait.ge [sflag:s29], $0xC400  }
0x29e: {  	[sflag:s29] =	ssyncset.done $0x0  }
0x29f: {  	[sflag:s29] =	ssyncadd.s32 $0xFFFF3C00  }
0x2a0: {  	[tilespmem:s7], [sflag:$0x1] =	stream.linear.gather [hbm4b:s17+s7], $0x2710, $0x38;
	[tilespmem:$0x1FEC0] =	vst v63  }
0x2a1: {  	_ = 	snop  }
0x2a2: {  	[tilespmem:s30], [sflag:$0x1] =	stream.linear.gather [hbm4b:s31+s7], $0x2710, $0x38;
	[tilespmem:$0x1FEC0] =	vst v63  }
0x2a3: {  	s6 =	rddreg [dreg:$0x7]  }
0x2a4: {  	[tilespmem:s12], [sflag:$0x1] =	stream.linear.gather [hbm4b:s6+s7], $0x2710, $0x38;
	[tilespmem:$0x1FEC0] =	vst v63  }
0x2a5: {  	_ =	swait.ge [sflag:s23], $0x2710  }
0x2a6: {  	[sflag:s23] =	ssyncset.done $0x0  }
0x2a7: {  	[sflag:s23] =	ssyncadd.s32 $0xFFFFD8F0  }
0x2a8: {  	_ =	swait.ge [sflag:s23], $0x2710  }
0x2a9: {  	[sflag:s23] =	ssyncset.done $0x0  }
0x2aa: {  	[sflag:s23] =	ssyncadd.s32 $0xFFFFD8F0  }
0x2ab: {  	_ =	swait.ge [sflag:s23], $0x2710  }
0x2ac: {  	[sflag:s23] =	ssyncset.done $0x0  }
0x2ad: {  	s26 =	smov.u32 s17;
	s17 =	rddreg [dreg:$0x9];
	[sflag:s23] =	ssyncadd.s32 $0xFFFFD8F0  }
0x2ae: {  	[tilespmem:s28], [sflag:$0x2] =	stream.linear.gather [hbm4b:s17+s7], $0x2710, $0x38;
	[tilespmem:$0x1FEC0] =	vst v63  }
0x2af: {  	s21 =	rddreg [dreg:$0xa]  }
0x2b0: {  	[tilespmem:s9], [sflag:$0x2] =	stream.linear.gather [hbm4b:s21+s7], $0x2710, $0x38;
	[tilespmem:$0x1FEC0] =	vst v63  }
0x2b1: {  	s25 =	simm.s32 $0x4F20;
	s24 =	rddreg [dreg:$0xb]  }
0x2b2: {  	[tilespmem:s10], [sflag:$0x2] =	stream.linear.gather [hbm4b:s24+s7], $0x2710, $0x38;
	[tilespmem:$0x1FEC0] =	vst v63  }
0x2b3: {  	s21 =	simm.s32 $0x27A0;
	v3 =	vld [tilespmem:s25+$0x20]  }
0x2b4: {  	v4 =	vld [tilespmem:s21+$0x20]  }
0x2b5: {  	v5 =	vld [tilespmem:s21+$0xFFFFFFE0]  }
0x2b6: {  	v6 =	vld [tilespmem:s21+$0xFFFFFFF0]  }
0x2b7: {  	v7 =	vld [tilespmem:s21+$0x0]  }
0x2b8: {  	v8 =	vld [tilespmem:s21+$0x10]  }
0x2b9: {  	v9 =	vld [tilespmem:s25+$0xFFFFFFF0];
	(erf) = vrcp.f32 v4  }
0x2ba: {  	v12 =	vld [tilespmem:s25+$0xFFFFFFE0];
	(erf) = vrcp.f32 v5  }
0x2bb: {  	s24 =	simm.s32 $0x20;
	v4 =	vld [tilespmem:s25+$0x0];
	(erf) = vrcp.f32 v6  }
0x2bc: {  	v6 =	vld [tilespmem:s24+$0x20];
	(erf) = vrcp.f32 v7  }
0x2bd: {  	v10 =	vld.idx.msk [tilespmem:v3+s19+$0x0], $0xffff;
	(erf) = vrcp.f32 v8  }
0x2be: {  	v11 =	vld [tilespmem:s25+$0x10]  }
0x2bf: {  	v5 =	vld [tilespmem:s24+$0xFFFFFFF0]  }
0x2c0: {  	v3 =	vld [tilespmem:s24+$0xFFFFFFE0]  }
0x2c1: {  	v8 =	vld.idx.msk [tilespmem:v9+s19+$0x0], $0xffff  }
0x2c2: {  	v9 =	vld [tilespmem:s24+$0x0];
	v7 =	vsub.f32 v10, v6;
	v10 =	vpop (erf)  }
0x2c3: {  	v6 =	vld.idx.msk [tilespmem:v4+s19+$0x0], $0xffff;
	v4 =	vpop (erf)  }
0x2c4: {  	v12 =	vld.idx.msk [tilespmem:v12+s19+$0x0], $0xffff;
	v15 =	vmul.f32 v7, v10;
	v13 =	vpop (erf)  }
0x2c5: {  	v7 =	vld [tilespmem:s24+$0x10];
	v14 =	vpop (erf)  }
0x2c6: {  	s2 =	simm.s32 $0x0;
	s6 =	simm.s32 $0x4F70;
	s25 =	simm.s32 $0x20;
	v10 =	vld.idx.msk [tilespmem:v11+s19+$0x0], $0xffff;
	[tilespmem:s24+$0x20] =	vst v15;
	v11 =	vpop (erf)  }
.LBB2_22:
0x2c7: {  	v15 =	vld [tilespmem:s6+$0x20];
	s2 =	sadd.s32 $0x5, s2;
	v5 =	vsub.f32 v8, v5;
	s21 =	sadd.s32 $0x50, s21  }
0x2c8: {  	v8 =	vld [tilespmem:s21+$0x20];
	p1 =	slt.u32 s2, $0x26C;
	v6 =	vsub.f32 v6, v9  }
0x2c9: {  	v9 =	vld [tilespmem:s21+$0xFFFFFFE0];
	v5 =	vmul.f32 v5, v13  }
0x2ca: {  	v13 =	vld [tilespmem:s21+$0xFFFFFFF0];
	v6 =	vmul.f32 v6, v14  }
0x2cb: {  	v14 =	vld [tilespmem:s21+$0x0];
	[tilespmem:s24+$0xFFFFFFF0] =	vst v5;
	v5 =	vsub.f32 v10, v7  }
0x2cc: {  	v3 =	vsub.f32 v12, v3;
	v7 =	vld [tilespmem:s21+$0x10];
	[tilespmem:s24+$0x0] =	vst v6  }
0x2cd: {  	v6 =	vld [tilespmem:s6+$0xFFFFFFF0];
	(erf) = vrcp.f32 v8;
	v5 =	vmul.f32 v5, v11  }
0x2ce: {  	v3 =	vmul.f32 v3, v4;
	v10 =	vld [tilespmem:s6+$0x0];
	(erf) = vrcp.f32 v9  }
0x2cf: {  	s24 =	sadd.s32 $0x50, s24;
	v4 =	vld.idx.msk [tilespmem:v15+s19+$0x0], $0xffff;
	(erf) = vrcp.f32 v13;
	[tilespmem:s25+$0x10] =	vst v5  }
0x2d0: {  	v9 =	vld [tilespmem:s24+$0x20];
	(erf) = vrcp.f32 v14;
	[tilespmem:s25+$0xFFFFFFE0] =	vst v3;
	s25 =	smov.u32 s24  }
0x2d1: {  	v11 =	vld [tilespmem:s6+$0x10];
	(erf) = vrcp.f32 v7  }
0x2d2: {  	v12 =	vld [tilespmem:s6+$0xFFFFFFE0]  }
0x2d3: {  	v3 =	vld [tilespmem:s24+$0xFFFFFFE0]  }
0x2d4: {  	v5 =	vld [tilespmem:s24+$0xFFFFFFF0]  }
0x2d5: {  	v8 =	vld.idx.msk [tilespmem:v6+s19+$0x0], $0xffff;
	v14 =	vsub.f32 v4, v9  }
.Ltmp10:
0x2d6: {  	v6 =	vld.idx.msk [tilespmem:v10+s19+$0x0], $0xffff;
	v7 =	vpop (erf);
	(pc) =	sbr.rel @p1 .LBB2_22-.Ltmp10, $4  }
0x2d7: {  	v9 =	vld [tilespmem:s24+$0x0];
	v15 =	vmul.f32 v14, v7;
	v4 =	vpop (erf)  }
0x2d8: {  	v7 =	vld [tilespmem:s24+$0x10];
	v13 =	vpop (erf)  }
0x2d9: {  	v10 =	vld.idx.msk [tilespmem:v11+s19+$0x0], $0xffff;
	[tilespmem:s24+$0x20] =	vst v15;
	v14 =	vpop (erf)  }
0x2da: {  	s6 =	sadd.s32 $0x50, s6;
	v12 =	vld.idx.msk [tilespmem:v12+s19+$0x0], $0xffff;
	v11 =	vpop (erf)  }
0x2db: {  	_ = 	snop  }
0x2dc: {  	v5 =	vsub.f32 v8, v5  }
0x2dd: {  	v6 =	vsub.f32 v6, v9  }
0x2de: {  	v5 =	vmul.f32 v5, v13;
	v7 =	vsub.f32 v10, v7  }
0x2df: {  	v6 =	vmul.f32 v6, v14;
	v3 =	vsub.f32 v12, v3  }
0x2e0: {  	[tilespmem:s24+$0xFFFFFFF0] =	vst v5;
	v5 =	vmul.f32 v7, v11  }
0x2e1: {  	[tilespmem:s24+$0x0] =	vst v6;
	v3 =	vmul.f32 v3, v4  }
0x2e2: {  	[tilespmem:s25+$0x10] =	vst v5  }
0x2e3: {  	[tilespmem:s25+$0xFFFFFFE0] =	vst v3  }
0x2e4: {  	s2 =	rddreg [dreg:$0xd]  }
0x2e5: {  	[hbm4b:s2+s7] =	stream.linear.scatter [tilespmem:s7], [sflag:$0x3], $0x2710, $0x38;
	[tilespmem:$0x1FEC0] =	vst v63  }
0x2e6: {  	_ =	swait.ge [sflag:s13], $0x2710  }
0x2e7: {  	[sflag:s13] =	ssyncset.done $0x0  }
0x2e8: {  	[sflag:s13] =	ssyncadd.s32 $0xFFFFD8F0  }
0x2e9: {  	_ =	swait.ge [sflag:s13], $0x2710  }
0x2ea: {  	[sflag:s13] =	ssyncset.done $0x0  }
0x2eb: {  	[sflag:s13] =	ssyncadd.s32 $0xFFFFD8F0  }
0x2ec: {  	_ =	swait.ge [sflag:s13], $0x2710  }
0x2ed: {  	[sflag:s13] =	ssyncset.done $0x0  }
0x2ee: {  	[sflag:s13] =	ssyncadd.s32 $0xFFFFD8F0  }
0x2ef: {  	_ =	swait.ge [sflag:s14], $0x2710  }
0x2f0: {  	[sflag:s14] =	ssyncset.done $0x0  }
0x2f1: {  	s17 =	rddreg [dreg:$0xf];
	[sflag:s14] =	ssyncadd.s32 $0xFFFFD8F0  }
0x2f2: {  	[tilespmem:s7], [sflag:$0x1] =	stream.linear.gather [hbm4b:s17+s7], $0x2710, $0x38;
	[tilespmem:$0x1FEC0] =	vst v63  }
0x2f3: {  	s21 =	rddreg [dreg:$0x10]  }
0x2f4: {  	[tilespmem:s30], [sflag:$0x1] =	stream.linear.gather [hbm4b:s21+s7], $0x2710, $0x38;
	[tilespmem:$0x1FEC0] =	vst v63  }
0x2f5: {  	s25 =	simm.s32 $0xC5A0;
	s24 =	rddreg [dreg:$0x11]  }
0x2f6: {  	[tilespmem:s12], [sflag:$0x1] =	stream.linear.gather [hbm4b:s24+s7], $0x2710, $0x38;
	[tilespmem:$0x1FEC0] =	vst v63  }
0x2f7: {  	s21 =	simm.s32 $0x9E20;
	v3 =	vld [tilespmem:s25+$0x20]  }
0x2f8: {  	v4 =	vld [tilespmem:s21+$0x20]  }
0x2f9: {  	v5 =	vld [tilespmem:s21+$0xFFFFFFE0]  }
0x2fa: {  	v6 =	vld [tilespmem:s21+$0xFFFFFFF0]  }
0x2fb: {  	v7 =	vld [tilespmem:s21+$0x0]  }
0x2fc: {  	v8 =	vld [tilespmem:s21+$0x10]  }
0x2fd: {  	v9 =	vld [tilespmem:s25+$0xFFFFFFF0];
	(erf) = vrcp.f32 v4  }
0x2fe: {  	v12 =	vld [tilespmem:s25+$0xFFFFFFE0];
	(erf) = vrcp.f32 v5  }
0x2ff: {  	s24 =	simm.s32 $0x76A0;
	v4 =	vld [tilespmem:s25+$0x0];
	(erf) = vrcp.f32 v6  }
0x300: {  	v6 =	vld [tilespmem:s24+$0x20];
	(erf) = vrcp.f32 v7  }
0x301: {  	v10 =	vld.idx.msk [tilespmem:v3+s19+$0x0], $0xffff;
	(erf) = vrcp.f32 v8  }
0x302: {  	v11 =	vld [tilespmem:s25+$0x10]  }
0x303: {  	v5 =	vld [tilespmem:s24+$0xFFFFFFF0]  }
0x304: {  	v3 =	vld [tilespmem:s24+$0xFFFFFFE0]  }
0x305: {  	v8 =	vld.idx.msk [tilespmem:v9+s19+$0x0], $0xffff  }
0x306: {  	v9 =	vld [tilespmem:s24+$0x0];
	v7 =	vsub.f32 v10, v6;
	v10 =	vpop (erf)  }
0x307: {  	v6 =	vld.idx.msk [tilespmem:v4+s19+$0x0], $0xffff;
	v4 =	vpop (erf)  }
0x308: {  	v12 =	vld.idx.msk [tilespmem:v12+s19+$0x0], $0xffff;
	v15 =	vmul.f32 v7, v10;
	v13 =	vpop (erf)  }
0x309: {  	v7 =	vld [tilespmem:s24+$0x10];
	v14 =	vpop (erf)  }
0x30a: {  	s6 =	simm.s32 $0xC5F0;
	s2 =	simm.s32 $0x0;
	s25 =	simm.s32 $0x76A0;
	v10 =	vld.idx.msk [tilespmem:v11+s19+$0x0], $0xffff;
	[tilespmem:s24+$0x20] =	vst v15;
	v11 =	vpop (erf)  }
.LBB2_24:
0x30b: {  	v15 =	vld [tilespmem:s6+$0x20];
	s2 =	sadd.s32 $0x5, s2;
	v5 =	vsub.f32 v8, v5;
	s21 =	sadd.s32 $0x50, s21  }
0x30c: {  	v8 =	vld [tilespmem:s21+$0x20];
	p1 =	slt.u32 s2, $0x26C;
	v6 =	vsub.f32 v6, v9  }
0x30d: {  	v9 =	vld [tilespmem:s21+$0xFFFFFFE0];
	v5 =	vmul.f32 v5, v13  }
0x30e: {  	v13 =	vld [tilespmem:s21+$0xFFFFFFF0];
	v6 =	vmul.f32 v6, v14  }
0x30f: {  	v14 =	vld [tilespmem:s21+$0x0];
	[tilespmem:s24+$0xFFFFFFF0] =	vst v5;
	v5 =	vsub.f32 v10, v7  }
0x310: {  	v3 =	vsub.f32 v12, v3;
	v7 =	vld [tilespmem:s21+$0x10];
	[tilespmem:s24+$0x0] =	vst v6  }
0x311: {  	v6 =	vld [tilespmem:s6+$0xFFFFFFF0];
	(erf) = vrcp.f32 v8;
	v5 =	vmul.f32 v5, v11  }
0x312: {  	v3 =	vmul.f32 v3, v4;
	v10 =	vld [tilespmem:s6+$0x0];
	(erf) = vrcp.f32 v9  }
0x313: {  	s24 =	sadd.s32 $0x50, s24;
	v4 =	vld.idx.msk [tilespmem:v15+s19+$0x0], $0xffff;
	(erf) = vrcp.f32 v13;
	[tilespmem:s25+$0x10] =	vst v5  }
0x314: {  	v9 =	vld [tilespmem:s24+$0x20];
	(erf) = vrcp.f32 v14;
	[tilespmem:s25+$0xFFFFFFE0] =	vst v3;
	s25 =	smov.u32 s24  }
0x315: {  	v11 =	vld [tilespmem:s6+$0x10];
	(erf) = vrcp.f32 v7  }
0x316: {  	v12 =	vld [tilespmem:s6+$0xFFFFFFE0]  }
0x317: {  	v3 =	vld [tilespmem:s24+$0xFFFFFFE0]  }
0x318: {  	v5 =	vld [tilespmem:s24+$0xFFFFFFF0]  }
0x319: {  	v8 =	vld.idx.msk [tilespmem:v6+s19+$0x0], $0xffff;
	v14 =	vsub.f32 v4, v9  }
.Ltmp11:
0x31a: {  	v6 =	vld.idx.msk [tilespmem:v10+s19+$0x0], $0xffff;
	v7 =	vpop (erf);
	(pc) =	sbr.rel @p1 .LBB2_24-.Ltmp11, $4  }
0x31b: {  	v9 =	vld [tilespmem:s24+$0x0];
	v15 =	vmul.f32 v14, v7;
	v4 =	vpop (erf)  }
0x31c: {  	v7 =	vld [tilespmem:s24+$0x10];
	v13 =	vpop (erf)  }
0x31d: {  	v10 =	vld.idx.msk [tilespmem:v11+s19+$0x0], $0xffff;
	[tilespmem:s24+$0x20] =	vst v15;
	v14 =	vpop (erf)  }
0x31e: {  	s6 =	sadd.s32 $0x50, s6;
	v12 =	vld.idx.msk [tilespmem:v12+s19+$0x0], $0xffff;
	v11 =	vpop (erf)  }
0x31f: {  	_ = 	snop  }
0x320: {  	v5 =	vsub.f32 v8, v5  }
0x321: {  	v6 =	vsub.f32 v6, v9  }
0x322: {  	v5 =	vmul.f32 v5, v13;
	v7 =	vsub.f32 v10, v7  }
0x323: {  	v6 =	vmul.f32 v6, v14;
	v3 =	vsub.f32 v12, v3  }
0x324: {  	[tilespmem:s24+$0xFFFFFFF0] =	vst v5;
	v5 =	vmul.f32 v7, v11  }
0x325: {  	[tilespmem:s24+$0x0] =	vst v6;
	v3 =	vmul.f32 v3, v4  }
0x326: {  	[tilespmem:s25+$0x10] =	vst v5  }
0x327: {  	[tilespmem:s25+$0xFFFFFFE0] =	vst v3  }
0x328: {  	s2 =	rddreg [dreg:$0xe]  }
0x329: {  	[hbm4b:s2+s7] =	stream.linear.scatter [tilespmem:s28], [sflag:$0x4], $0x2710, $0x38;
	[tilespmem:$0x1FEC0] =	vst v63  }
0x32a: {  	_ =	swait.ge [sflag:s23], $0x2710  }
0x32b: {  	[sflag:s23] =	ssyncset.done $0x0  }
0x32c: {  	[sflag:s23] =	ssyncadd.s32 $0xFFFFD8F0  }
0x32d: {  	_ =	swait.ge [sflag:s23], $0x2710  }
0x32e: {  	[sflag:s23] =	ssyncset.done $0x0  }
0x32f: {  	[sflag:s23] =	ssyncadd.s32 $0xFFFFD8F0  }
0x330: {  	_ =	swait.ge [sflag:s23], $0x2710  }
0x331: {  	[sflag:s23] =	ssyncset.done $0x0  }
0x332: {  	[sflag:s23] =	ssyncadd.s32 $0xFFFFD8F0  }
0x333: {  	_ =	swait.ge [sflag:s15], $0x2710  }
0x334: {  	[sflag:s15] =	ssyncset.done $0x0  }
0x335: {  	s17 =	rddreg [dreg:$0x14];
	[sflag:s15] =	ssyncadd.s32 $0xFFFFD8F0  }
0x336: {  	[tilespmem:s28], [sflag:$0x2] =	stream.linear.gather [hbm4b:s17+s7], $0x2710, $0x38;
	[tilespmem:$0x1FEC0] =	vst v63  }
0x337: {  	s21 =	rddreg [dreg:$0x15]  }
0x338: {  	[tilespmem:s9], [sflag:$0x2] =	stream.linear.gather [hbm4b:s21+s7], $0x2710, $0x38;
	[tilespmem:$0x1FEC0] =	vst v63  }
0x339: {  	s25 =	simm.s32 $0x4F20;
	s24 =	rddreg [dreg:$0x16]  }
0x33a: {  	[tilespmem:s10], [sflag:$0x2] =	stream.linear.gather [hbm4b:s24+s7], $0x2710, $0x38;
	[tilespmem:$0x1FEC0] =	vst v63  }
0x33b: {  	s21 =	simm.s32 $0x27A0;
	v3 =	vld [tilespmem:s25+$0x20]  }
0x33c: {  	v4 =	vld [tilespmem:s21+$0x20]  }
0x33d: {  	v5 =	vld [tilespmem:s21+$0xFFFFFFE0]  }
0x33e: {  	v6 =	vld [tilespmem:s21+$0xFFFFFFF0]  }
0x33f: {  	v7 =	vld [tilespmem:s21+$0x0]  }
0x340: {  	v8 =	vld [tilespmem:s21+$0x10]  }
0x341: {  	v9 =	vld [tilespmem:s25+$0xFFFFFFF0];
	(erf) = vrcp.f32 v4  }
0x342: {  	v12 =	vld [tilespmem:s25+$0xFFFFFFE0];
	(erf) = vrcp.f32 v5  }
0x343: {  	s24 =	simm.s32 $0x20;
	v4 =	vld [tilespmem:s25+$0x0];
	(erf) = vrcp.f32 v6  }
0x344: {  	v6 =	vld [tilespmem:s24+$0x20];
	(erf) = vrcp.f32 v7  }
0x345: {  	v10 =	vld.idx.msk [tilespmem:v3+s19+$0x0], $0xffff;
	(erf) = vrcp.f32 v8  }
0x346: {  	v11 =	vld [tilespmem:s25+$0x10]  }
0x347: {  	v5 =	vld [tilespmem:s24+$0xFFFFFFF0]  }
0x348: {  	v3 =	vld [tilespmem:s24+$0xFFFFFFE0]  }
0x349: {  	v8 =	vld.idx.msk [tilespmem:v9+s19+$0x0], $0xffff  }
0x34a: {  	v9 =	vld [tilespmem:s24+$0x0];
	v7 =	vsub.f32 v10, v6;
	v10 =	vpop (erf)  }
0x34b: {  	v6 =	vld.idx.msk [tilespmem:v4+s19+$0x0], $0xffff;
	v4 =	vpop (erf)  }
0x34c: {  	v12 =	vld.idx.msk [tilespmem:v12+s19+$0x0], $0xffff;
	v15 =	vmul.f32 v7, v10;
	v13 =	vpop (erf)  }
0x34d: {  	v7 =	vld [tilespmem:s24+$0x10];
	v14 =	vpop (erf)  }
0x34e: {  	s6 =	simm.s32 $0x4F70;
	s2 =	simm.s32 $0x0;
	s25 =	simm.s32 $0x20;
	v10 =	vld.idx.msk [tilespmem:v11+s19+$0x0], $0xffff;
	[tilespmem:s24+$0x20] =	vst v15;
	v11 =	vpop (erf)  }
.LBB2_26:
0x34f: {  	v15 =	vld [tilespmem:s6+$0x20];
	s2 =	sadd.s32 $0x5, s2;
	v5 =	vsub.f32 v8, v5;
	s21 =	sadd.s32 $0x50, s21  }
0x350: {  	v8 =	vld [tilespmem:s21+$0x20];
	p1 =	slt.u32 s2, $0x26C;
	v6 =	vsub.f32 v6, v9  }
0x351: {  	v9 =	vld [tilespmem:s21+$0xFFFFFFE0];
	v5 =	vmul.f32 v5, v13  }
0x352: {  	v13 =	vld [tilespmem:s21+$0xFFFFFFF0];
	v6 =	vmul.f32 v6, v14  }
0x353: {  	v14 =	vld [tilespmem:s21+$0x0];
	[tilespmem:s24+$0xFFFFFFF0] =	vst v5;
	v5 =	vsub.f32 v10, v7  }
0x354: {  	v3 =	vsub.f32 v12, v3;
	v7 =	vld [tilespmem:s21+$0x10];
	[tilespmem:s24+$0x0] =	vst v6  }
0x355: {  	v6 =	vld [tilespmem:s6+$0xFFFFFFF0];
	(erf) = vrcp.f32 v8;
	v5 =	vmul.f32 v5, v11  }
0x356: {  	v3 =	vmul.f32 v3, v4;
	v10 =	vld [tilespmem:s6+$0x0];
	(erf) = vrcp.f32 v9  }
0x357: {  	s24 =	sadd.s32 $0x50, s24;
	v4 =	vld.idx.msk [tilespmem:v15+s19+$0x0], $0xffff;
	(erf) = vrcp.f32 v13;
	[tilespmem:s25+$0x10] =	vst v5  }
0x358: {  	v9 =	vld [tilespmem:s24+$0x20];
	(erf) = vrcp.f32 v14;
	[tilespmem:s25+$0xFFFFFFE0] =	vst v3;
	s25 =	smov.u32 s24  }
0x359: {  	v11 =	vld [tilespmem:s6+$0x10];
	(erf) = vrcp.f32 v7  }
0x35a: {  	v12 =	vld [tilespmem:s6+$0xFFFFFFE0]  }
0x35b: {  	v3 =	vld [tilespmem:s24+$0xFFFFFFE0]  }
0x35c: {  	v5 =	vld [tilespmem:s24+$0xFFFFFFF0]  }
0x35d: {  	v8 =	vld.idx.msk [tilespmem:v6+s19+$0x0], $0xffff;
	v14 =	vsub.f32 v4, v9  }
.Ltmp12:
0x35e: {  	v6 =	vld.idx.msk [tilespmem:v10+s19+$0x0], $0xffff;
	v7 =	vpop (erf);
	(pc) =	sbr.rel @p1 .LBB2_26-.Ltmp12, $4  }
0x35f: {  	v9 =	vld [tilespmem:s24+$0x0];
	v15 =	vmul.f32 v14, v7;
	v4 =	vpop (erf)  }
0x360: {  	v7 =	vld [tilespmem:s24+$0x10];
	v13 =	vpop (erf)  }
0x361: {  	v10 =	vld.idx.msk [tilespmem:v11+s19+$0x0], $0xffff;
	[tilespmem:s24+$0x20] =	vst v15;
	v14 =	vpop (erf)  }
0x362: {  	s6 =	sadd.s32 $0x50, s6;
	v12 =	vld.idx.msk [tilespmem:v12+s19+$0x0], $0xffff;
	v11 =	vpop (erf)  }
0x363: {  	_ = 	snop  }
0x364: {  	v5 =	vsub.f32 v8, v5  }
0x365: {  	v6 =	vsub.f32 v6, v9  }
0x366: {  	v5 =	vmul.f32 v5, v13;
	v7 =	vsub.f32 v10, v7  }
0x367: {  	v6 =	vmul.f32 v6, v14;
	v3 =	vsub.f32 v12, v3  }
0x368: {  	[tilespmem:s24+$0xFFFFFFF0] =	vst v5;
	v5 =	vmul.f32 v7, v11  }
0x369: {  	[tilespmem:s24+$0x0] =	vst v6;
	v3 =	vmul.f32 v3, v4  }
0x36a: {  	[tilespmem:s25+$0x10] =	vst v5  }
0x36b: {  	[tilespmem:s25+$0xFFFFFFE0] =	vst v3  }
0x36c: {  	s2 =	rddreg [dreg:$0x13]  }
0x36d: {  	[hbm4b:s2+s7] =	stream.linear.scatter [tilespmem:s7], [sflag:$0x3], $0x2710, $0x38;
	[tilespmem:$0x1FEC0] =	vst v63  }
0x36e: {  	_ =	swait.ge [sflag:s13], $0x2710  }
0x36f: {  	[sflag:s13] =	ssyncset.done $0x0  }
0x370: {  	[sflag:s13] =	ssyncadd.s32 $0xFFFFD8F0  }
0x371: {  	_ =	swait.ge [sflag:s13], $0x2710  }
0x372: {  	[sflag:s13] =	ssyncset.done $0x0  }
0x373: {  	[sflag:s13] =	ssyncadd.s32 $0xFFFFD8F0  }
0x374: {  	_ =	swait.ge [sflag:s13], $0x2710  }
0x375: {  	[sflag:s13] =	ssyncset.done $0x0  }
0x376: {  	[sflag:s13] =	ssyncadd.s32 $0xFFFFD8F0  }
0x377: {  	_ =	swait.ge [sflag:s14], $0x2710  }
0x378: {  	[sflag:s14] =	ssyncset.done $0x0  }
0x379: {  	s17 =	rddreg [dreg:$0x1a];
	[sflag:s14] =	ssyncadd.s32 $0xFFFFD8F0  }
0x37a: {  	[tilespmem:s7], [sflag:$0x1] =	stream.linear.gather [hbm4b:s17+s7], $0x2710, $0x38;
	[tilespmem:$0x1FEC0] =	vst v63  }
0x37b: {  	s21 =	rddreg [dreg:$0x1b]  }
0x37c: {  	[tilespmem:s30], [sflag:$0x1] =	stream.linear.gather [hbm4b:s21+s7], $0x2710, $0x38;
	[tilespmem:$0x1FEC0] =	vst v63  }
0x37d: {  	s25 =	simm.s32 $0xC5A0;
	s24 =	rddreg [dreg:$0x1c]  }
0x37e: {  	[tilespmem:s12], [sflag:$0x1] =	stream.linear.gather [hbm4b:s24+s7], $0x2710, $0x38;
	[tilespmem:$0x1FEC0] =	vst v63  }
0x37f: {  	s21 =	simm.s32 $0x9E20;
	v3 =	vld [tilespmem:s25+$0x20]  }
0x380: {  	v4 =	vld [tilespmem:s21+$0x20]  }
0x381: {  	v5 =	vld [tilespmem:s21+$0xFFFFFFE0]  }
0x382: {  	v6 =	vld [tilespmem:s21+$0xFFFFFFF0]  }
0x383: {  	v7 =	vld [tilespmem:s21+$0x0]  }
0x384: {  	v8 =	vld [tilespmem:s21+$0x10]  }
0x385: {  	v9 =	vld [tilespmem:s25+$0xFFFFFFF0];
	(erf) = vrcp.f32 v4  }
0x386: {  	v12 =	vld [tilespmem:s25+$0xFFFFFFE0];
	(erf) = vrcp.f32 v5  }
0x387: {  	s24 =	simm.s32 $0x76A0;
	v4 =	vld [tilespmem:s25+$0x0];
	(erf) = vrcp.f32 v6  }
0x388: {  	v6 =	vld [tilespmem:s24+$0x20];
	(erf) = vrcp.f32 v7  }
0x389: {  	v10 =	vld.idx.msk [tilespmem:v3+s19+$0x0], $0xffff;
	(erf) = vrcp.f32 v8  }
0x38a: {  	v11 =	vld [tilespmem:s25+$0x10]  }
0x38b: {  	v5 =	vld [tilespmem:s24+$0xFFFFFFF0]  }
0x38c: {  	v3 =	vld [tilespmem:s24+$0xFFFFFFE0]  }
0x38d: {  	v8 =	vld.idx.msk [tilespmem:v9+s19+$0x0], $0xffff  }
0x38e: {  	v9 =	vld [tilespmem:s24+$0x0];
	v7 =	vsub.f32 v10, v6;
	v10 =	vpop (erf)  }
0x38f: {  	v6 =	vld.idx.msk [tilespmem:v4+s19+$0x0], $0xffff;
	v4 =	vpop (erf)  }
0x390: {  	v12 =	vld.idx.msk [tilespmem:v12+s19+$0x0], $0xffff;
	v15 =	vmul.f32 v7, v10;
	v13 =	vpop (erf)  }
0x391: {  	v7 =	vld [tilespmem:s24+$0x10];
	v14 =	vpop (erf)  }
0x392: {  	s6 =	simm.s32 $0xC5F0;
	s2 =	simm.s32 $0x0;
	s25 =	simm.s32 $0x76A0;
	v10 =	vld.idx.msk [tilespmem:v11+s19+$0x0], $0xffff;
	[tilespmem:s24+$0x20] =	vst v15;
	v11 =	vpop (erf)  }
.LBB2_28:
0x393: {  	v15 =	vld [tilespmem:s6+$0x20];
	s2 =	sadd.s32 $0x5, s2;
	v5 =	vsub.f32 v8, v5;
	s21 =	sadd.s32 $0x50, s21  }
0x394: {  	v8 =	vld [tilespmem:s21+$0x20];
	p1 =	slt.u32 s2, $0x26C;
	v6 =	vsub.f32 v6, v9  }
0x395: {  	v9 =	vld [tilespmem:s21+$0xFFFFFFE0];
	v5 =	vmul.f32 v5, v13  }
0x396: {  	v13 =	vld [tilespmem:s21+$0xFFFFFFF0];
	v6 =	vmul.f32 v6, v14  }
0x397: {  	v14 =	vld [tilespmem:s21+$0x0];
	[tilespmem:s24+$0xFFFFFFF0] =	vst v5;
	v5 =	vsub.f32 v10, v7  }
0x398: {  	v3 =	vsub.f32 v12, v3;
	v7 =	vld [tilespmem:s21+$0x10];
	[tilespmem:s24+$0x0] =	vst v6  }
0x399: {  	v6 =	vld [tilespmem:s6+$0xFFFFFFF0];
	(erf) = vrcp.f32 v8;
	v5 =	vmul.f32 v5, v11  }
0x39a: {  	v3 =	vmul.f32 v3, v4;
	v10 =	vld [tilespmem:s6+$0x0];
	(erf) = vrcp.f32 v9  }
0x39b: {  	s24 =	sadd.s32 $0x50, s24;
	v4 =	vld.idx.msk [tilespmem:v15+s19+$0x0], $0xffff;
	(erf) = vrcp.f32 v13;
	[tilespmem:s25+$0x10] =	vst v5  }
0x39c: {  	v9 =	vld [tilespmem:s24+$0x20];
	(erf) = vrcp.f32 v14;
	[tilespmem:s25+$0xFFFFFFE0] =	vst v3;
	s25 =	smov.u32 s24  }
0x39d: {  	v11 =	vld [tilespmem:s6+$0x10];
	(erf) = vrcp.f32 v7  }
0x39e: {  	v12 =	vld [tilespmem:s6+$0xFFFFFFE0]  }
0x39f: {  	v3 =	vld [tilespmem:s24+$0xFFFFFFE0]  }
0x3a0: {  	v5 =	vld [tilespmem:s24+$0xFFFFFFF0]  }
0x3a1: {  	v8 =	vld.idx.msk [tilespmem:v6+s19+$0x0], $0xffff;
	v14 =	vsub.f32 v4, v9  }
.Ltmp13:
0x3a2: {  	v6 =	vld.idx.msk [tilespmem:v10+s19+$0x0], $0xffff;
	v7 =	vpop (erf);
	(pc) =	sbr.rel @p1 .LBB2_28-.Ltmp13, $4  }
0x3a3: {  	v9 =	vld [tilespmem:s24+$0x0];
	v15 =	vmul.f32 v14, v7;
	v4 =	vpop (erf)  }
0x3a4: {  	v7 =	vld [tilespmem:s24+$0x10];
	v13 =	vpop (erf)  }
0x3a5: {  	v10 =	vld.idx.msk [tilespmem:v11+s19+$0x0], $0xffff;
	[tilespmem:s24+$0x20] =	vst v15;
	v14 =	vpop (erf)  }
0x3a6: {  	s6 =	sadd.s32 $0x50, s6;
	v12 =	vld.idx.msk [tilespmem:v12+s19+$0x0], $0xffff;
	v11 =	vpop (erf)  }
0x3a7: {  	_ = 	snop  }
0x3a8: {  	v5 =	vsub.f32 v8, v5  }
0x3a9: {  	v6 =	vsub.f32 v6, v9  }
0x3aa: {  	v5 =	vmul.f32 v5, v13;
	v7 =	vsub.f32 v10, v7  }
0x3ab: {  	v6 =	vmul.f32 v6, v14;
	v3 =	vsub.f32 v12, v3  }
0x3ac: {  	[tilespmem:s24+$0xFFFFFFF0] =	vst v5;
	v5 =	vmul.f32 v7, v11  }
0x3ad: {  	[tilespmem:s24+$0x0] =	vst v6;
	v3 =	vmul.f32 v3, v4  }
0x3ae: {  	[tilespmem:s25+$0x10] =	vst v5  }
0x3af: {  	[tilespmem:s25+$0xFFFFFFE0] =	vst v3  }
0x3b0: {  	s2 =	rddreg [dreg:$0x18]  }
0x3b1: {  	[hbm4b:s2+s7] =	stream.linear.scatter [tilespmem:s28], [sflag:$0x4], $0x2710, $0x38;
	[tilespmem:$0x1FEC0] =	vst v63  }
0x3b2: {  	_ =	swait.ge [sflag:s23], $0x2710  }
0x3b3: {  	[sflag:s23] =	ssyncset.done $0x0  }
0x3b4: {  	[sflag:s23] =	ssyncadd.s32 $0xFFFFD8F0  }
0x3b5: {  	_ =	swait.ge [sflag:s23], $0x2710  }
0x3b6: {  	[sflag:s23] =	ssyncset.done $0x0  }
0x3b7: {  	[sflag:s23] =	ssyncadd.s32 $0xFFFFD8F0  }
0x3b8: {  	_ =	swait.ge [sflag:s23], $0x2710  }
0x3b9: {  	[sflag:s23] =	ssyncset.done $0x0  }
0x3ba: {  	s25 =	simm.s32 $0x4F20;
	[sflag:s23] =	ssyncadd.s32 $0xFFFFD8F0  }
0x3bb: {  	s21 =	simm.s32 $0x27A0;
	v3 =	vld [tilespmem:s25+$0x20]  }
0x3bc: {  	v4 =	vld [tilespmem:s21+$0x20]  }
0x3bd: {  	v5 =	vld [tilespmem:s21+$0xFFFFFFE0]  }
0x3be: {  	v6 =	vld [tilespmem:s21+$0xFFFFFFF0]  }
0x3bf: {  	v7 =	vld [tilespmem:s21+$0x0]  }
0x3c0: {  	v8 =	vld [tilespmem:s21+$0x10]  }
0x3c1: {  	v9 =	vld [tilespmem:s25+$0xFFFFFFF0];
	(erf) = vrcp.f32 v4  }
0x3c2: {  	v12 =	vld [tilespmem:s25+$0xFFFFFFE0];
	(erf) = vrcp.f32 v5  }
0x3c3: {  	s24 =	simm.s32 $0x20;
	v4 =	vld [tilespmem:s25+$0x0];
	(erf) = vrcp.f32 v6  }
0x3c4: {  	v6 =	vld [tilespmem:s24+$0x20];
	(erf) = vrcp.f32 v7  }
0x3c5: {  	v10 =	vld.idx.msk [tilespmem:v3+s19+$0x0], $0xffff;
	(erf) = vrcp.f32 v8  }
0x3c6: {  	v11 =	vld [tilespmem:s25+$0x10]  }
0x3c7: {  	v5 =	vld [tilespmem:s24+$0xFFFFFFF0]  }
0x3c8: {  	v3 =	vld [tilespmem:s24+$0xFFFFFFE0]  }
0x3c9: {  	v8 =	vld.idx.msk [tilespmem:v9+s19+$0x0], $0xffff  }
0x3ca: {  	v9 =	vld [tilespmem:s24+$0x0];
	v7 =	vsub.f32 v10, v6;
	v10 =	vpop (erf)  }
0x3cb: {  	v6 =	vld.idx.msk [tilespmem:v4+s19+$0x0], $0xffff;
	v4 =	vpop (erf)  }
0x3cc: {  	v12 =	vld.idx.msk [tilespmem:v12+s19+$0x0], $0xffff;
	v15 =	vmul.f32 v7, v10;
	v13 =	vpop (erf)  }
0x3cd: {  	v7 =	vld [tilespmem:s24+$0x10];
	v14 =	vpop (erf)  }
0x3ce: {  	s6 =	simm.s32 $0x4F70;
	s2 =	simm.s32 $0x0;
	s25 =	simm.s32 $0x20;
	v10 =	vld.idx.msk [tilespmem:v11+s19+$0x0], $0xffff;
	[tilespmem:s24+$0x20] =	vst v15;
	v11 =	vpop (erf)  }
.LBB2_30:
0x3cf: {  	v15 =	vld [tilespmem:s6+$0x20];
	s2 =	sadd.s32 $0x5, s2;
	v5 =	vsub.f32 v8, v5;
	s21 =	sadd.s32 $0x50, s21  }
0x3d0: {  	v8 =	vld [tilespmem:s21+$0x20];
	p1 =	slt.u32 s2, $0x26C;
	v6 =	vsub.f32 v6, v9  }
0x3d1: {  	v9 =	vld [tilespmem:s21+$0xFFFFFFE0];
	v5 =	vmul.f32 v5, v13  }
0x3d2: {  	v13 =	vld [tilespmem:s21+$0xFFFFFFF0];
	v6 =	vmul.f32 v6, v14  }
0x3d3: {  	v14 =	vld [tilespmem:s21+$0x0];
	[tilespmem:s24+$0xFFFFFFF0] =	vst v5;
	v5 =	vsub.f32 v10, v7  }
0x3d4: {  	v3 =	vsub.f32 v12, v3;
	v7 =	vld [tilespmem:s21+$0x10];
	[tilespmem:s24+$0x0] =	vst v6  }
0x3d5: {  	v6 =	vld [tilespmem:s6+$0xFFFFFFF0];
	(erf) = vrcp.f32 v8;
	v5 =	vmul.f32 v5, v11  }
0x3d6: {  	v3 =	vmul.f32 v3, v4;
	v10 =	vld [tilespmem:s6+$0x0];
	(erf) = vrcp.f32 v9  }
0x3d7: {  	s24 =	sadd.s32 $0x50, s24;
	v4 =	vld.idx.msk [tilespmem:v15+s19+$0x0], $0xffff;
	(erf) = vrcp.f32 v13;
	[tilespmem:s25+$0x10] =	vst v5  }
0x3d8: {  	v9 =	vld [tilespmem:s24+$0x20];
	(erf) = vrcp.f32 v14;
	[tilespmem:s25+$0xFFFFFFE0] =	vst v3;
	s25 =	smov.u32 s24  }
0x3d9: {  	v11 =	vld [tilespmem:s6+$0x10];
	(erf) = vrcp.f32 v7  }
0x3da: {  	v12 =	vld [tilespmem:s6+$0xFFFFFFE0]  }
0x3db: {  	v3 =	vld [tilespmem:s24+$0xFFFFFFE0]  }
0x3dc: {  	v5 =	vld [tilespmem:s24+$0xFFFFFFF0]  }
0x3dd: {  	v8 =	vld.idx.msk [tilespmem:v6+s19+$0x0], $0xffff;
	v14 =	vsub.f32 v4, v9  }
.Ltmp14:
0x3de: {  	v6 =	vld.idx.msk [tilespmem:v10+s19+$0x0], $0xffff;
	v7 =	vpop (erf);
	(pc) =	sbr.rel @p1 .LBB2_30-.Ltmp14, $4  }
0x3df: {  	v9 =	vld [tilespmem:s24+$0x0];
	v15 =	vmul.f32 v14, v7;
	v4 =	vpop (erf)  }
0x3e0: {  	v7 =	vld [tilespmem:s24+$0x10];
	v13 =	vpop (erf)  }
0x3e1: {  	v10 =	vld.idx.msk [tilespmem:v11+s19+$0x0], $0xffff;
	[tilespmem:s24+$0x20] =	vst v15;
	v14 =	vpop (erf)  }
0x3e2: {  	s6 =	sadd.s32 $0x50, s6;
	v12 =	vld.idx.msk [tilespmem:v12+s19+$0x0], $0xffff;
	v11 =	vpop (erf)  }
0x3e3: {  	_ = 	snop  }
0x3e4: {  	v5 =	vsub.f32 v8, v5  }
0x3e5: {  	v6 =	vsub.f32 v6, v9  }
0x3e6: {  	v5 =	vmul.f32 v5, v13;
	v7 =	vsub.f32 v10, v7  }
0x3e7: {  	v6 =	vmul.f32 v6, v14;
	v3 =	vsub.f32 v12, v3  }
0x3e8: {  	[tilespmem:s24+$0xFFFFFFF0] =	vst v5;
	v63 =	vmul.f32 v7, v11  }
0x3e9: {  	[tilespmem:s24+$0x0] =	vst v6;
	v3 =	vmul.f32 v3, v4  }
0x3ea: {  	[tilespmem:s25+$0x10] =	vst v63  }
0x3eb: {  	[tilespmem:s25+$0xFFFFFFE0] =	vst v3  }
0x3ec: {  	s2 =	rddreg [dreg:$0x19]  }
0x3ed: {  	[hbm4b:s2+s7] =	stream.linear.scatter [tilespmem:s7], [sflag:$0x3], $0x2710, $0x38;
	[tilespmem:$0x1FEC0] =	vst v63  }
0x3ee: {  	_ =	swait.ge [sflag:s15], $0x2710  }
0x3ef: {  	[sflag:s15] =	ssyncset.done $0x0  }
0x3f0: {  	[sflag:s15] =	ssyncadd.s32 $0xFFFFD8F0  }
0x3f1: {  	_ =	swait.ge [sflag:s14], $0x2710  }
0x3f2: {  	s25 =	sld [smem:$0x7FC];
	_ =	sdelay $0x1  }
0x3f3: {  	s20 =	sadd.s32 $0x1, s20  }
0x3f4: {  	p1 =	sne.s32 s20, s25  }
.Ltmp15:
0x3f5: {  	_ = 	snop;
	(pc) =	sbr.rel @p1 .LBB2_1-.Ltmp15, $3  }
0x3f6: {  	_ =	sdelay $0x1  }
0x3f7: {  	[sflag:s14] =	ssyncset.done $0x0  }
0x3f8: {  	[sflag:s14] =	ssyncadd.s32 $0xFFFFD8F0  }
0x3f9: {  	_ =	sfence.sel $0x180000  }
0x3fa: {  	[bflag:$0x0] =	sbarrier.arrive $0xFFFF  }
0x3fb: {  	_ =	strace $0x90000047  }
0x3fc: {  	[bflag:$0x2] =	sbarrier.arrive $0xFFFF  }
0x3fd: {  	s0 =	rddreg [dreg:$0x6]  }
0x3fe: {  	s0 =	sadd.s32 @!p0 $0x100000, s0  }
0x3ff: {  	[sflag:s0] =	ssyncadd.tile.s32 @!p0 $0x1;
	_ =	shalt  }
.Lfunc_end2:
_tile_overlayer_lowered:
.L_overlay_start_2:
0x400: {  	(tag) =	ssettag $0x2  }
0x401: {  	s0 =	rddreg [dreg:$0x0];
	s2 =	stileid.u32  }
0x402: {  	s1 =	rddreg [dreg:$0x1];
	p0 =	sne.s32 s2, $0x0  }
0x403: {  	s3 =	rddreg [dreg:$0x2];
	[bflag:$0x3] =	sbarrier.arrive $0xFFFF;
	s2 =	simm.s32 @!p0 $0x1C05  }
0x404: {  	[timem:s3], [sflag:s2] =	dma.local @!p0 [hbm:s0], s1  }
0x405: {  	s0 =	simm.s32 @!p0 $0x5  }
0x406: {  	_ =	swait.ge @!p0 [sflag:s0], s1  }
0x407: {  	s1 =	ssub.s32 @!p0 $0x0, s1;
	[sflag:s0] =	ssyncset.done @!p0 $0x0  }
0x408: {  	[sflag:s0] =	ssyncadd.s32 @!p0 s1  }
0x409: {  	[bflag:$0x3] =	sbarrier.arrive $0xFFFF  }
0x40a: {  	_ =	shalt  }

</sc_bundles>
